<compile_context>
chip_gen: v7x
topology: tpu7x:2x2x1
jax: 0.10.2.dev20260603
libtpu: 0.0.44.dev20260713+nightly
codegen_flags: <defaults>
</compile_context>

<pallas_src>
import jax
import jax.numpy as jnp
from jax.experimental import pallas as pl
from functools import partial

K2 = 64
K1 = 2048
NS = 128
DP = 128

_NEG_INF = float("-inf")


def _leaky(x):
    return jnp.where(x >= 0, x, 0.2 * x)


def _propagate_block(h_src, h_dst_rows, dst_ids, valid, needed, a_s, a_d):
    M = dst_ids == needed
    Mf = M.astype(jnp.float32)
    a_src = jnp.sum(h_src * a_s, axis=1, keepdims=True)
    dterm_s = jnp.sum(h_dst_rows * a_d, axis=1)
    dterm_e = jnp.max(jnp.where(M, dterm_s[None, :], _NEG_INF),
                      axis=1, keepdims=True)
    alpha = _leaky(a_src + dterm_e)
    amax_s = jnp.max(jnp.where(M & valid, alpha, _NEG_INF), axis=0)
    amax_s = jnp.where(jnp.isfinite(amax_s), amax_s, 0.0)
    amax_e = jnp.max(jnp.where(M, amax_s[None, :], _NEG_INF),
                     axis=1, keepdims=True)
    ex = jnp.where(valid & jnp.isfinite(amax_e),
                   jnp.exp(alpha - amax_e), 0.0)
    denom_s = jnp.sum(Mf * ex, axis=0)
    den_e = jnp.max(jnp.where(M, denom_s[None, :], _NEG_INF),
                    axis=1, keepdims=True)
    attn = jnp.where(valid, ex / (den_e + 1e-16), 0.0)
    out = jnp.dot((Mf * attn).T, h_src,
                  preferred_element_type=jnp.float32)
    return jnp.maximum(out, 0.0)


def _att2_block(h_src_rows, h_dst0, valid2, a_s, a_d):
    al = jnp.sum(h_src_rows * a_s, axis=1, keepdims=True) \
        + jnp.sum(h_dst0 * a_d)
    al = _leaky(al)
    m = jnp.max(jnp.where(valid2, al, _NEG_INF))
    m = jnp.where(jnp.isfinite(m), m, 0.0)
    ex = jnp.where(valid2, jnp.exp(al - m), 0.0)
    s = jnp.sum(ex)
    attn = ex / (s + 1e-16)
    out = jnp.sum(attn * h_src_rows, axis=0)
    return jnp.maximum(out, 0.0)


def _han_kernel(xps, xas, xad, xpd, dstp, dsta, vp, va, an, pn, v2a, v2p,
                wa1, ba1, wp1, bp1, asap1, adap1, aspa1, adpa1,
                wa2, ba2, wp2, bp2, asap2, adap2, aspa2, adpa2,
                out_ref):
    f32 = jnp.float32
    hp1s = jnp.dot(xps[...], wp1[...], preferred_element_type=f32) + bp1[...]
    ha1s = jnp.dot(xas[...], wa1[...], preferred_element_type=f32) + ba1[...]
    ha1d = jnp.dot(xad[...], wa1[...], preferred_element_type=f32) + ba1[...]
    hp1d = jnp.dot(xpd[...], wp1[...], preferred_element_type=f32) + bp1[...]

    vp_b = vp[...] != 0
    va_b = va[...] != 0

    oa_rows = _propagate_block(hp1s, ha1d, dstp[...], vp_b, an[...],
                               aspa1[...], adpa1[...])
    op_rows = _propagate_block(ha1s, hp1d, dsta[...], va_b, pn[...],
                               asap1[...], adap1[...])

    ha2 = jnp.dot(oa_rows, wa2[...], preferred_element_type=f32) + ba2[...]
    hp2 = jnp.dot(op_rows, wp2[...], preferred_element_type=f32) + bp2[...]

    v2a_b = v2a[...] != 0
    v2p_b = v2p[...] != 0
    op2_0 = _att2_block(ha2[1:1 + K2, :], hp2[0:1, :], v2a_b,
                        asap2[...], adap2[...])
    oa2_0 = _att2_block(hp2[1:1 + K2, :], ha2[0:1, :], v2p_b,
                        aspa2[...], adpa2[...])
    out_ref[0, :] = (oa2_0 + op2_0) * 0.5


def _pad_cols(w, width):
    return jnp.zeros(w.shape[:-1] + (width,), jnp.float32).at[..., :w.shape[-1]].set(w)


@jax.jit
def kernel(x_author, x_paper, edge_index_ap, edge_index_pa,
           W_a1, b_a1, W_p1, b_p1, as_ap1, ad_ap1, as_pa1, ad_pa1,
           q1, Wk1, bk1,
           W_a2, b_a2, W_p2, b_p2, as_ap2, ad_ap2, as_pa2, ad_pa2,
           q2, Wk2, bk2):
    n_a = x_author.shape[0]
    n_p = x_paper.shape[0]
    E = edge_index_ap.shape[1]
    src_ap, dst_ap = edge_index_ap[0], edge_index_ap[1]
    src_pa, dst_pa = edge_index_pa[0], edge_index_pa[1]

    (eA,) = jnp.nonzero(dst_ap == 0, size=K2, fill_value=E)
    (eP,) = jnp.nonzero(dst_pa == 0, size=K2, fill_value=E)
    vA = eA < E
    vP = eP < E
    eAc = jnp.minimum(eA, E - 1)
    ePc = jnp.minimum(eP, E - 1)
    A2 = jnp.where(vA, src_ap[eAc], n_a)
    P2 = jnp.where(vP, src_pa[ePc], n_p)

    pad_a = jnp.full((NS - K2 - 1,), n_a, jnp.int32)
    pad_p = jnp.full((NS - K2 - 1,), n_p, jnp.int32)
    authors_needed = jnp.concatenate(
        [jnp.zeros((1,), jnp.int32), A2.astype(jnp.int32), pad_a])
    papers_needed = jnp.concatenate(
        [jnp.zeros((1,), jnp.int32), P2.astype(jnp.int32), pad_p])

    tblA = jnp.zeros((n_a + 1,), jnp.bool_).at[
        jnp.minimum(authors_needed, n_a)].set(True)
    tblP = jnp.zeros((n_p + 1,), jnp.bool_).at[
        jnp.minimum(papers_needed, n_p)].set(True)
    maskP = tblA[dst_pa]
    maskA = tblP[dst_ap]
    (e1P,) = jnp.nonzero(maskP, size=K1, fill_value=E)
    (e1A,) = jnp.nonzero(maskA, size=K1, fill_value=E)
    v1P = e1P < E
    v1A = e1A < E
    e1Pc = jnp.minimum(e1P, E - 1)
    e1Ac = jnp.minimum(e1A, E - 1)
    dstP_sel = jnp.where(v1P, dst_pa[e1Pc], n_a).astype(jnp.int32)
    dstA_sel = jnp.where(v1A, dst_ap[e1Ac], n_p).astype(jnp.int32)

    XPsrc1 = x_paper[jnp.where(v1P, src_pa[e1Pc], 0)]
    XAsrc1 = x_author[jnp.where(v1A, src_ap[e1Ac], 0)]
    XAdst1 = x_author[jnp.minimum(authors_needed, n_a - 1)]
    XPdst1 = x_paper[jnp.minimum(papers_needed, n_p - 1)]

    W_a2p = _pad_cols(W_a2, DP)
    W_p2p = _pad_cols(W_p2, DP)
    b_a2p = _pad_cols(b_a2.reshape(1, -1), DP)
    b_p2p = _pad_cols(b_p2.reshape(1, -1), DP)
    as_ap2p = _pad_cols(as_ap2.reshape(1, -1), DP)
    ad_ap2p = _pad_cols(ad_ap2.reshape(1, -1), DP)
    as_pa2p = _pad_cols(as_pa2.reshape(1, -1), DP)
    ad_pa2p = _pad_cols(ad_pa2.reshape(1, -1), DP)

    out = pl.pallas_call(
        _han_kernel,
        out_shape=jax.ShapeDtypeStruct((1, DP), jnp.float32),
    )(
        XPsrc1, XAsrc1, XAdst1, XPdst1,
        dstP_sel[:, None], dstA_sel[:, None],
        v1P[:, None].astype(jnp.int32), v1A[:, None].astype(jnp.int32),
        authors_needed[None, :], papers_needed[None, :],
        vA[:, None].astype(jnp.int32), vP[:, None].astype(jnp.int32),
        W_a1, b_a1.reshape(1, -1), W_p1, b_p1.reshape(1, -1),
        as_ap1.reshape(1, -1), ad_ap1.reshape(1, -1),
        as_pa1.reshape(1, -1), ad_pa1.reshape(1, -1),
        W_a2p, b_a2p, W_p2p, b_p2p,
        as_ap2p, ad_ap2p, as_pa2p, ad_pa2p,
    )
    return out[:, :10]

# --- scband reference (transcript-rebuilt; emitter-appended) ---
"""Pipeline reference for scband-hanmodel-54666343743542 (READ-ONLY COPY).

The authoritative reference and input builder live on the scoring server;
editing this copy changes nothing except your own understanding.
"""

import jax, jax.numpy as jnp
import numpy as np

N = 10000
E = 160000
D_IN = 256
D_HID = 256
D_OUT = 10


def setup_inputs(seed: int = 0):
    key = jax.random.key(seed)
    ks = jax.random.split(key, 30)
    f = lambda k, s: jax.random.normal(k, s, dtype=jnp.float32) * 0.05
    inp = {}
    inp["x_author"] = jax.random.normal(ks[0], (N, D_IN), dtype=jnp.float32)
    inp["x_paper"] = jax.random.normal(ks[1], (N, D_IN), dtype=jnp.float32)
    inp["edge_index_ap"] = jax.random.randint(ks[2], (2, E), 0, N, dtype=jnp.int32)
    inp["edge_index_pa"] = jax.random.randint(ks[3], (2, E), 0, N, dtype=jnp.int32)
    inp["W_a1"] = f(ks[4], (D_IN, D_HID)); inp["b_a1"] = jnp.zeros((D_HID,), jnp.float32)
    inp["W_p1"] = f(ks[5], (D_IN, D_HID)); inp["b_p1"] = jnp.zeros((D_HID,), jnp.float32)
    inp["as_ap1"] = f(ks[6], (D_HID,)); inp["ad_ap1"] = f(ks[7], (D_HID,))
    inp["as_pa1"] = f(ks[8], (D_HID,)); inp["ad_pa1"] = f(ks[9], (D_HID,))
    inp["q1"] = f(ks[10], (D_HID,)); inp["Wk1"] = f(ks[11], (D_HID, D_HID)); inp["bk1"] = jnp.zeros((D_HID,), jnp.float32)
    inp["W_a2"] = f(ks[12], (D_HID, D_OUT)); inp["b_a2"] = jnp.zeros((D_OUT,), jnp.float32)
    inp["W_p2"] = f(ks[13], (D_HID, D_OUT)); inp["b_p2"] = jnp.zeros((D_OUT,), jnp.float32)
    inp["as_ap2"] = f(ks[14], (D_OUT,)); inp["ad_ap2"] = f(ks[15], (D_OUT,))
    inp["as_pa2"] = f(ks[16], (D_OUT,)); inp["ad_pa2"] = f(ks[17], (D_OUT,))
    inp["q2"] = f(ks[18], (D_OUT,)); inp["Wk2"] = f(ks[19], (D_OUT, D_OUT)); inp["bk2"] = jnp.zeros((D_OUT,), jnp.float32)
    return inp


def _segment_softmax(alpha, dst, num_nodes):
    amax = jax.ops.segment_max(alpha, dst, num_segments=num_nodes)
    amax = jnp.where(jnp.isfinite(amax), amax, 0.0)
    ex = jnp.exp(alpha - amax[dst])
    s = jax.ops.segment_sum(ex, dst, num_segments=num_nodes)
    return ex / (s[dst] + 1e-16)


def _propagate(h_src, h_dst, ei, a_src, a_dst):
    src, dst = ei[0], ei[1]
    n_dst = h_dst.shape[0]
    alpha = (h_src * a_src).sum(-1)[src] + (h_dst * a_dst).sum(-1)[dst]
    alpha = jax.nn.leaky_relu(alpha, 0.2)
    alpha = _segment_softmax(alpha, dst, n_dst)
    msg = h_src[src] * alpha[:, None]
    out = jax.ops.segment_sum(msg, dst, num_segments=n_dst)
    return jax.nn.relu(out)


def _group(xs, q, Wk, bk):
    out = jnp.stack(xs)
    score = (q * jnp.tanh(out @ Wk + bk).mean(1)).sum(-1)
    attn = jax.nn.softmax(score, axis=0)
    return jnp.sum(attn[:, None, None] * out, axis=0)


def _han_layer(xa, xp, ei_ap, ei_pa, Wa, ba, Wp, bp, as_ap, ad_ap, as_pa, ad_pa, q, Wk, bk):
    ha = xa @ Wa + ba
    hp = xp @ Wp + bp
    out_paper = _propagate(ha, hp, ei_ap, as_ap, ad_ap)
    out_author = _propagate(hp, ha, ei_pa, as_pa, ad_pa)
    oa = _group([out_author], q, Wk, bk)
    op = _group([out_paper], q, Wk, bk)
    return oa, op


def _forward(x_author, x_paper, W_a1, b_a1, W_p1, b_p1, as_ap1, ad_ap1, as_pa1, ad_pa1, q1, Wk1, bk1, W_a2, b_a2, W_p2, b_p2, as_ap2, ad_ap2, as_pa2, ad_pa2, q2, Wk2, bk2, edge_index_ap, edge_index_pa):
    oa, op = _han_layer(x_author, x_paper, edge_index_ap, edge_index_pa, W_a1, b_a1, W_p1, b_p1, as_ap1, ad_ap1, as_pa1, ad_pa1, q1, Wk1, bk1)
    oa2, op2 = _han_layer(oa, op, edge_index_ap, edge_index_pa, W_a2, b_a2, W_p2, b_p2, as_ap2, ad_ap2, as_pa2, ad_pa2, q2, Wk2, bk2)
    s = oa2[0:1, :] + op2[0:1, :]
    return s / 2.0


def reference(x_author, x_paper, edge_index_ap, edge_index_pa, W_a1, b_a1, W_p1, b_p1, as_ap1, ad_ap1, as_pa1, ad_pa1, q1, Wk1, bk1, W_a2, b_a2, W_p2, b_p2, as_ap2, ad_ap2, as_pa2, ad_pa2, q2, Wk2, bk2):
    return _forward(x_author, x_paper, W_a1, b_a1, W_p1, b_p1, as_ap1, ad_ap1, as_pa1, ad_pa1, q1, Wk1, bk1, W_a2, b_a2, W_p2, b_p2, as_ap2, ad_ap2, as_pa2, ad_pa2, q2, Wk2, bk2, edge_index_ap, edge_index_pa)

if __name__ == "__main__":
    import jax
    _d = setup_inputs()
    print(jax.jit(kernel)(*tuple(_d.values())))

</pallas_src>

<mosaic_0001>
module attributes {stable_mosaic.version = 14 : i64} {
  func.func @_han_kernel(%arg0: memref<2048x256xf32, #tpu.memory_space<vmem>>, %arg1: memref<2048x256xf32, #tpu.memory_space<vmem>>, %arg2: memref<128x256xf32, #tpu.memory_space<vmem>>, %arg3: memref<128x256xf32, #tpu.memory_space<vmem>>, %arg4: memref<2048x1xi32, #tpu.memory_space<vmem>>, %arg5: memref<2048x1xi32, #tpu.memory_space<vmem>>, %arg6: memref<2048x1xi32, #tpu.memory_space<vmem>>, %arg7: memref<2048x1xi32, #tpu.memory_space<vmem>>, %arg8: memref<1x128xi32, #tpu.memory_space<vmem>>, %arg9: memref<1x128xi32, #tpu.memory_space<vmem>>, %arg10: memref<64x1xi32, #tpu.memory_space<vmem>>, %arg11: memref<64x1xi32, #tpu.memory_space<vmem>>, %arg12: memref<256x256xf32, #tpu.memory_space<vmem>>, %arg13: memref<1x256xf32, #tpu.memory_space<vmem>>, %arg14: memref<256x256xf32, #tpu.memory_space<vmem>>, %arg15: memref<1x256xf32, #tpu.memory_space<vmem>>, %arg16: memref<1x256xf32, #tpu.memory_space<vmem>>, %arg17: memref<1x256xf32, #tpu.memory_space<vmem>>, %arg18: memref<1x256xf32, #tpu.memory_space<vmem>>, %arg19: memref<1x256xf32, #tpu.memory_space<vmem>>, %arg20: memref<256x128xf32, #tpu.memory_space<vmem>>, %arg21: memref<1x128xf32, #tpu.memory_space<vmem>>, %arg22: memref<256x128xf32, #tpu.memory_space<vmem>>, %arg23: memref<1x128xf32, #tpu.memory_space<vmem>>, %arg24: memref<1x128xf32, #tpu.memory_space<vmem>>, %arg25: memref<1x128xf32, #tpu.memory_space<vmem>>, %arg26: memref<1x128xf32, #tpu.memory_space<vmem>>, %arg27: memref<1x128xf32, #tpu.memory_space<vmem>>, %arg28: memref<1x128xf32, #tpu.memory_space<vmem>>) attributes {dimension_semantics = [], scalar_prefetch = 0 : i64, scratch_operands = 0 : i64, tpu.core_type = #tpu.core_type<tc>} {
    %get3A = arith.constant 0 : index
    %get3A_0 = arith.constant 0 : index
    %get3A_1 = vector.load %arg0[%get3A, %get3A_0] : memref<2048x256xf32, #tpu.memory_space<vmem>>, vector<2048x256xf32>
    %get3A_2 = arith.constant 0 : index
    %get3A_3 = arith.constant 0 : index
    %get3A_4 = vector.load %arg14[%get3A_2, %get3A_3] : memref<256x256xf32, #tpu.memory_space<vmem>>, vector<256x256xf32>
    %dot_general3A = arith.constant dense<0.000000e+00> : vector<2048x256xf32>
    %dot_general3A_5 = tpu.matmul %get3A_1, %get3A_4, %dot_general3A {dimension_numbers = #tpu.dot_dimension_numbers<[1], [0], [0], [1], [0, 0, 1, 1], [], []>, transpose_lhs_hint = false} : vector<2048x256xf32>, vector<256x256xf32>, vector<2048x256xf32> -> vector<2048x256xf32>
    %get3A_6 = arith.constant 0 : index
    %get3A_7 = arith.constant 0 : index
    %get3A_8 = vector.load %arg15[%get3A_6, %get3A_7] : memref<1x256xf32, #tpu.memory_space<vmem>>, vector<1x256xf32>
    %add3A = vector.broadcast %get3A_8 : vector<1x256xf32> to vector<2048x256xf32>
    %add3A_9 = arith.addf %dot_general3A_5, %add3A : vector<2048x256xf32>
    %get3A_10 = arith.constant 0 : index
    %get3A_11 = arith.constant 0 : index
    %get3A_12 = vector.load %arg1[%get3A_10, %get3A_11] : memref<2048x256xf32, #tpu.memory_space<vmem>>, vector<2048x256xf32>
    %get3A_13 = arith.constant 0 : index
    %get3A_14 = arith.constant 0 : index
    %get3A_15 = vector.load %arg12[%get3A_13, %get3A_14] : memref<256x256xf32, #tpu.memory_space<vmem>>, vector<256x256xf32>
    %dot_general3A_16 = arith.constant dense<0.000000e+00> : vector<2048x256xf32>
    %dot_general3A_17 = tpu.matmul %get3A_12, %get3A_15, %dot_general3A_16 {dimension_numbers = #tpu.dot_dimension_numbers<[1], [0], [0], [1], [0, 0, 1, 1], [], []>, transpose_lhs_hint = false} : vector<2048x256xf32>, vector<256x256xf32>, vector<2048x256xf32> -> vector<2048x256xf32>
    %get3A_18 = arith.constant 0 : index
    %get3A_19 = arith.constant 0 : index
    %get3A_20 = vector.load %arg13[%get3A_18, %get3A_19] : memref<1x256xf32, #tpu.memory_space<vmem>>, vector<1x256xf32>
    %add3A_21 = vector.broadcast %get3A_20 : vector<1x256xf32> to vector<2048x256xf32>
    %add3A_22 = arith.addf %dot_general3A_17, %add3A_21 : vector<2048x256xf32>
    %get3A_23 = arith.constant 0 : index
    %get3A_24 = arith.constant 0 : index
    %get3A_25 = vector.load %arg2[%get3A_23, %get3A_24] : memref<128x256xf32, #tpu.memory_space<vmem>>, vector<128x256xf32>
    %get3A_26 = arith.constant 0 : index
    %get3A_27 = arith.constant 0 : index
    %get3A_28 = vector.load %arg12[%get3A_26, %get3A_27] : memref<256x256xf32, #tpu.memory_space<vmem>>, vector<256x256xf32>
    %dot_general3A_29 = arith.constant dense<0.000000e+00> : vector<128x256xf32>
    %dot_general3A_30 = tpu.matmul %get3A_25, %get3A_28, %dot_general3A_29 {dimension_numbers = #tpu.dot_dimension_numbers<[1], [0], [0], [1], [0, 0, 1, 1], [], []>, transpose_lhs_hint = false} : vector<128x256xf32>, vector<256x256xf32>, vector<128x256xf32> -> vector<128x256xf32>
    %get3A_31 = arith.constant 0 : index
    %get3A_32 = arith.constant 0 : index
    %get3A_33 = vector.load %arg13[%get3A_31, %get3A_32] : memref<1x256xf32, #tpu.memory_space<vmem>>, vector<1x256xf32>
    %add3A_34 = vector.broadcast %get3A_33 : vector<1x256xf32> to vector<128x256xf32>
    %add3A_35 = arith.addf %dot_general3A_30, %add3A_34 : vector<128x256xf32>
    %get3A_36 = arith.constant 0 : index
    %get3A_37 = arith.constant 0 : index
    %get3A_38 = vector.load %arg3[%get3A_36, %get3A_37] : memref<128x256xf32, #tpu.memory_space<vmem>>, vector<128x256xf32>
    %get3A_39 = arith.constant 0 : index
    %get3A_40 = arith.constant 0 : index
    %get3A_41 = vector.load %arg14[%get3A_39, %get3A_40] : memref<256x256xf32, #tpu.memory_space<vmem>>, vector<256x256xf32>
    %dot_general3A_42 = arith.constant dense<0.000000e+00> : vector<128x256xf32>
    %dot_general3A_43 = tpu.matmul %get3A_38, %get3A_41, %dot_general3A_42 {dimension_numbers = #tpu.dot_dimension_numbers<[1], [0], [0], [1], [0, 0, 1, 1], [], []>, transpose_lhs_hint = false} : vector<128x256xf32>, vector<256x256xf32>, vector<128x256xf32> -> vector<128x256xf32>
    %get3A_44 = arith.constant 0 : index
    %get3A_45 = arith.constant 0 : index
    %get3A_46 = vector.load %arg15[%get3A_44, %get3A_45] : memref<1x256xf32, #tpu.memory_space<vmem>>, vector<1x256xf32>
    %add3A_47 = vector.broadcast %get3A_46 : vector<1x256xf32> to vector<128x256xf32>
    %add3A_48 = arith.addf %dot_general3A_43, %add3A_47 : vector<128x256xf32>
    %get3A_49 = arith.constant 0 : index
    %get3A_50 = arith.constant 0 : index
    %get3A_51 = vector.load %arg6[%get3A_49, %get3A_50] : memref<2048x1xi32, #tpu.memory_space<vmem>>, vector<2048x1xi32>
    %ne3A = arith.constant 0 : i32
    %ne3A_52 = vector.broadcast %ne3A : i32 to vector<2048x1xi32>
    %ne3A_53 = arith.cmpi ne, %get3A_51, %ne3A_52 : vector<2048x1xi32>
    %get3A_54 = arith.constant 0 : index
    %get3A_55 = arith.constant 0 : index
    %get3A_56 = vector.load %arg7[%get3A_54, %get3A_55] : memref<2048x1xi32, #tpu.memory_space<vmem>>, vector<2048x1xi32>
    %ne3A_57 = arith.constant 0 : i32
    %ne3A_58 = vector.broadcast %ne3A_57 : i32 to vector<2048x1xi32>
    %ne3A_59 = arith.cmpi ne, %get3A_56, %ne3A_58 : vector<2048x1xi32>
    %get3A_60 = arith.constant 0 : index
    %get3A_61 = arith.constant 0 : index
    %get3A_62 = vector.load %arg4[%get3A_60, %get3A_61] : memref<2048x1xi32, #tpu.memory_space<vmem>>, vector<2048x1xi32>
    %get3A_63 = arith.constant 0 : index
    %get3A_64 = arith.constant 0 : index
    %get3A_65 = vector.load %arg8[%get3A_63, %get3A_64] : memref<1x128xi32, #tpu.memory_space<vmem>>, vector<1x128xi32>
    %get3A_66 = arith.constant 0 : index
    %get3A_67 = arith.constant 0 : index
    %get3A_68 = vector.load %arg18[%get3A_66, %get3A_67] : memref<1x256xf32, #tpu.memory_space<vmem>>, vector<1x256xf32>
    %get3A_69 = arith.constant 0 : index
    %get3A_70 = arith.constant 0 : index
    %get3A_71 = vector.load %arg19[%get3A_69, %get3A_70] : memref<1x256xf32, #tpu.memory_space<vmem>>, vector<1x256xf32>
    %eq3A = vector.broadcast %get3A_62 : vector<2048x1xi32> to vector<2048x128xi32>
    %eq3A_72 = vector.broadcast %get3A_65 : vector<1x128xi32> to vector<2048x128xi32>
    %eq3A_73 = arith.cmpi eq, %eq3A, %eq3A_72 : vector<2048x128xi32>
    %convert_element_type3A = arith.extui %eq3A_73 : vector<2048x128xi1> to vector<2048x128xi32>
    %convert_element_type3A_74 = arith.sitofp %convert_element_type3A : vector<2048x128xi32> to vector<2048x128xf32>
    %mul3A = vector.broadcast %get3A_68 : vector<1x256xf32> to vector<2048x256xf32>
    %mul3A_75 = arith.mulf %add3A_9, %mul3A : vector<2048x256xf32>
    %reduce_sum3A = arith.constant dense<0.000000e+00> : vector<2048xf32>
    %reduce_sum3A_76 = vector.multi_reduction <add>, %mul3A_75, %reduce_sum3A [1] : vector<2048x256xf32> to vector<2048xf32>
    %broadcast_in_dim3A = vector.shape_cast %reduce_sum3A_76 : vector<2048xf32> to vector<2048x1xf32>
    %mul3A_77 = vector.broadcast %get3A_71 : vector<1x256xf32> to vector<128x256xf32>
    %mul3A_78 = arith.mulf %add3A_35, %mul3A_77 : vector<128x256xf32>
    %reduce_sum3A_79 = arith.constant dense<0.000000e+00> : vector<128xf32>
    %reduce_sum3A_80 = vector.multi_reduction <add>, %mul3A_78, %reduce_sum3A_79 [1] : vector<128x256xf32> to vector<128xf32>
    %broadcast_in_dim3A_81 = vector.shape_cast %reduce_sum3A_80 : vector<128xf32> to vector<1x128xf32>
    %jit3A = arith.constant 0xFF800000 : f32
    %broadcast_in_dim3A_82 = vector.shape_cast %broadcast_in_dim3A_81 : vector<1x128xf32> to vector<1x128xf32>
    %broadcast_in_dim3A_83 = vector.broadcast %broadcast_in_dim3A_82 : vector<1x128xf32> to vector<2048x128xf32>
    %broadcast_in_dim3A_84 = vector.broadcast %jit3A : f32 to vector<2048x128xf32>
    %select_n3A = arith.select %eq3A_73, %broadcast_in_dim3A_83, %broadcast_in_dim3A_84 : vector<2048x128xi1>, vector<2048x128xf32>
    %reduce_max3A = arith.constant dense<0xFF800000> : vector<2048xf32>
    %reduce_max3A_85 = vector.multi_reduction <maximumf>, %select_n3A, %reduce_max3A [1] : vector<2048x128xf32> to vector<2048xf32>
    %broadcast_in_dim3A_86 = vector.shape_cast %reduce_max3A_85 : vector<2048xf32> to vector<2048x1xf32>
    %add3A_87 = arith.addf %broadcast_in_dim3A, %broadcast_in_dim3A_86 : vector<2048x1xf32>
    %ge3A = arith.constant 0.000000e+00 : f32
    %ge3A_88 = vector.broadcast %ge3A : f32 to vector<2048x1xf32>
    %ge3A_89 = arith.cmpf oge, %add3A_87, %ge3A_88 : vector<2048x1xf32>
    %mul3A_90 = arith.constant 2.000000e-01 : f32
    %mul3A_91 = vector.broadcast %mul3A_90 : f32 to vector<2048x1xf32>
    %mul3A_92 = arith.mulf %mul3A_91, %add3A_87 : vector<2048x1xf32>
    %select_n3A_93 = arith.select %ge3A_89, %add3A_87, %mul3A_92 : vector<2048x1xi1>, vector<2048x1xf32>
    %and3A = vector.broadcast %ne3A_53 : vector<2048x1xi1> to vector<2048x128xi1>
    %and3A_94 = arith.andi %eq3A_73, %and3A : vector<2048x128xi1>
    %jit3A_95 = arith.constant 0xFF800000 : f32
    %broadcast_in_dim3A_96 = vector.shape_cast %select_n3A_93 : vector<2048x1xf32> to vector<2048x1xf32>
    %broadcast_in_dim3A_97 = vector.broadcast %broadcast_in_dim3A_96 : vector<2048x1xf32> to vector<2048x128xf32>
    %broadcast_in_dim3A_98 = vector.broadcast %jit3A_95 : f32 to vector<2048x128xf32>
    %select_n3A_99 = arith.select %and3A_94, %broadcast_in_dim3A_97, %broadcast_in_dim3A_98 : vector<2048x128xi1>, vector<2048x128xf32>
    %reduce_max3A_100 = arith.constant dense<0xFF800000> : vector<128xf32>
    %reduce_max3A_101 = vector.multi_reduction <maximumf>, %select_n3A_99, %reduce_max3A_100 [0] : vector<2048x128xf32> to vector<128xf32>
    %is_finite3A = tpu.weird %reduce_max3A_101 : vector<128xf32> -> vector<128xi1>
    %is_finite3A_102 = arith.constant dense<true> : vector<128xi1>
    %is_finite3A_103 = arith.xori %is_finite3A, %is_finite3A_102 : vector<128xi1>
    %jit3A_104 = arith.constant 0.000000e+00 : f32
    %broadcast_in_dim3A_105 = vector.broadcast %jit3A_104 : f32 to vector<128xf32>
    %select_n3A_106 = arith.select %is_finite3A_103, %reduce_max3A_101, %broadcast_in_dim3A_105 : vector<128xi1>, vector<128xf32>
    %broadcast_in_dim3A_107 = vector.shape_cast %select_n3A_106 : vector<128xf32> to vector<1x128xf32>
    %jit3A_108 = arith.constant 0xFF800000 : f32
    %broadcast_in_dim3A_109 = vector.shape_cast %broadcast_in_dim3A_107 : vector<1x128xf32> to vector<1x128xf32>
    %broadcast_in_dim3A_110 = vector.broadcast %broadcast_in_dim3A_109 : vector<1x128xf32> to vector<2048x128xf32>
    %broadcast_in_dim3A_111 = vector.broadcast %jit3A_108 : f32 to vector<2048x128xf32>
    %select_n3A_112 = arith.select %eq3A_73, %broadcast_in_dim3A_110, %broadcast_in_dim3A_111 : vector<2048x128xi1>, vector<2048x128xf32>
    %reduce_max3A_113 = arith.constant dense<0xFF800000> : vector<2048xf32>
    %reduce_max3A_114 = vector.multi_reduction <maximumf>, %select_n3A_112, %reduce_max3A_113 [1] : vector<2048x128xf32> to vector<2048xf32>
    %broadcast_in_dim3A_115 = vector.shape_cast %reduce_max3A_114 : vector<2048xf32> to vector<2048x1xf32>
    %is_finite3A_116 = tpu.weird %broadcast_in_dim3A_115 : vector<2048x1xf32> -> vector<2048x1xi1>
    %is_finite3A_117 = arith.constant dense<true> : vector<2048x1xi1>
    %is_finite3A_118 = arith.xori %is_finite3A_116, %is_finite3A_117 : vector<2048x1xi1>
    %and3A_119 = arith.andi %ne3A_53, %is_finite3A_118 : vector<2048x1xi1>
    %sub3A = arith.subf %select_n3A_93, %broadcast_in_dim3A_115 : vector<2048x1xf32>
    %exp3A = math.exp %sub3A : vector<2048x1xf32>
    %jit3A_120 = arith.constant 0.000000e+00 : f32
    %broadcast_in_dim3A_121 = vector.broadcast %jit3A_120 : f32 to vector<2048x1xf32>
    %select_n3A_122 = arith.select %and3A_119, %exp3A, %broadcast_in_dim3A_121 : vector<2048x1xi1>, vector<2048x1xf32>
    %mul3A_123 = vector.broadcast %select_n3A_122 : vector<2048x1xf32> to vector<2048x128xf32>
    %mul3A_124 = arith.mulf %convert_element_type3A_74, %mul3A_123 : vector<2048x128xf32>
    %reduce_sum3A_125 = arith.constant dense<0.000000e+00> : vector<128xf32>
    %reduce_sum3A_126 = vector.multi_reduction <add>, %mul3A_124, %reduce_sum3A_125 [0] : vector<2048x128xf32> to vector<128xf32>
    %broadcast_in_dim3A_127 = vector.shape_cast %reduce_sum3A_126 : vector<128xf32> to vector<1x128xf32>
    %jit3A_128 = arith.constant 0xFF800000 : f32
    %broadcast_in_dim3A_129 = vector.shape_cast %broadcast_in_dim3A_127 : vector<1x128xf32> to vector<1x128xf32>
    %broadcast_in_dim3A_130 = vector.broadcast %broadcast_in_dim3A_129 : vector<1x128xf32> to vector<2048x128xf32>
    %broadcast_in_dim3A_131 = vector.broadcast %jit3A_128 : f32 to vector<2048x128xf32>
    %select_n3A_132 = arith.select %eq3A_73, %broadcast_in_dim3A_130, %broadcast_in_dim3A_131 : vector<2048x128xi1>, vector<2048x128xf32>
    %reduce_max3A_133 = arith.constant dense<0xFF800000> : vector<2048xf32>
    %reduce_max3A_134 = vector.multi_reduction <maximumf>, %select_n3A_132, %reduce_max3A_133 [1] : vector<2048x128xf32> to vector<2048xf32>
    %broadcast_in_dim3A_135 = vector.shape_cast %reduce_max3A_134 : vector<2048xf32> to vector<2048x1xf32>
    %add3A_136 = arith.constant 1.000000e-16 : f32
    %add3A_137 = vector.broadcast %add3A_136 : f32 to vector<2048x1xf32>
    %add3A_138 = arith.addf %broadcast_in_dim3A_135, %add3A_137 : vector<2048x1xf32>
    %div3A = arith.divf %select_n3A_122, %add3A_138 : vector<2048x1xf32>
    %jit3A_139 = arith.constant 0.000000e+00 : f32
    %broadcast_in_dim3A_140 = vector.broadcast %jit3A_139 : f32 to vector<2048x1xf32>
    %select_n3A_141 = arith.select %ne3A_53, %div3A, %broadcast_in_dim3A_140 : vector<2048x1xi1>, vector<2048x1xf32>
    %mul3A_142 = vector.broadcast %select_n3A_141 : vector<2048x1xf32> to vector<2048x128xf32>
    %mul3A_143 = arith.mulf %convert_element_type3A_74, %mul3A_142 : vector<2048x128xf32>
    %transpose3A = tpu.transpose %mul3A_143, [1, 0] : vector<2048x128xf32> -> vector<128x2048xf32>
    %dot_general3A_144 = arith.constant dense<0.000000e+00> : vector<128x256xf32>
    %dot_general3A_145 = tpu.matmul %transpose3A, %add3A_9, %dot_general3A_144 {dimension_numbers = #tpu.dot_dimension_numbers<[1], [0], [0], [1], [0, 0, 1, 1], [], []>, transpose_lhs_hint = false} : vector<128x2048xf32>, vector<2048x256xf32>, vector<128x256xf32> -> vector<128x256xf32>
    %max3A = arith.constant 0.000000e+00 : f32
    %max3A_146 = vector.broadcast %max3A : f32 to vector<128x256xf32>
    %max3A_147 = arith.maximumf %dot_general3A_145, %max3A_146 : vector<128x256xf32>
    %get3A_148 = arith.constant 0 : index
    %get3A_149 = arith.constant 0 : index
    %get3A_150 = vector.load %arg5[%get3A_148, %get3A_149] : memref<2048x1xi32, #tpu.memory_space<vmem>>, vector<2048x1xi32>
    %get3A_151 = arith.constant 0 : index
    %get3A_152 = arith.constant 0 : index
    %get3A_153 = vector.load %arg9[%get3A_151, %get3A_152] : memref<1x128xi32, #tpu.memory_space<vmem>>, vector<1x128xi32>
    %get3A_154 = arith.constant 0 : index
    %get3A_155 = arith.constant 0 : index
    %get3A_156 = vector.load %arg16[%get3A_154, %get3A_155] : memref<1x256xf32, #tpu.memory_space<vmem>>, vector<1x256xf32>
    %get3A_157 = arith.constant 0 : index
    %get3A_158 = arith.constant 0 : index
    %get3A_159 = vector.load %arg17[%get3A_157, %get3A_158] : memref<1x256xf32, #tpu.memory_space<vmem>>, vector<1x256xf32>
    %eq3A_160 = vector.broadcast %get3A_150 : vector<2048x1xi32> to vector<2048x128xi32>
    %eq3A_161 = vector.broadcast %get3A_153 : vector<1x128xi32> to vector<2048x128xi32>
    %eq3A_162 = arith.cmpi eq, %eq3A_160, %eq3A_161 : vector<2048x128xi32>
    %convert_element_type3A_163 = arith.extui %eq3A_162 : vector<2048x128xi1> to vector<2048x128xi32>
    %convert_element_type3A_164 = arith.sitofp %convert_element_type3A_163 : vector<2048x128xi32> to vector<2048x128xf32>
    %mul3A_165 = vector.broadcast %get3A_156 : vector<1x256xf32> to vector<2048x256xf32>
    %mul3A_166 = arith.mulf %add3A_22, %mul3A_165 : vector<2048x256xf32>
    %reduce_sum3A_167 = arith.constant dense<0.000000e+00> : vector<2048xf32>
    %reduce_sum3A_168 = vector.multi_reduction <add>, %mul3A_166, %reduce_sum3A_167 [1] : vector<2048x256xf32> to vector<2048xf32>
    %broadcast_in_dim3A_169 = vector.shape_cast %reduce_sum3A_168 : vector<2048xf32> to vector<2048x1xf32>
    %mul3A_170 = vector.broadcast %get3A_159 : vector<1x256xf32> to vector<128x256xf32>
    %mul3A_171 = arith.mulf %add3A_48, %mul3A_170 : vector<128x256xf32>
    %reduce_sum3A_172 = arith.constant dense<0.000000e+00> : vector<128xf32>
    %reduce_sum3A_173 = vector.multi_reduction <add>, %mul3A_171, %reduce_sum3A_172 [1] : vector<128x256xf32> to vector<128xf32>
    %broadcast_in_dim3A_174 = vector.shape_cast %reduce_sum3A_173 : vector<128xf32> to vector<1x128xf32>
    %jit3A_175 = arith.constant 0xFF800000 : f32
    %broadcast_in_dim3A_176 = vector.shape_cast %broadcast_in_dim3A_174 : vector<1x128xf32> to vector<1x128xf32>
    %broadcast_in_dim3A_177 = vector.broadcast %broadcast_in_dim3A_176 : vector<1x128xf32> to vector<2048x128xf32>
    %broadcast_in_dim3A_178 = vector.broadcast %jit3A_175 : f32 to vector<2048x128xf32>
    %select_n3A_179 = arith.select %eq3A_162, %broadcast_in_dim3A_177, %broadcast_in_dim3A_178 : vector<2048x128xi1>, vector<2048x128xf32>
    %reduce_max3A_180 = arith.constant dense<0xFF800000> : vector<2048xf32>
    %reduce_max3A_181 = vector.multi_reduction <maximumf>, %select_n3A_179, %reduce_max3A_180 [1] : vector<2048x128xf32> to vector<2048xf32>
    %broadcast_in_dim3A_182 = vector.shape_cast %reduce_max3A_181 : vector<2048xf32> to vector<2048x1xf32>
    %add3A_183 = arith.addf %broadcast_in_dim3A_169, %broadcast_in_dim3A_182 : vector<2048x1xf32>
    %ge3A_184 = arith.constant 0.000000e+00 : f32
    %ge3A_185 = vector.broadcast %ge3A_184 : f32 to vector<2048x1xf32>
    %ge3A_186 = arith.cmpf oge, %add3A_183, %ge3A_185 : vector<2048x1xf32>
    %mul3A_187 = arith.constant 2.000000e-01 : f32
    %mul3A_188 = vector.broadcast %mul3A_187 : f32 to vector<2048x1xf32>
    %mul3A_189 = arith.mulf %mul3A_188, %add3A_183 : vector<2048x1xf32>
    %select_n3A_190 = arith.select %ge3A_186, %add3A_183, %mul3A_189 : vector<2048x1xi1>, vector<2048x1xf32>
    %and3A_191 = vector.broadcast %ne3A_59 : vector<2048x1xi1> to vector<2048x128xi1>
    %and3A_192 = arith.andi %eq3A_162, %and3A_191 : vector<2048x128xi1>
    %jit3A_193 = arith.constant 0xFF800000 : f32
    %broadcast_in_dim3A_194 = vector.shape_cast %select_n3A_190 : vector<2048x1xf32> to vector<2048x1xf32>
    %broadcast_in_dim3A_195 = vector.broadcast %broadcast_in_dim3A_194 : vector<2048x1xf32> to vector<2048x128xf32>
    %broadcast_in_dim3A_196 = vector.broadcast %jit3A_193 : f32 to vector<2048x128xf32>
    %select_n3A_197 = arith.select %and3A_192, %broadcast_in_dim3A_195, %broadcast_in_dim3A_196 : vector<2048x128xi1>, vector<2048x128xf32>
    %reduce_max3A_198 = arith.constant dense<0xFF800000> : vector<128xf32>
    %reduce_max3A_199 = vector.multi_reduction <maximumf>, %select_n3A_197, %reduce_max3A_198 [0] : vector<2048x128xf32> to vector<128xf32>
    %is_finite3A_200 = tpu.weird %reduce_max3A_199 : vector<128xf32> -> vector<128xi1>
    %is_finite3A_201 = arith.constant dense<true> : vector<128xi1>
    %is_finite3A_202 = arith.xori %is_finite3A_200, %is_finite3A_201 : vector<128xi1>
    %jit3A_203 = arith.constant 0.000000e+00 : f32
    %broadcast_in_dim3A_204 = vector.broadcast %jit3A_203 : f32 to vector<128xf32>
    %select_n3A_205 = arith.select %is_finite3A_202, %reduce_max3A_199, %broadcast_in_dim3A_204 : vector<128xi1>, vector<128xf32>
    %broadcast_in_dim3A_206 = vector.shape_cast %select_n3A_205 : vector<128xf32> to vector<1x128xf32>
    %jit3A_207 = arith.constant 0xFF800000 : f32
    %broadcast_in_dim3A_208 = vector.shape_cast %broadcast_in_dim3A_206 : vector<1x128xf32> to vector<1x128xf32>
    %broadcast_in_dim3A_209 = vector.broadcast %broadcast_in_dim3A_208 : vector<1x128xf32> to vector<2048x128xf32>
    %broadcast_in_dim3A_210 = vector.broadcast %jit3A_207 : f32 to vector<2048x128xf32>
    %select_n3A_211 = arith.select %eq3A_162, %broadcast_in_dim3A_209, %broadcast_in_dim3A_210 : vector<2048x128xi1>, vector<2048x128xf32>
    %reduce_max3A_212 = arith.constant dense<0xFF800000> : vector<2048xf32>
    %reduce_max3A_213 = vector.multi_reduction <maximumf>, %select_n3A_211, %reduce_max3A_212 [1] : vector<2048x128xf32> to vector<2048xf32>
    %broadcast_in_dim3A_214 = vector.shape_cast %reduce_max3A_213 : vector<2048xf32> to vector<2048x1xf32>
    %is_finite3A_215 = tpu.weird %broadcast_in_dim3A_214 : vector<2048x1xf32> -> vector<2048x1xi1>
    %is_finite3A_216 = arith.constant dense<true> : vector<2048x1xi1>
    %is_finite3A_217 = arith.xori %is_finite3A_215, %is_finite3A_216 : vector<2048x1xi1>
    %and3A_218 = arith.andi %ne3A_59, %is_finite3A_217 : vector<2048x1xi1>
    %sub3A_219 = arith.subf %select_n3A_190, %broadcast_in_dim3A_214 : vector<2048x1xf32>
    %exp3A_220 = math.exp %sub3A_219 : vector<2048x1xf32>
    %jit3A_221 = arith.constant 0.000000e+00 : f32
    %broadcast_in_dim3A_222 = vector.broadcast %jit3A_221 : f32 to vector<2048x1xf32>
    %select_n3A_223 = arith.select %and3A_218, %exp3A_220, %broadcast_in_dim3A_222 : vector<2048x1xi1>, vector<2048x1xf32>
    %mul3A_224 = vector.broadcast %select_n3A_223 : vector<2048x1xf32> to vector<2048x128xf32>
    %mul3A_225 = arith.mulf %convert_element_type3A_164, %mul3A_224 : vector<2048x128xf32>
    %reduce_sum3A_226 = arith.constant dense<0.000000e+00> : vector<128xf32>
    %reduce_sum3A_227 = vector.multi_reduction <add>, %mul3A_225, %reduce_sum3A_226 [0] : vector<2048x128xf32> to vector<128xf32>
    %broadcast_in_dim3A_228 = vector.shape_cast %reduce_sum3A_227 : vector<128xf32> to vector<1x128xf32>
    %jit3A_229 = arith.constant 0xFF800000 : f32
    %broadcast_in_dim3A_230 = vector.shape_cast %broadcast_in_dim3A_228 : vector<1x128xf32> to vector<1x128xf32>
    %broadcast_in_dim3A_231 = vector.broadcast %broadcast_in_dim3A_230 : vector<1x128xf32> to vector<2048x128xf32>
    %broadcast_in_dim3A_232 = vector.broadcast %jit3A_229 : f32 to vector<2048x128xf32>
    %select_n3A_233 = arith.select %eq3A_162, %broadcast_in_dim3A_231, %broadcast_in_dim3A_232 : vector<2048x128xi1>, vector<2048x128xf32>
    %reduce_max3A_234 = arith.constant dense<0xFF800000> : vector<2048xf32>
    %reduce_max3A_235 = vector.multi_reduction <maximumf>, %select_n3A_233, %reduce_max3A_234 [1] : vector<2048x128xf32> to vector<2048xf32>
    %broadcast_in_dim3A_236 = vector.shape_cast %reduce_max3A_235 : vector<2048xf32> to vector<2048x1xf32>
    %add3A_237 = arith.constant 1.000000e-16 : f32
    %add3A_238 = vector.broadcast %add3A_237 : f32 to vector<2048x1xf32>
    %add3A_239 = arith.addf %broadcast_in_dim3A_236, %add3A_238 : vector<2048x1xf32>
    %div3A_240 = arith.divf %select_n3A_223, %add3A_239 : vector<2048x1xf32>
    %jit3A_241 = arith.constant 0.000000e+00 : f32
    %broadcast_in_dim3A_242 = vector.broadcast %jit3A_241 : f32 to vector<2048x1xf32>
    %select_n3A_243 = arith.select %ne3A_59, %div3A_240, %broadcast_in_dim3A_242 : vector<2048x1xi1>, vector<2048x1xf32>
    %mul3A_244 = vector.broadcast %select_n3A_243 : vector<2048x1xf32> to vector<2048x128xf32>
    %mul3A_245 = arith.mulf %convert_element_type3A_164, %mul3A_244 : vector<2048x128xf32>
    %transpose3A_246 = tpu.transpose %mul3A_245, [1, 0] : vector<2048x128xf32> -> vector<128x2048xf32>
    %dot_general3A_247 = arith.constant dense<0.000000e+00> : vector<128x256xf32>
    %dot_general3A_248 = tpu.matmul %transpose3A_246, %add3A_22, %dot_general3A_247 {dimension_numbers = #tpu.dot_dimension_numbers<[1], [0], [0], [1], [0, 0, 1, 1], [], []>, transpose_lhs_hint = false} : vector<128x2048xf32>, vector<2048x256xf32>, vector<128x256xf32> -> vector<128x256xf32>
    %max3A_249 = arith.constant 0.000000e+00 : f32
    %max3A_250 = vector.broadcast %max3A_249 : f32 to vector<128x256xf32>
    %max3A_251 = arith.maximumf %dot_general3A_248, %max3A_250 : vector<128x256xf32>
    %get3A_252 = arith.constant 0 : index
    %get3A_253 = arith.constant 0 : index
    %get3A_254 = vector.load %arg20[%get3A_252, %get3A_253] : memref<256x128xf32, #tpu.memory_space<vmem>>, vector<256x128xf32>
    %dot_general3A_255 = arith.constant dense<0.000000e+00> : vector<128x128xf32>
    %dot_general3A_256 = tpu.matmul %max3A_147, %get3A_254, %dot_general3A_255 {dimension_numbers = #tpu.dot_dimension_numbers<[1], [0], [0], [1], [0, 0, 1, 1], [], []>, transpose_lhs_hint = false} : vector<128x256xf32>, vector<256x128xf32>, vector<128x128xf32> -> vector<128x128xf32>
    %get3A_257 = arith.constant 0 : index
    %get3A_258 = arith.constant 0 : index
    %get3A_259 = vector.load %arg21[%get3A_257, %get3A_258] : memref<1x128xf32, #tpu.memory_space<vmem>>, vector<1x128xf32>
    %add3A_260 = vector.broadcast %get3A_259 : vector<1x128xf32> to vector<128x128xf32>
    %add3A_261 = arith.addf %dot_general3A_256, %add3A_260 : vector<128x128xf32>
    %get3A_262 = arith.constant 0 : index
    %get3A_263 = arith.constant 0 : index
    %get3A_264 = vector.load %arg22[%get3A_262, %get3A_263] : memref<256x128xf32, #tpu.memory_space<vmem>>, vector<256x128xf32>
    %dot_general3A_265 = arith.constant dense<0.000000e+00> : vector<128x128xf32>
    %dot_general3A_266 = tpu.matmul %max3A_251, %get3A_264, %dot_general3A_265 {dimension_numbers = #tpu.dot_dimension_numbers<[1], [0], [0], [1], [0, 0, 1, 1], [], []>, transpose_lhs_hint = false} : vector<128x256xf32>, vector<256x128xf32>, vector<128x128xf32> -> vector<128x128xf32>
    %get3A_267 = arith.constant 0 : index
    %get3A_268 = arith.constant 0 : index
    %get3A_269 = vector.load %arg23[%get3A_267, %get3A_268] : memref<1x128xf32, #tpu.memory_space<vmem>>, vector<1x128xf32>
    %add3A_270 = vector.broadcast %get3A_269 : vector<1x128xf32> to vector<128x128xf32>
    %add3A_271 = arith.addf %dot_general3A_266, %add3A_270 : vector<128x128xf32>
    %get3A_272 = arith.constant 0 : index
    %get3A_273 = arith.constant 0 : index
    %get3A_274 = vector.load %arg10[%get3A_272, %get3A_273] : memref<64x1xi32, #tpu.memory_space<vmem>>, vector<64x1xi32>
    %ne3A_275 = arith.constant 0 : i32
    %ne3A_276 = vector.broadcast %ne3A_275 : i32 to vector<64x1xi32>
    %ne3A_277 = arith.cmpi ne, %get3A_274, %ne3A_276 : vector<64x1xi32>
    %get3A_278 = arith.constant 0 : index
    %get3A_279 = arith.constant 0 : index
    %get3A_280 = vector.load %arg11[%get3A_278, %get3A_279] : memref<64x1xi32, #tpu.memory_space<vmem>>, vector<64x1xi32>
    %ne3A_281 = arith.constant 0 : i32
    %ne3A_282 = vector.broadcast %ne3A_281 : i32 to vector<64x1xi32>
    %ne3A_283 = arith.cmpi ne, %get3A_280, %ne3A_282 : vector<64x1xi32>
    %slice3A = vector.extract_strided_slice %add3A_261 {offsets = [1, 0], sizes = [64, 128], strides = [1, 1]} : vector<128x128xf32> to vector<64x128xf32>
    %slice3A_284 = vector.extract_strided_slice %add3A_271 {offsets = [0, 0], sizes = [1, 128], strides = [1, 1]} : vector<128x128xf32> to vector<1x128xf32>
    %get3A_285 = arith.constant 0 : index
    %get3A_286 = arith.constant 0 : index
    %get3A_287 = vector.load %arg24[%get3A_285, %get3A_286] : memref<1x128xf32, #tpu.memory_space<vmem>>, vector<1x128xf32>
    %get3A_288 = arith.constant 0 : index
    %get3A_289 = arith.constant 0 : index
    %get3A_290 = vector.load %arg25[%get3A_288, %get3A_289] : memref<1x128xf32, #tpu.memory_space<vmem>>, vector<1x128xf32>
    %mul3A_291 = vector.broadcast %get3A_287 : vector<1x128xf32> to vector<64x128xf32>
    %mul3A_292 = arith.mulf %slice3A, %mul3A_291 : vector<64x128xf32>
    %reduce_sum3A_293 = arith.constant dense<0.000000e+00> : vector<64xf32>
    %reduce_sum3A_294 = vector.multi_reduction <add>, %mul3A_292, %reduce_sum3A_293 [1] : vector<64x128xf32> to vector<64xf32>
    %broadcast_in_dim3A_295 = vector.shape_cast %reduce_sum3A_294 : vector<64xf32> to vector<64x1xf32>
    %mul3A_296 = arith.mulf %slice3A_284, %get3A_290 : vector<1x128xf32>
    %reduce_sum3A_297 = vector.shape_cast %mul3A_296 : vector<1x128xf32> to vector<1x1x128xf32>
    %reduce_sum3A_298 = arith.constant dense<0.000000e+00> : vector<1xf32>
    %reduce_sum3A_299 = vector.multi_reduction <add>, %reduce_sum3A_297, %reduce_sum3A_298 [1, 2] : vector<1x1x128xf32> to vector<1xf32>
    %reduce_sum3A_300 = vector.shape_cast %reduce_sum3A_299 : vector<1xf32> to vector<1x1x1xf32>
    %reduce_sum3A_301 = vector.extract %reduce_sum3A_300[0, 0, 0] : f32 from vector<1x1x1xf32>
    %add3A_302 = vector.broadcast %reduce_sum3A_301 : f32 to vector<64x1xf32>
    %add3A_303 = arith.addf %broadcast_in_dim3A_295, %add3A_302 : vector<64x1xf32>
    %ge3A_304 = arith.constant 0.000000e+00 : f32
    %ge3A_305 = vector.broadcast %ge3A_304 : f32 to vector<64x1xf32>
    %ge3A_306 = arith.cmpf oge, %add3A_303, %ge3A_305 : vector<64x1xf32>
    %mul3A_307 = arith.constant 2.000000e-01 : f32
    %mul3A_308 = vector.broadcast %mul3A_307 : f32 to vector<64x1xf32>
    %mul3A_309 = arith.mulf %mul3A_308, %add3A_303 : vector<64x1xf32>
    %select_n3A_310 = arith.select %ge3A_306, %add3A_303, %mul3A_309 : vector<64x1xi1>, vector<64x1xf32>
    %jit3A_311 = arith.constant 0xFF800000 : f32
    %broadcast_in_dim3A_312 = vector.broadcast %jit3A_311 : f32 to vector<64x1xf32>
    %select_n3A_313 = arith.select %ne3A_277, %select_n3A_310, %broadcast_in_dim3A_312 : vector<64x1xi1>, vector<64x1xf32>
    %reduce_max3A_314 = vector.shape_cast %select_n3A_313 : vector<64x1xf32> to vector<1x64x1xf32>
    %reduce_max3A_315 = arith.constant dense<0xFF800000> : vector<1xf32>
    %reduce_max3A_316 = vector.multi_reduction <maximumf>, %reduce_max3A_314, %reduce_max3A_315 [1, 2] : vector<1x64x1xf32> to vector<1xf32>
    %reduce_max3A_317 = vector.shape_cast %reduce_max3A_316 : vector<1xf32> to vector<1x1x1xf32>
    %reduce_max3A_318 = vector.extract %reduce_max3A_317[0, 0, 0] : f32 from vector<1x1x1xf32>
    %is_finite3A_319 = tpu.weird %reduce_max3A_318 : f32 -> i1
    %is_finite3A_320 = arith.constant true
    %is_finite3A_321 = arith.xori %is_finite3A_319, %is_finite3A_320 : i1
    %jit3A_322 = arith.constant 0.000000e+00 : f32
    %select_n3A_323 = arith.select %is_finite3A_321, %reduce_max3A_318, %jit3A_322 : f32
    %sub3A_324 = vector.broadcast %select_n3A_323 : f32 to vector<64x1xf32>
    %sub3A_325 = arith.subf %select_n3A_310, %sub3A_324 : vector<64x1xf32>
    %exp3A_326 = math.exp %sub3A_325 : vector<64x1xf32>
    %jit3A_327 = arith.constant 0.000000e+00 : f32
    %broadcast_in_dim3A_328 = vector.broadcast %jit3A_327 : f32 to vector<64x1xf32>
    %select_n3A_329 = arith.select %ne3A_277, %exp3A_326, %broadcast_in_dim3A_328 : vector<64x1xi1>, vector<64x1xf32>
    %reduce_sum3A_330 = vector.shape_cast %select_n3A_329 : vector<64x1xf32> to vector<1x64x1xf32>
    %reduce_sum3A_331 = arith.constant dense<0.000000e+00> : vector<1xf32>
    %reduce_sum3A_332 = vector.multi_reduction <add>, %reduce_sum3A_330, %reduce_sum3A_331 [1, 2] : vector<1x64x1xf32> to vector<1xf32>
    %reduce_sum3A_333 = vector.shape_cast %reduce_sum3A_332 : vector<1xf32> to vector<1x1x1xf32>
    %reduce_sum3A_334 = vector.extract %reduce_sum3A_333[0, 0, 0] : f32 from vector<1x1x1xf32>
    %add3A_335 = arith.constant 1.000000e-16 : f32
    %add3A_336 = arith.addf %reduce_sum3A_334, %add3A_335 : f32
    %div3A_337 = vector.broadcast %add3A_336 : f32 to vector<64x1xf32>
    %div3A_338 = arith.divf %select_n3A_329, %div3A_337 : vector<64x1xf32>
    %mul3A_339 = vector.broadcast %div3A_338 : vector<64x1xf32> to vector<64x128xf32>
    %mul3A_340 = arith.mulf %mul3A_339, %slice3A : vector<64x128xf32>
    %reduce_sum3A_341 = arith.constant dense<0.000000e+00> : vector<128xf32>
    %reduce_sum3A_342 = vector.multi_reduction <add>, %mul3A_340, %reduce_sum3A_341 [0] : vector<64x128xf32> to vector<128xf32>
    %max3A_343 = arith.constant 0.000000e+00 : f32
    %max3A_344 = vector.broadcast %max3A_343 : f32 to vector<128xf32>
    %max3A_345 = arith.maximumf %reduce_sum3A_342, %max3A_344 : vector<128xf32>
    %slice3A_346 = vector.extract_strided_slice %add3A_271 {offsets = [1, 0], sizes = [64, 128], strides = [1, 1]} : vector<128x128xf32> to vector<64x128xf32>
    %slice3A_347 = vector.extract_strided_slice %add3A_261 {offsets = [0, 0], sizes = [1, 128], strides = [1, 1]} : vector<128x128xf32> to vector<1x128xf32>
    %get3A_348 = arith.constant 0 : index
    %get3A_349 = arith.constant 0 : index
    %get3A_350 = vector.load %arg26[%get3A_348, %get3A_349] : memref<1x128xf32, #tpu.memory_space<vmem>>, vector<1x128xf32>
    %get3A_351 = arith.constant 0 : index
    %get3A_352 = arith.constant 0 : index
    %get3A_353 = vector.load %arg27[%get3A_351, %get3A_352] : memref<1x128xf32, #tpu.memory_space<vmem>>, vector<1x128xf32>
    %mul3A_354 = vector.broadcast %get3A_350 : vector<1x128xf32> to vector<64x128xf32>
    %mul3A_355 = arith.mulf %slice3A_346, %mul3A_354 : vector<64x128xf32>
    %reduce_sum3A_356 = arith.constant dense<0.000000e+00> : vector<64xf32>
    %reduce_sum3A_357 = vector.multi_reduction <add>, %mul3A_355, %reduce_sum3A_356 [1] : vector<64x128xf32> to vector<64xf32>
    %broadcast_in_dim3A_358 = vector.shape_cast %reduce_sum3A_357 : vector<64xf32> to vector<64x1xf32>
    %mul3A_359 = arith.mulf %slice3A_347, %get3A_353 : vector<1x128xf32>
    %reduce_sum3A_360 = vector.shape_cast %mul3A_359 : vector<1x128xf32> to vector<1x1x128xf32>
    %reduce_sum3A_361 = arith.constant dense<0.000000e+00> : vector<1xf32>
    %reduce_sum3A_362 = vector.multi_reduction <add>, %reduce_sum3A_360, %reduce_sum3A_361 [1, 2] : vector<1x1x128xf32> to vector<1xf32>
    %reduce_sum3A_363 = vector.shape_cast %reduce_sum3A_362 : vector<1xf32> to vector<1x1x1xf32>
    %reduce_sum3A_364 = vector.extract %reduce_sum3A_363[0, 0, 0] : f32 from vector<1x1x1xf32>
    %add3A_365 = vector.broadcast %reduce_sum3A_364 : f32 to vector<64x1xf32>
    %add3A_366 = arith.addf %broadcast_in_dim3A_358, %add3A_365 : vector<64x1xf32>
    %ge3A_367 = arith.constant 0.000000e+00 : f32
    %ge3A_368 = vector.broadcast %ge3A_367 : f32 to vector<64x1xf32>
    %ge3A_369 = arith.cmpf oge, %add3A_366, %ge3A_368 : vector<64x1xf32>
    %mul3A_370 = arith.constant 2.000000e-01 : f32
    %mul3A_371 = vector.broadcast %mul3A_370 : f32 to vector<64x1xf32>
    %mul3A_372 = arith.mulf %mul3A_371, %add3A_366 : vector<64x1xf32>
    %select_n3A_373 = arith.select %ge3A_369, %add3A_366, %mul3A_372 : vector<64x1xi1>, vector<64x1xf32>
    %jit3A_374 = arith.constant 0xFF800000 : f32
    %broadcast_in_dim3A_375 = vector.broadcast %jit3A_374 : f32 to vector<64x1xf32>
    %select_n3A_376 = arith.select %ne3A_283, %select_n3A_373, %broadcast_in_dim3A_375 : vector<64x1xi1>, vector<64x1xf32>
    %reduce_max3A_377 = vector.shape_cast %select_n3A_376 : vector<64x1xf32> to vector<1x64x1xf32>
    %reduce_max3A_378 = arith.constant dense<0xFF800000> : vector<1xf32>
    %reduce_max3A_379 = vector.multi_reduction <maximumf>, %reduce_max3A_377, %reduce_max3A_378 [1, 2] : vector<1x64x1xf32> to vector<1xf32>
    %reduce_max3A_380 = vector.shape_cast %reduce_max3A_379 : vector<1xf32> to vector<1x1x1xf32>
    %reduce_max3A_381 = vector.extract %reduce_max3A_380[0, 0, 0] : f32 from vector<1x1x1xf32>
    %is_finite3A_382 = tpu.weird %reduce_max3A_381 : f32 -> i1
    %is_finite3A_383 = arith.constant true
    %is_finite3A_384 = arith.xori %is_finite3A_382, %is_finite3A_383 : i1
    %jit3A_385 = arith.constant 0.000000e+00 : f32
    %select_n3A_386 = arith.select %is_finite3A_384, %reduce_max3A_381, %jit3A_385 : f32
    %sub3A_387 = vector.broadcast %select_n3A_386 : f32 to vector<64x1xf32>
    %sub3A_388 = arith.subf %select_n3A_373, %sub3A_387 : vector<64x1xf32>
    %exp3A_389 = math.exp %sub3A_388 : vector<64x1xf32>
    %jit3A_390 = arith.constant 0.000000e+00 : f32
    %broadcast_in_dim3A_391 = vector.broadcast %jit3A_390 : f32 to vector<64x1xf32>
    %select_n3A_392 = arith.select %ne3A_283, %exp3A_389, %broadcast_in_dim3A_391 : vector<64x1xi1>, vector<64x1xf32>
    %reduce_sum3A_393 = vector.shape_cast %select_n3A_392 : vector<64x1xf32> to vector<1x64x1xf32>
    %reduce_sum3A_394 = arith.constant dense<0.000000e+00> : vector<1xf32>
    %reduce_sum3A_395 = vector.multi_reduction <add>, %reduce_sum3A_393, %reduce_sum3A_394 [1, 2] : vector<1x64x1xf32> to vector<1xf32>
    %reduce_sum3A_396 = vector.shape_cast %reduce_sum3A_395 : vector<1xf32> to vector<1x1x1xf32>
    %reduce_sum3A_397 = vector.extract %reduce_sum3A_396[0, 0, 0] : f32 from vector<1x1x1xf32>
    %add3A_398 = arith.constant 1.000000e-16 : f32
    %add3A_399 = arith.addf %reduce_sum3A_397, %add3A_398 : f32
    %div3A_400 = vector.broadcast %add3A_399 : f32 to vector<64x1xf32>
    %div3A_401 = arith.divf %select_n3A_392, %div3A_400 : vector<64x1xf32>
    %mul3A_402 = vector.broadcast %div3A_401 : vector<64x1xf32> to vector<64x128xf32>
    %mul3A_403 = arith.mulf %mul3A_402, %slice3A_346 : vector<64x128xf32>
    %reduce_sum3A_404 = arith.constant dense<0.000000e+00> : vector<128xf32>
    %reduce_sum3A_405 = vector.multi_reduction <add>, %mul3A_403, %reduce_sum3A_404 [0] : vector<64x128xf32> to vector<128xf32>
    %max3A_406 = arith.constant 0.000000e+00 : f32
    %max3A_407 = vector.broadcast %max3A_406 : f32 to vector<128xf32>
    %max3A_408 = arith.maximumf %reduce_sum3A_405, %max3A_407 : vector<128xf32>
    %add3A_409 = arith.addf %max3A_408, %max3A_345 : vector<128xf32>
    %mul3A_410 = arith.constant 5.000000e-01 : f32
    %mul3A_411 = vector.broadcast %mul3A_410 : f32 to vector<128xf32>
    %mul3A_412 = arith.mulf %add3A_409, %mul3A_411 : vector<128xf32>
    %swap3A = arith.constant 0 : index
    %swap3A_413 = arith.constant 0 : index
    %swap3A_414 = vector.load %arg28[%swap3A, %swap3A_413] : memref<1x128xf32, #tpu.memory_space<vmem>>, vector<1x128xf32>
    %swap3A_415 = vector.shape_cast %swap3A_414 : vector<1x128xf32> to vector<128xf32>
    %swap3A_416 = vector.shape_cast %mul3A_412 : vector<128xf32> to vector<1x128xf32>
    tpu.vector_store %arg28[%swap3A, %swap3A_413], %swap3A_416 {strides = array<i32>} : memref<1x128xf32, #tpu.memory_space<vmem>>, vector<1x128xf32>,
    return
  }
}

</mosaic_0001>

<sc_bundles>
// kernel: gather_offload_async_start.1
scs
__scs_entry_jumppad:
0x0: {  	(pc) =	sbr.rel $0x88, $3  }
0x1: {  	(tag) =	ssettag $0x0;
	lr =	simm.s32 $0x1  }
0x2: {  	[smem:$0x3F8D] =	sst lr;
	_ =	strace $0xD0000000  }
0x3: {  	_ = 	snop  }
0x4: {  	_ = 	snop  }
0x5: {  	_ = 	snop  }
0x6: {  	_ = 	snop  }
0x7: {  	_ = 	snop  }
__scs_overlays_trampoline_lowered:
0x8: {  	[smem:$0x3F9C] =	sst s0  }
0x9: {  	[smem:$0x3F9D] =	sst s1  }
0xa: {  	[smem:$0x3F9E] =	sst s2  }
0xb: {  	[smem:$0x3F9F] =	sst s3  }
0xc: {  	[smem:$0x3FA0] =	sst s4  }
0xd: {  	[smem:$0x3FA1] =	sst s5  }
0xe: {  	[smem:$0x3FA2] =	sst s6  }
0xf: {  	[smem:$0x3FA3] =	sst s7  }
0x10: {  	[smem:$0x3FA4] =	sst s8  }
0x11: {  	[smem:$0x3FA5] =	sst s9;
	s0 =	simm.s32 @!p0 $0x0  }
0x12: {  	s1 =	sld [smem:$0x3F8B];
	s0 =	simm.s32 @p0 $0x1  }
0x13: {  	[smem:$0x3FA6] =	sst s0;
	s0 =	simm.s32 @!p1 $0x0  }
0x14: {  	s2 =	sld [smem:$0x3F8A];
	s0 =	simm.s32 @p1 $0x1  }
0x15: {  	[smem:$0x3FA7] =	sst s0;
	s0 =	simm.s32 @!p2 $0x0  }
0x16: {  	s3 =	sld [smem:$0x3FDB];
	s0 =	simm.s32 @p2 $0x1  }
0x17: {  	s4 =	simm.s32 $0x1BF5;
	[smem:$0x3FA9] =	sst s0  }
0x18: {  	s0 =	sld [smem:$0x3F8C];
	_ =	swait.ge [sflag:s4], $0x0  }
0x19: {  	s7 =	sld [smem:$0x3F8D]  }
0x1a: {  	s8 =	sadd.s32 $0xFFFFE003, lr  }
0x1b: {  	s9 =	sadd.s32 $0xFFFFFEF7, lr;
	s5 =	simm.s32 $0xFFFFFFFF;
	p2 =	slt.u32 s8, $0xFFFFF086  }
0x1c: {  	p1 =	slt.u32 s9, $0xF7A;
	s5 =	simm.s32 @!p2 $0x0  }
0x1d: {  	s5 =	simm.s32 @p1 $0x1;
	p0 =	seq.s32 s7, s2  }
0x1e: {  	s7 =	smul.u32 @!p0 $0xF7A, s2;
	p2 =	seq.s32 @!p0 s5, $0x0  }
0x1f: {  	s9 =	smul.u32 $0xF7A, s1;
	s8 =	simm.s32 @!p0 $0x1BF5;
	p2 =	por !p2, p0  }
0x20: {  	[sflag:s8] =	ssyncset.s32 @!p0 $0xFFFFF086;
	s6 =	sadd.s32 @!p0 s3, s7;
	s7 =	simm.s32 @!p0 $0x108  }
0x21: {  	s3 =	sadd.s32 s3, s9;
	s6 =	sadd.s32 @!p0 $0x88, s6;
	s7 =	simm.s32 @p2 $0x1082  }
0x22: {  	[simem:s7], [sflag:s8] =	dma.local @!p0 [hbm:s6], $0xF7A  }
0x23: {  	s9 =	sor.u32 $0xD0000000, s2;
	s6 =	simm.s32 $0x108;
	_ =	swait.ge @!p0 [sflag:s8], $0x0  }
0x24: {  	s3 =	sadd.s32 $0x88, s3;
	s6 =	simm.s32 @!p1 $0x1082;
	[sflag:s4] =	ssyncset.s32 $0xFFFFF086  }
0x25: {  	[simem:s6], [sflag:s4] =	dma.local [hbm:s3], $0xF7A  }
0x26: {  	[smem:$0x3F8D] =	sst s1;
	(tag) =	ssettag s2;
	_ =	strace s9  }
0x27: {  	s1 =	sld [smem:$0x3F9D]  }
0x28: {  	s2 =	sld [smem:$0x3F9E]  }
0x29: {  	s4 =	sld [smem:$0x3FA0]  }
0x2a: {  	p0 =	seq.s32 s5, $0x0;
	s5 =	sld [smem:$0x3FA1]  }
0x2b: {  	s6 =	sld [smem:$0x3FA2]  }
0x2c: {  	s7 =	sld [smem:$0x3FA3]  }
0x2d: {  	s3 =	simm.s32 $0x108;
	s8 =	sld [smem:$0x3FA4]  }
0x2e: {  	s3 =	simm.s32 @!p0 $0x1082;
	s9 =	sld [smem:$0x3FA5]  }
0x2f: {  	lr =	sadd.s32 s0, s3;
	s0 =	sld [smem:$0x3F9C]  }
0x30: {  	s3 =	sld [smem:$0x3F9F]  }
0x31: {  	[smem:$0x3FA8] =	sst s10  }
0x32: {  	s10 =	sld [smem:$0x3FA6];
	_ =	sdelay $0x3  }
0x33: {  	p0 =	seq.s32 s10, $0x1;
	s10 =	sld [smem:$0x3FA8];
	_ =	sdelay $0x3  }
0x34: {  	[smem:$0x3FA8] =	sst s10  }
0x35: {  	s10 =	sld [smem:$0x3FA7];
	_ =	sdelay $0x3  }
0x36: {  	p1 =	seq.s32 s10, $0x1;
	s10 =	sld [smem:$0x3FA8];
	_ =	sdelay $0x3  }
0x37: {  	[smem:$0x3FA8] =	sst s10  }
0x38: {  	s10 =	sld [smem:$0x3FA9]  }
0x39: {  	_ = 	snop;
	(pc) =	sbr.ind lr, $3  }
0x3a: {  	_ = 	snop  }
0x3b: {  	_ = 	snop  }
0x3c: {  	p2 =	seq.s32 s10, $0x1;
	s10 =	sld [smem:$0x3FA8]  }
0x3d: {  	_ =	shalt  }
0x3e: {  	_ =	shalt  }
0x3f: {  	_ =	shalt  }
0x40: {  	_ =	shalt  }
0x41: {  	_ =	shalt  }
0x42: {  	_ =	shalt  }
0x43: {  	_ =	shalt  }
0x44: {  	_ =	shalt  }
0x45: {  	_ =	shalt  }
0x46: {  	_ =	shalt  }
0x47: {  	_ =	shalt  }
0x48: {  	_ =	shalt  }
0x49: {  	_ =	shalt  }
0x4a: {  	_ =	shalt  }
0x4b: {  	_ =	shalt  }
0x4c: {  	_ =	shalt  }
0x4d: {  	_ =	shalt  }
0x4e: {  	_ =	shalt  }
0x4f: {  	_ =	shalt  }
0x50: {  	_ =	shalt  }
0x51: {  	_ =	shalt  }
0x52: {  	_ =	shalt  }
0x53: {  	_ =	shalt  }
0x54: {  	_ =	shalt  }
0x55: {  	_ =	shalt  }
0x56: {  	_ =	shalt  }
0x57: {  	_ =	shalt  }
0x58: {  	_ =	shalt  }
0x59: {  	_ =	shalt  }
0x5a: {  	_ =	shalt  }
0x5b: {  	_ =	shalt  }
0x5c: {  	_ =	shalt  }
0x5d: {  	_ =	shalt  }
0x5e: {  	_ =	shalt  }
0x5f: {  	_ =	shalt  }
0x60: {  	_ =	shalt  }
0x61: {  	_ =	shalt  }
0x62: {  	_ =	shalt  }
0x63: {  	_ =	shalt  }
0x64: {  	_ =	shalt  }
0x65: {  	_ =	shalt  }
0x66: {  	_ =	shalt  }
0x67: {  	_ =	shalt  }
0x68: {  	_ =	shalt  }
0x69: {  	_ =	shalt  }
0x6a: {  	_ =	shalt  }
0x6b: {  	_ =	shalt  }
0x6c: {  	_ =	shalt  }
0x6d: {  	_ =	shalt  }
0x6e: {  	_ =	shalt  }
0x6f: {  	_ =	shalt  }
0x70: {  	_ =	shalt  }
0x71: {  	_ =	shalt  }
0x72: {  	_ =	shalt  }
0x73: {  	_ =	shalt  }
0x74: {  	_ =	shalt  }
0x75: {  	_ =	shalt  }
0x76: {  	_ =	shalt  }
0x77: {  	_ =	shalt  }
0x78: {  	_ =	shalt  }
0x79: {  	_ =	shalt  }
0x7a: {  	_ =	shalt  }
0x7b: {  	_ =	shalt  }
0x7c: {  	_ =	shalt  }
0x7d: {  	_ =	shalt  }
0x7e: {  	_ =	shalt  }
0x7f: {  	_ =	shalt  }
0x80: {  	_ =	shalt  }
0x81: {  	_ =	shalt  }
0x82: {  	_ =	shalt  }
0x83: {  	_ =	shalt  }
0x84: {  	_ =	shalt  }
0x85: {  	_ =	shalt  }
0x86: {  	_ =	shalt  }
0x87: {  	_ =	shalt  }
.Lfunc_end0:
.L_simem_size_0:
called_computation.5_lowered:
.L_overlay_start_0:
0x88: {  	s2 =	sld [smem:$0x3FD9]  }
0x89: {  	s3 =	sld [smem:$0x3FFE];
	_ =	sdelay $0x1  }
0x8a: {  	s1 =	srdreg.scid  }
0x8b: {  	s0 =	sand.u32 $0x1, s1  }
0x8c: {  	s17 =	sshll.u32 s0, $0xA;
	s2 =	sadd.s32 s3, s2  }
0x8d: {  	s2 =	sadd.s32 s2, s17  }
0x8e: {  	[smem:$0x3FB4] =	sst s2  }
0x8f: {  	_ = 	snop  }
0x90: {  	(tm) =	ssettm $0x1  }
0x91: {  	s18 =	sld [smem:$0x3FFB];
	_ =	sdelay $0x3  }
0x92: {  	_ =	strace s18  }
0x93: {  	s2 =	sld [smem:$0x3FFC];
	_ =	sdelay $0x3  }
0x94: {  	_ =	strace s2  }
0x95: {  	s2 =	sld [smem:$0x3FFD];
	_ =	sdelay $0x3  }
0x96: {  	_ =	strace s2  }
0x97: {  	_ =	strace $0x8FFFFFFF  }
0x98: {  	s19 =	sld [smem:$0x3FDB];
	_ =	sdelay $0x1  }
0x99: {  	s20 =	simm.s32 $_scs_section_size  }
0x9a: {  	s4 =	simm.s32 $_size__tile_overlayer_lowered;
	s5 =	simm.s32 $_tile_overlayer_lowered  }
0x9b: {  	s6 =	simm.s32 $0x1BFF;
	s21 =	sshll.u32 s5, $0x1;
	s3 =	sadd.s32 s20, s19  }
0x9c: {  	s22 =	simm.s32 $0x0;
	s4 =	sshll.u32 s4, $0x1;
	s5 =	sadd.s32 s21, s3  }
0x9d: {  	[timem:s22], [sflag:s6] =	dma.local [hbm:s5], s4  }
0x9e: {  	_ =	swait.ge [sflag:s6], s4  }
0x9f: {  	s4 =	ssub.s32 $0x0, s4;
	[sflag:s6] =	ssyncset.done $0x0  }
0xa0: {  	[sflag:s6] =	ssyncadd.s32 s4;
	_ =	sdelay $0x1  }
0xa1: {  	s23 =	simm.s32 $0x1B8B  }
0xa2: {  	_ =	swait.ge [sflag:s23], $0x1  }
0xa3: {  	[sflag:s23] =	ssyncset.done $0x0  }
0xa4: {  	[sflag:s23] =	ssyncadd.s32 $0xFFFFFFFF  }
0xa5: {  	s4 =	sld [smem:$0x0]  }
0xa6: {  	s5 =	sand.u32 $0xFFFFFFFE, s1  }
0xa7: {  	p0 =	sne.s32 s1, s5  }
0xa8: {  	s5 =	sshll.u32 @p0 s5, $0xE  }
0xa9: {  	s5 =	sadd.s32 @p0 $0x11B8D, s5;
	s6 =	sshll.u32 @p0 s4, $0x11  }
0xaa: {  	s5 =	sor.u32 @p0 s6, s5  }
0xab: {  	[sflag:s5] =	ssyncadd.remote.s32 @p0 $0x1;
	_ =	sdelay $0x1  }
0xac: {  	s5 =	simm.s32 @p0 $0x1B8D  }
0xad: {  	_ =	swait.eq @p0 [sflag:s5], $0x1  }
0xae: {  	[sflag:s5] =	ssyncadd.s32 @p0 $0xFFFFFFFF  }
0xaf: {  	s6 =	sshll.u32 @!p0 s1, $0xE  }
0xb0: {  	s6 =	sor.u32 @!p0 $0x4000, s6;
	s5 =	simm.s32 @!p0 $0x1B8D  }
0xb1: {  	s4 =	sshll.u32 @!p0 s4, $0x11;
	s6 =	sadd.s32 @!p0 $0x11B8D, s6;
	_ =	swait.eq @!p0 [sflag:s5], $0x1  }
0xb2: {  	s4 =	sor.u32 @!p0 s4, s6;
	[sflag:s5] =	ssyncadd.s32 @!p0 $0xFFFFFFFF  }
0xb3: {  	s25 =	simm.s32 $0x1B8E;
	s24 =	sld [smem:$0x3FFE];
	[sflag:s4] =	ssyncadd.remote.s32 @!p0 $0x1  }
0xb4: {  	s26 =	simm.s32 $execute0_lowered;
	[smem:$0x3FD2] =	sst s25  }
0xb5: {  	s5 =	sshll.u32 s26, $0x1;
	_ =	strace $0x80000061;
	[dreg:$0x1] =	wrdreg $0xFFFFFFFF  }
0xb6: {  	s28 =	simm.s32 $_size_execute0_lowered;
	s3 =	sadd.s32 s3, s5;
	[dreg:$0x0] =	wrdreg $0x0  }
0xb7: {  	s5 =	sshll.u32 s28, $0x1;
	[dreg:$0x2] =	wrdreg s3  }
0xb8: {  	[dreg:$0x3] =	wrdreg s5  }
0xb9: {  	[dreg:$0x4] =	wrdreg $0xC0  }
0xba: {  	_ =	task [dreg:s22], $0x5FFFF  }
0xbb: {  	[dreg:$0x1] =	wrdreg $0xFFFFFFFF  }
0xbc: {  	[dreg:$0x0] =	wrdreg $0x60  }
0xbd: {  	[dreg:$0x2] =	wrdreg s24  }
0xbe: {  	[dreg:$0x3] =	wrdreg $0x9  }
0xbf: {  	_ =	task.clear_ibuf [dreg:s22], $0x4FFFF;
	_ =	strace $0x90000061  }
0xc0: {  	s29 =	simm.s32 $0x9;
	_ =	strace $0x80000063  }
0xc1: {  	_ =	swait.ge [sflag:s29], $0x1  }
0xc2: {  	[sflag:s29] =	ssyncadd.s32 $0xFFFFFFFF  }
0xc3: {  	_ =	strace $0x90000063  }
0xc4: {  	_ =	sfence  }
0xc5: {  	s30 =	sld [smem:$0x0];
	_ =	sdelay $0x2  }
0xc6: {  	s31 =	sshll.u32 s1, $0xD;
	s1 =	sshrl.u32 s1, $0x2  }
0xc7: {  	s4 =	sand.u32 $0x4000, s31;
	s1 =	sadd.s32 s1, s30  }
0xc8: {  	s0 =	sor.u32 s4, s0;
	s1 =	sshll.u32 s1, $0x11  }
0xc9: {  	s0 =	sor.u32 s1, s0  }
0xca: {  	s0 =	sadd.s32 $0x8F2B, s0  }
0xcb: {  	[sflag:s0] =	ssyncadd.remote.s32 $0x1  }
0xcc: {  	_ =	sfence.sel $0xFFFF  }
0xcd: {  	[dreg:$0x0] =	wrdreg $0xFFFFFFFF;
	(pc) =	sbr.abs _section_cstart, $3  }
0xce: {  	[dreg:$0x1] =	wrdreg $0xFFFFFFFF  }
0xcf: {  	_ =	task.clear_ibuf [dreg:s22], $0x2FFFF;
	_ =	strace $0x9FFFFFFF  }
0xd0: {  	(tm) =	ssettm $0x7FFFFFFF  }
0xd1: {  	_ =	shalt  }
tec
execute0_lowered:
.L_overlay_start_1:
0x0: {  	(tag) =	ssettag $0x1  }
0x1: {  	s1 =	srdreg.scid;
	s0 =	stileid.u32  }
0x2: {  	s6 =	rddreg [dreg:$0x0];
	s7 =	simm.s32 $0x1;
	s1 =	sshll.u32 s1, $0x5  }
0x3: {  	s30 =	simm.s32 $0x2;
	s2 =	sshll.u32 s0, $0x6;
	s3 =	sand.u32 $0x20, s1  }
0x4: {  	s31 =	simm.s32 $0x3;
	s11 =	simm.s32 $0x0;
	s2 =	sor.u32 s2, s3  }
0x5: {  	s9 =	simm.s32 $0x0;
	s4 =	sadd.s32 $0x21C00, s6;
	s5 =	ssub.s32 $0x800, s2  }
0x6: {  	s1 =	rddreg [dreg:$0x1];
	_ =	strace $0x80000062;
	s8 =	sand.u32 $0x3E0, s5  }
0x7: {  	s3 =	sadd.s32 $0x5000, s6;
	[sflag:s7] =	ssyncpa.u1 $0x0;
	p0 =	sne.s32 s8, $0x0  }
0x8: {  	s6 =	sadd.s32 $0x21E00, s6;
	s5 =	sshrl.u32 s5, $0xA;
	s7 =	simm.s32 @!p0 $0x0  }
0x9: {  	[sflag:s30] =	ssyncpa.u1 $0x0;
	s10 =	smov.u32 s2;
	s5 =	sadd.s32 s7, s5  }
0xa: {  	[sflag:s31] =	ssyncpa.u1 $0x0;
	s8 =	simm.s32 $0x0;
	s7 =	sadd.s32 $0x1, s5  }
.LBB2_1:
0xb: {  	p0 =	sge.u32 s9, s5  }
0xc: {  	s31 =	sadd.s32 $0xFFFFFFFF, s9;
	s12 =	sxor.u32 @!p0 $0xFFFFFFFF, s8;
	s13 =	sshrl.u32 @!p0 s10, $0x3  }
0xd: {  	s14 =	sand.u32 @!p0 $0x7, s10;
	s12 =	sand.u32 @!p0 $0x20, s12;
	s13 =	sadd.s32 @!p0 s4, s13  }
0xe: {  	[tilespmem:s12], [sflag:$0x2] =	stream.linear.gather @!p0 [hbm4b:s13+s14], $0x20, $0x38;
	[tilespmem:$0x80] =	vst v63  }
0xf: {  	p0 =	sge.u32 s31, s5  }
0x10: {  	s12 =	simm.s32 @!p0 $0x2  }
0x11: {  	_ =	swait.ge @!p0 [sflag:s12], $0x20  }
0x12: {  	[sflag:s12] =	ssyncset.done @!p0 $0x0  }
0x13: {  	[sflag:s12] =	ssyncadd.s32 @!p0 $0xFFFFFFE0;
	s12 =	sand.u32 @!p0 $0x20, s8  }
0x14: {  	(ifvalue) =	ssetifvalue @!p0 $0x7FFFFFFF;
	v0 =	vld.msk @!p0 [tilespmem:s12+$0x0 ss:$0x1], $0xffff;
	_ =	sdelay $0x4  }
0x15: {  	vm0 =	vgt.s32 @!p0 v0, $0x0  }
0x16: {  	v0 =	vnsel @!p0 vm0, $0x0, v0  }
0x17: {  	v0 =	vmin.u32 @!p0 v0, $0x270FF;
	_ =	sdelay $0x2  }
0x18: {  	s14 =	simm.s32 @!p0 $0x0  }
0x19: {  	s13 =	sor.u32 @!p0 $0x40, s12;
	(ifvalue) =	ssetifvalue @!p0 $0x7FFFFFFF;
	s15 =	sor.u32 @!p0 $0x10, s12;
	vm0 =	vmmov @!p0 $0xffff  }
0x1a: {  	[tilespmem:s13], [sflag:$0x1] =	stream.indirect_vreg.gather @!p0 [hbm4b:s3+s14], $0x1, v0, vm0, $0x4038;
	[tilespmem:$0x80] =	vst v63  }
0x1b: {  	v0 =	vld.msk @!p0 [tilespmem:s15+$0x0 ss:$0x1], $0xffff;
	_ =	sdelay $0x4  }
0x1c: {  	vm1 =	vgt.s32 @!p0 v0, $0x0  }
0x1d: {  	v0 =	vnsel @!p0 vm1, $0x0, v0  }
0x1e: {  	v0 =	vmin.u32 @!p0 v0, $0x270FF;
	_ =	sdelay $0x3  }
0x1f: {  	s12 =	sor.u32 @!p0 $0x50, s12;
	(ifvalue) =	ssetifvalue @!p0 $0x7FFFFFFF  }
0x20: {  	[tilespmem:s12], [sflag:$0x1] =	stream.indirect_vreg.gather @!p0 [hbm4b:s3+s14], $0x1, v0, vm0, $0x4038;
	[tilespmem:$0x80] =	vst v63  }
0x21: {  	s12 =	simm.s32 @!p0 $0x1  }
0x22: {  	_ =	swait.ge @!p0 [sflag:s12], $0x20  }
0x23: {  	s14 =	sshrl.u32 @!p0 s11, $0x3;
	[sflag:s12] =	ssyncset.done @!p0 $0x0  }
0x24: {  	s11 =	sand.u32 @!p0 $0x7, s11;
	[sflag:s12] =	ssyncadd.s32 @!p0 $0xFFFFFFE0;
	s12 =	sadd.s32 @!p0 s6, s14  }
0x25: {  	[hbm4b:s12+s11] =	stream.linear.scatter @!p0 [tilespmem:s13], [sflag:$0x3], $0x20, $0x38;
	[tilespmem:$0x80] =	vst v63  }
0x26: {  	s13 =	sadd.s32 $0x400, s10  }
0x27: {  	p1 =	sgt.s32 s13, $0x7FF  }
0x28: {  	s13 =	smov.u32 @p1 s2;
	p1 =	sne.s32 s9, s7  }
.Ltmp0:
0x29: {  	p0 =	slt.u32 s9, $0x2;
	(pc) =	sbr.rel @p1 .LBB2_1-.Ltmp0, $4  }
0x2a: {  	s12 =	simm.s32 @!p0 $0x3  }
0x2b: {  	_ =	swait.ge @!p0 [sflag:s12], $0x20  }
0x2c: {  	s8 =	sadd.s32 $0x20, s8;
	s11 =	smov.u32 s10;
	[sflag:s12] =	ssyncset.done @!p0 $0x0  }
0x2d: {  	s9 =	sadd.s32 $0x1, s9;
	s10 =	smov.u32 s13;
	[sflag:s12] =	ssyncadd.s32 @!p0 $0xFFFFFFE0  }
0x2e: {  	_ =	sfence.sel $0x180000  }
0x2f: {  	s2 =	simm.s32 $0x2;
	[bflag:$0x0] =	sbarrier.arrive $0xFFFF  }
0x30: {  	s30 =	simm.s32 $0x3;
	[sflag:s2] =	ssyncpa.u1 $0x1  }
0x31: {  	s31 =	simm.s32 $0x1;
	[sflag:s30] =	ssyncpa.u1 $0x1  }
0x32: {  	[sflag:s31] =	ssyncpa.u1 $0x1  }
0x33: {  	p0 =	sne.s32 s0, $0x0;
	_ =	strace $0x90000062  }
0x34: {  	s0 =	sadd.s32 @!p0 $0x100000, s1;
	[bflag:$0x2] =	sbarrier.arrive $0xFFFF  }
0x35: {  	[sflag:s0] =	ssyncadd.tile.s32 @!p0 $0x1;
	_ =	shalt  }
.Lfunc_end2:
_tile_overlayer_lowered:
.L_overlay_start_2:
0x36: {  	(tag) =	ssettag $0x2  }
0x37: {  	s0 =	rddreg [dreg:$0x0];
	s2 =	stileid.u32  }
0x38: {  	s1 =	rddreg [dreg:$0x1];
	p0 =	sne.s32 s2, $0x0  }
0x39: {  	s3 =	rddreg [dreg:$0x2];
	[bflag:$0x3] =	sbarrier.arrive $0xFFFF;
	s2 =	simm.s32 @!p0 $0x1C01  }
0x3a: {  	[timem:s3], [sflag:s2] =	dma.local @!p0 [hbm:s0], s1  }
0x3b: {  	s0 =	simm.s32 @!p0 $0x1  }
0x3c: {  	_ =	swait.ge @!p0 [sflag:s0], s1  }
0x3d: {  	s1 =	ssub.s32 @!p0 $0x0, s1;
	[sflag:s0] =	ssyncset.done @!p0 $0x0  }
0x3e: {  	[sflag:s0] =	ssyncadd.s32 @!p0 s1  }
0x3f: {  	[bflag:$0x3] =	sbarrier.arrive $0xFFFF  }
0x40: {  	_ =	shalt  }

// kernel: gather_offload_async_start.2
scs
__scs_entry_jumppad:
0x0: {  	(pc) =	sbr.rel $0x88, $3  }
0x1: {  	(tag) =	ssettag $0x0;
	lr =	simm.s32 $0x1  }
0x2: {  	[smem:$0x3F8D] =	sst lr;
	_ =	strace $0xD0000000  }
0x3: {  	_ = 	snop  }
0x4: {  	_ = 	snop  }
0x5: {  	_ = 	snop  }
0x6: {  	_ = 	snop  }
0x7: {  	_ = 	snop  }
__scs_overlays_trampoline_lowered:
0x8: {  	[smem:$0x3F9C] =	sst s0  }
0x9: {  	[smem:$0x3F9D] =	sst s1  }
0xa: {  	[smem:$0x3F9E] =	sst s2  }
0xb: {  	[smem:$0x3F9F] =	sst s3  }
0xc: {  	[smem:$0x3FA0] =	sst s4  }
0xd: {  	[smem:$0x3FA1] =	sst s5  }
0xe: {  	[smem:$0x3FA2] =	sst s6  }
0xf: {  	[smem:$0x3FA3] =	sst s7  }
0x10: {  	[smem:$0x3FA4] =	sst s8  }
0x11: {  	[smem:$0x3FA5] =	sst s9;
	s0 =	simm.s32 @!p0 $0x0  }
0x12: {  	s1 =	sld [smem:$0x3F8B];
	s0 =	simm.s32 @p0 $0x1  }
0x13: {  	[smem:$0x3FA6] =	sst s0;
	s0 =	simm.s32 @!p1 $0x0  }
0x14: {  	s2 =	sld [smem:$0x3F8A];
	s0 =	simm.s32 @p1 $0x1  }
0x15: {  	[smem:$0x3FA7] =	sst s0;
	s0 =	simm.s32 @!p2 $0x0  }
0x16: {  	s3 =	sld [smem:$0x3FDB];
	s0 =	simm.s32 @p2 $0x1  }
0x17: {  	s4 =	simm.s32 $0x1BF5;
	[smem:$0x3FA9] =	sst s0  }
0x18: {  	s0 =	sld [smem:$0x3F8C];
	_ =	swait.ge [sflag:s4], $0x0  }
0x19: {  	s7 =	sld [smem:$0x3F8D]  }
0x1a: {  	s8 =	sadd.s32 $0xFFFFE003, lr  }
0x1b: {  	s9 =	sadd.s32 $0xFFFFFEF7, lr;
	s5 =	simm.s32 $0xFFFFFFFF;
	p2 =	slt.u32 s8, $0xFFFFF086  }
0x1c: {  	p1 =	slt.u32 s9, $0xF7A;
	s5 =	simm.s32 @!p2 $0x0  }
0x1d: {  	s5 =	simm.s32 @p1 $0x1;
	p0 =	seq.s32 s7, s2  }
0x1e: {  	s7 =	smul.u32 @!p0 $0xF7A, s2;
	p2 =	seq.s32 @!p0 s5, $0x0  }
0x1f: {  	s9 =	smul.u32 $0xF7A, s1;
	s8 =	simm.s32 @!p0 $0x1BF5;
	p2 =	por !p2, p0  }
0x20: {  	[sflag:s8] =	ssyncset.s32 @!p0 $0xFFFFF086;
	s6 =	sadd.s32 @!p0 s3, s7;
	s7 =	simm.s32 @!p0 $0x108  }
0x21: {  	s3 =	sadd.s32 s3, s9;
	s6 =	sadd.s32 @!p0 $0x88, s6;
	s7 =	simm.s32 @p2 $0x1082  }
0x22: {  	[simem:s7], [sflag:s8] =	dma.local @!p0 [hbm:s6], $0xF7A  }
0x23: {  	s9 =	sor.u32 $0xD0000000, s2;
	s6 =	simm.s32 $0x108;
	_ =	swait.ge @!p0 [sflag:s8], $0x0  }
0x24: {  	s3 =	sadd.s32 $0x88, s3;
	s6 =	simm.s32 @!p1 $0x1082;
	[sflag:s4] =	ssyncset.s32 $0xFFFFF086  }
0x25: {  	[simem:s6], [sflag:s4] =	dma.local [hbm:s3], $0xF7A  }
0x26: {  	[smem:$0x3F8D] =	sst s1;
	(tag) =	ssettag s2;
	_ =	strace s9  }
0x27: {  	s1 =	sld [smem:$0x3F9D]  }
0x28: {  	s2 =	sld [smem:$0x3F9E]  }
0x29: {  	s4 =	sld [smem:$0x3FA0]  }
0x2a: {  	p0 =	seq.s32 s5, $0x0;
	s5 =	sld [smem:$0x3FA1]  }
0x2b: {  	s6 =	sld [smem:$0x3FA2]  }
0x2c: {  	s7 =	sld [smem:$0x3FA3]  }
0x2d: {  	s3 =	simm.s32 $0x108;
	s8 =	sld [smem:$0x3FA4]  }
0x2e: {  	s3 =	simm.s32 @!p0 $0x1082;
	s9 =	sld [smem:$0x3FA5]  }
0x2f: {  	lr =	sadd.s32 s0, s3;
	s0 =	sld [smem:$0x3F9C]  }
0x30: {  	s3 =	sld [smem:$0x3F9F]  }
0x31: {  	[smem:$0x3FA8] =	sst s10  }
0x32: {  	s10 =	sld [smem:$0x3FA6];
	_ =	sdelay $0x3  }
0x33: {  	p0 =	seq.s32 s10, $0x1;
	s10 =	sld [smem:$0x3FA8];
	_ =	sdelay $0x3  }
0x34: {  	[smem:$0x3FA8] =	sst s10  }
0x35: {  	s10 =	sld [smem:$0x3FA7];
	_ =	sdelay $0x3  }
0x36: {  	p1 =	seq.s32 s10, $0x1;
	s10 =	sld [smem:$0x3FA8];
	_ =	sdelay $0x3  }
0x37: {  	[smem:$0x3FA8] =	sst s10  }
0x38: {  	s10 =	sld [smem:$0x3FA9]  }
0x39: {  	_ = 	snop;
	(pc) =	sbr.ind lr, $3  }
0x3a: {  	_ = 	snop  }
0x3b: {  	_ = 	snop  }
0x3c: {  	p2 =	seq.s32 s10, $0x1;
	s10 =	sld [smem:$0x3FA8]  }
0x3d: {  	_ =	shalt  }
0x3e: {  	_ =	shalt  }
0x3f: {  	_ =	shalt  }
0x40: {  	_ =	shalt  }
0x41: {  	_ =	shalt  }
0x42: {  	_ =	shalt  }
0x43: {  	_ =	shalt  }
0x44: {  	_ =	shalt  }
0x45: {  	_ =	shalt  }
0x46: {  	_ =	shalt  }
0x47: {  	_ =	shalt  }
0x48: {  	_ =	shalt  }
0x49: {  	_ =	shalt  }
0x4a: {  	_ =	shalt  }
0x4b: {  	_ =	shalt  }
0x4c: {  	_ =	shalt  }
0x4d: {  	_ =	shalt  }
0x4e: {  	_ =	shalt  }
0x4f: {  	_ =	shalt  }
0x50: {  	_ =	shalt  }
0x51: {  	_ =	shalt  }
0x52: {  	_ =	shalt  }
0x53: {  	_ =	shalt  }
0x54: {  	_ =	shalt  }
0x55: {  	_ =	shalt  }
0x56: {  	_ =	shalt  }
0x57: {  	_ =	shalt  }
0x58: {  	_ =	shalt  }
0x59: {  	_ =	shalt  }
0x5a: {  	_ =	shalt  }
0x5b: {  	_ =	shalt  }
0x5c: {  	_ =	shalt  }
0x5d: {  	_ =	shalt  }
0x5e: {  	_ =	shalt  }
0x5f: {  	_ =	shalt  }
0x60: {  	_ =	shalt  }
0x61: {  	_ =	shalt  }
0x62: {  	_ =	shalt  }
0x63: {  	_ =	shalt  }
0x64: {  	_ =	shalt  }
0x65: {  	_ =	shalt  }
0x66: {  	_ =	shalt  }
0x67: {  	_ =	shalt  }
0x68: {  	_ =	shalt  }
0x69: {  	_ =	shalt  }
0x6a: {  	_ =	shalt  }
0x6b: {  	_ =	shalt  }
0x6c: {  	_ =	shalt  }
0x6d: {  	_ =	shalt  }
0x6e: {  	_ =	shalt  }
0x6f: {  	_ =	shalt  }
0x70: {  	_ =	shalt  }
0x71: {  	_ =	shalt  }
0x72: {  	_ =	shalt  }
0x73: {  	_ =	shalt  }
0x74: {  	_ =	shalt  }
0x75: {  	_ =	shalt  }
0x76: {  	_ =	shalt  }
0x77: {  	_ =	shalt  }
0x78: {  	_ =	shalt  }
0x79: {  	_ =	shalt  }
0x7a: {  	_ =	shalt  }
0x7b: {  	_ =	shalt  }
0x7c: {  	_ =	shalt  }
0x7d: {  	_ =	shalt  }
0x7e: {  	_ =	shalt  }
0x7f: {  	_ =	shalt  }
0x80: {  	_ =	shalt  }
0x81: {  	_ =	shalt  }
0x82: {  	_ =	shalt  }
0x83: {  	_ =	shalt  }
0x84: {  	_ =	shalt  }
0x85: {  	_ =	shalt  }
0x86: {  	_ =	shalt  }
0x87: {  	_ =	shalt  }
.Lfunc_end0:
.L_simem_size_0:
called_computation.6_lowered:
.L_overlay_start_0:
0x88: {  	s2 =	sld [smem:$0x3FD9]  }
0x89: {  	s3 =	sld [smem:$0x3FFE];
	_ =	sdelay $0x1  }
0x8a: {  	s1 =	srdreg.scid  }
0x8b: {  	s0 =	sand.u32 $0x1, s1  }
0x8c: {  	s16 =	sshll.u32 s0, $0xA;
	s2 =	sadd.s32 s3, s2  }
0x8d: {  	s2 =	sadd.s32 s2, s16  }
0x8e: {  	[smem:$0x3FB4] =	sst s2  }
0x8f: {  	_ = 	snop  }
0x90: {  	(tm) =	ssettm $0x1  }
0x91: {  	s17 =	sld [smem:$0x3FFB];
	_ =	sdelay $0x3  }
0x92: {  	_ =	strace s17  }
0x93: {  	s2 =	sld [smem:$0x3FFC];
	_ =	sdelay $0x3  }
0x94: {  	_ =	strace s2  }
0x95: {  	s2 =	sld [smem:$0x3FFD];
	_ =	sdelay $0x3  }
0x96: {  	_ =	strace s2  }
0x97: {  	_ =	strace $0x8FFFFFFF  }
0x98: {  	s18 =	sld [smem:$0x3FDB];
	_ =	sdelay $0x1  }
0x99: {  	s19 =	simm.s32 $_scs_section_size  }
0x9a: {  	s4 =	simm.s32 $_size__tile_overlayer_lowered;
	s5 =	simm.s32 $_tile_overlayer_lowered  }
0x9b: {  	s22 =	simm.s32 $0x1BFF;
	s21 =	sshll.u32 s5, $0x1;
	s2 =	sadd.s32 s19, s18  }
0x9c: {  	s6 =	simm.s32 $0x0;
	s20 =	sshll.u32 s4, $0x1;
	s4 =	sadd.s32 s21, s2  }
0x9d: {  	[timem:s6], [sflag:s22] =	dma.local [hbm:s4], s20  }
0x9e: {  	_ =	swait.ge [sflag:s22], s20  }
0x9f: {  	s3 =	ssub.s32 $0x0, s20;
	[sflag:s22] =	ssyncset.done $0x0  }
0xa0: {  	[sflag:s22] =	ssyncadd.s32 s3;
	_ =	sdelay $0x1  }
0xa1: {  	s23 =	simm.s32 $0x1B8B  }
0xa2: {  	_ =	swait.ge [sflag:s23], $0x1  }
0xa3: {  	[sflag:s23] =	ssyncset.done $0x0  }
0xa4: {  	s25 =	simm.s32 $0x1B8E;
	s24 =	sld [smem:$0x3FFE];
	[sflag:s23] =	ssyncadd.s32 $0xFFFFFFFF  }
0xa5: {  	s26 =	simm.s32 $execute0_lowered;
	[smem:$0x3FD2] =	sst s25  }
0xa6: {  	s4 =	sshll.u32 s26, $0x1;
	_ =	strace $0x80000058;
	[dreg:$0x1] =	wrdreg $0xFFFFFFFF  }
0xa7: {  	s28 =	simm.s32 $_size_execute0_lowered;
	s2 =	sadd.s32 s2, s4;
	[dreg:$0x0] =	wrdreg $0x0  }
0xa8: {  	s4 =	sshll.u32 s28, $0x1;
	[dreg:$0x2] =	wrdreg s2  }
0xa9: {  	[dreg:$0x3] =	wrdreg s4  }
0xaa: {  	[dreg:$0x4] =	wrdreg $0xC0  }
0xab: {  	_ =	task [dreg:s6], $0x5FFFF  }
0xac: {  	[dreg:$0x1] =	wrdreg $0xFFFFFFFF  }
0xad: {  	[dreg:$0x0] =	wrdreg $0x60  }
0xae: {  	[dreg:$0x2] =	wrdreg s24  }
0xaf: {  	[dreg:$0x3] =	wrdreg $0xA  }
0xb0: {  	_ =	task.clear_ibuf [dreg:s6], $0x4FFFF;
	_ =	strace $0x90000058  }
0xb1: {  	s29 =	simm.s32 $0xA;
	_ =	strace $0x8000005A  }
0xb2: {  	_ =	swait.ge [sflag:s29], $0x1  }
0xb3: {  	[sflag:s29] =	ssyncadd.s32 $0xFFFFFFFF  }
0xb4: {  	_ =	strace $0x9000005A  }
0xb5: {  	_ =	sfence  }
0xb6: {  	s30 =	sld [smem:$0x0];
	_ =	sdelay $0x2  }
0xb7: {  	s31 =	sshll.u32 s1, $0xD;
	s1 =	sshrl.u32 s1, $0x2  }
0xb8: {  	s3 =	sand.u32 $0x4000, s31;
	s1 =	sadd.s32 s1, s30  }
0xb9: {  	s0 =	sor.u32 s3, s0;
	s1 =	sshll.u32 s1, $0x11  }
0xba: {  	s0 =	sor.u32 s1, s0  }
0xbb: {  	s0 =	sadd.s32 $0x8F2B, s0  }
0xbc: {  	[sflag:s0] =	ssyncadd.remote.s32 $0x1  }
0xbd: {  	_ =	sfence.sel $0xFFFF  }
0xbe: {  	[dreg:$0x0] =	wrdreg $0xFFFFFFFF;
	(pc) =	sbr.abs _section_cstart, $3  }
0xbf: {  	[dreg:$0x1] =	wrdreg $0xFFFFFFFF  }
0xc0: {  	_ =	task.clear_ibuf [dreg:s6], $0x2FFFF;
	_ =	strace $0x9FFFFFFF  }
0xc1: {  	(tm) =	ssettm $0x7FFFFFFF  }
tec
execute0_lowered:
.L_overlay_start_1:
0x0: {  	(tag) =	ssettag $0x1  }
0x1: {  	s1 =	srdreg.scid;
	s0 =	stileid.u32  }
0x2: {  	s6 =	rddreg [dreg:$0x0];
	s7 =	simm.s32 $0x1;
	s1 =	sshll.u32 s1, $0x5  }
0x3: {  	s30 =	simm.s32 $0x2;
	s2 =	sshll.u32 s0, $0x6;
	s3 =	sand.u32 $0x20, s1  }
0x4: {  	s31 =	simm.s32 $0x3;
	s11 =	simm.s32 $0x0;
	s2 =	sor.u32 s2, s3  }
0x5: {  	s9 =	simm.s32 $0x0;
	s4 =	sadd.s32 $0x21E00, s6;
	s5 =	ssub.s32 $0x800, s2  }
0x6: {  	s1 =	rddreg [dreg:$0x1];
	_ =	strace $0x80000059;
	s8 =	sand.u32 $0x3E0, s5  }
0x7: {  	s3 =	sadd.s32 $0xA000, s6;
	[sflag:s7] =	ssyncpa.u1 $0x0;
	p0 =	sne.s32 s8, $0x0  }
0x8: {  	s6 =	sadd.s32 $0x22000, s6;
	s5 =	sshrl.u32 s5, $0xA;
	s7 =	simm.s32 @!p0 $0x0  }
0x9: {  	[sflag:s30] =	ssyncpa.u1 $0x0;
	s10 =	smov.u32 s2;
	s5 =	sadd.s32 s7, s5  }
0xa: {  	[sflag:s31] =	ssyncpa.u1 $0x0;
	s8 =	simm.s32 $0x0;
	s7 =	sadd.s32 $0x1, s5  }
.LBB2_1:
0xb: {  	p0 =	sge.u32 s9, s5  }
0xc: {  	s31 =	sadd.s32 $0xFFFFFFFF, s9;
	s12 =	sxor.u32 @!p0 $0xFFFFFFFF, s8;
	s13 =	sshrl.u32 @!p0 s10, $0x3  }
0xd: {  	s14 =	sand.u32 @!p0 $0x7, s10;
	s12 =	sand.u32 @!p0 $0x20, s12;
	s13 =	sadd.s32 @!p0 s4, s13  }
0xe: {  	[tilespmem:s12], [sflag:$0x2] =	stream.linear.gather @!p0 [hbm4b:s13+s14], $0x20, $0x38;
	[tilespmem:$0x80] =	vst v63  }
0xf: {  	p0 =	sge.u32 s31, s5  }
0x10: {  	s12 =	simm.s32 @!p0 $0x2  }
0x11: {  	_ =	swait.ge @!p0 [sflag:s12], $0x20  }
0x12: {  	[sflag:s12] =	ssyncset.done @!p0 $0x0  }
0x13: {  	[sflag:s12] =	ssyncadd.s32 @!p0 $0xFFFFFFE0;
	s12 =	sand.u32 @!p0 $0x20, s8  }
0x14: {  	(ifvalue) =	ssetifvalue @!p0 $0x7FFFFFFF;
	v0 =	vld.msk @!p0 [tilespmem:s12+$0x0 ss:$0x1], $0xffff;
	_ =	sdelay $0x4  }
0x15: {  	vm0 =	vgt.s32 @!p0 v0, $0x0  }
0x16: {  	v0 =	vnsel @!p0 vm0, $0x0, v0  }
0x17: {  	v0 =	vmin.u32 @!p0 v0, $0x270FF;
	_ =	sdelay $0x2  }
0x18: {  	s14 =	simm.s32 @!p0 $0x0  }
0x19: {  	s13 =	sor.u32 @!p0 $0x40, s12;
	(ifvalue) =	ssetifvalue @!p0 $0x7FFFFFFF;
	s15 =	sor.u32 @!p0 $0x10, s12;
	vm0 =	vmmov @!p0 $0xffff  }
0x1a: {  	[tilespmem:s13], [sflag:$0x1] =	stream.indirect_vreg.gather @!p0 [hbm4b:s3+s14], $0x1, v0, vm0, $0x4038;
	[tilespmem:$0x80] =	vst v63  }
0x1b: {  	v0 =	vld.msk @!p0 [tilespmem:s15+$0x0 ss:$0x1], $0xffff;
	_ =	sdelay $0x4  }
0x1c: {  	vm1 =	vgt.s32 @!p0 v0, $0x0  }
0x1d: {  	v0 =	vnsel @!p0 vm1, $0x0, v0  }
0x1e: {  	v0 =	vmin.u32 @!p0 v0, $0x270FF;
	_ =	sdelay $0x3  }
0x1f: {  	s12 =	sor.u32 @!p0 $0x50, s12;
	(ifvalue) =	ssetifvalue @!p0 $0x7FFFFFFF  }
0x20: {  	[tilespmem:s12], [sflag:$0x1] =	stream.indirect_vreg.gather @!p0 [hbm4b:s3+s14], $0x1, v0, vm0, $0x4038;
	[tilespmem:$0x80] =	vst v63  }
0x21: {  	s12 =	simm.s32 @!p0 $0x1  }
0x22: {  	_ =	swait.ge @!p0 [sflag:s12], $0x20  }
0x23: {  	s14 =	sshrl.u32 @!p0 s11, $0x3;
	[sflag:s12] =	ssyncset.done @!p0 $0x0  }
0x24: {  	s11 =	sand.u32 @!p0 $0x7, s11;
	[sflag:s12] =	ssyncadd.s32 @!p0 $0xFFFFFFE0;
	s12 =	sadd.s32 @!p0 s6, s14  }
0x25: {  	[hbm4b:s12+s11] =	stream.linear.scatter @!p0 [tilespmem:s13], [sflag:$0x3], $0x20, $0x38;
	[tilespmem:$0x80] =	vst v63  }
0x26: {  	s13 =	sadd.s32 $0x400, s10  }
0x27: {  	p1 =	sgt.s32 s13, $0x7FF  }
0x28: {  	s13 =	smov.u32 @p1 s2;
	p1 =	sne.s32 s9, s7  }
.Ltmp0:
0x29: {  	p0 =	slt.u32 s9, $0x2;
	(pc) =	sbr.rel @p1 .LBB2_1-.Ltmp0, $4  }
0x2a: {  	s12 =	simm.s32 @!p0 $0x3  }
0x2b: {  	_ =	swait.ge @!p0 [sflag:s12], $0x20  }
0x2c: {  	s8 =	sadd.s32 $0x20, s8;
	s11 =	smov.u32 s10;
	[sflag:s12] =	ssyncset.done @!p0 $0x0  }
0x2d: {  	s9 =	sadd.s32 $0x1, s9;
	s10 =	smov.u32 s13;
	[sflag:s12] =	ssyncadd.s32 @!p0 $0xFFFFFFE0  }
0x2e: {  	_ =	sfence.sel $0x180000  }
0x2f: {  	s2 =	simm.s32 $0x2;
	[bflag:$0x0] =	sbarrier.arrive $0xFFFF  }
0x30: {  	s30 =	simm.s32 $0x3;
	[sflag:s2] =	ssyncpa.u1 $0x1  }
0x31: {  	s31 =	simm.s32 $0x1;
	[sflag:s30] =	ssyncpa.u1 $0x1  }
0x32: {  	[sflag:s31] =	ssyncpa.u1 $0x1  }
0x33: {  	p0 =	sne.s32 s0, $0x0;
	_ =	strace $0x90000059  }
0x34: {  	s0 =	sadd.s32 @!p0 $0x100000, s1;
	[bflag:$0x2] =	sbarrier.arrive $0xFFFF  }
0x35: {  	[sflag:s0] =	ssyncadd.tile.s32 @!p0 $0x1;
	_ =	shalt  }
.Lfunc_end2:
_tile_overlayer_lowered:
.L_overlay_start_2:
0x36: {  	(tag) =	ssettag $0x2  }
0x37: {  	s0 =	rddreg [dreg:$0x0];
	s2 =	stileid.u32  }
0x38: {  	s1 =	rddreg [dreg:$0x1];
	p0 =	sne.s32 s2, $0x0  }
0x39: {  	s3 =	rddreg [dreg:$0x2];
	[bflag:$0x3] =	sbarrier.arrive $0xFFFF;
	s2 =	simm.s32 @!p0 $0x1C01  }
0x3a: {  	[timem:s3], [sflag:s2] =	dma.local @!p0 [hbm:s0], s1  }
0x3b: {  	s0 =	simm.s32 @!p0 $0x1  }
0x3c: {  	_ =	swait.ge @!p0 [sflag:s0], s1  }
0x3d: {  	s1 =	ssub.s32 @!p0 $0x0, s1;
	[sflag:s0] =	ssyncset.done @!p0 $0x0  }
0x3e: {  	[sflag:s0] =	ssyncadd.s32 @!p0 s1  }
0x3f: {  	[bflag:$0x3] =	sbarrier.arrive $0xFFFF  }
0x40: {  	_ =	shalt  }

// kernel: gather_offload_async_start.3
scs
__scs_entry_jumppad:
0x0: {  	(pc) =	sbr.rel $0x88, $3  }
0x1: {  	(tag) =	ssettag $0x0;
	lr =	simm.s32 $0x1  }
0x2: {  	[smem:$0x3F8D] =	sst lr;
	_ =	strace $0xD0000000  }
0x3: {  	_ = 	snop  }
0x4: {  	_ = 	snop  }
0x5: {  	_ = 	snop  }
0x6: {  	_ = 	snop  }
0x7: {  	_ = 	snop  }
__scs_overlays_trampoline_lowered:
0x8: {  	[smem:$0x3F9C] =	sst s0  }
0x9: {  	[smem:$0x3F9D] =	sst s1  }
0xa: {  	[smem:$0x3F9E] =	sst s2  }
0xb: {  	[smem:$0x3F9F] =	sst s3  }
0xc: {  	[smem:$0x3FA0] =	sst s4  }
0xd: {  	[smem:$0x3FA1] =	sst s5  }
0xe: {  	[smem:$0x3FA2] =	sst s6  }
0xf: {  	[smem:$0x3FA3] =	sst s7  }
0x10: {  	[smem:$0x3FA4] =	sst s8  }
0x11: {  	[smem:$0x3FA5] =	sst s9;
	s0 =	simm.s32 @!p0 $0x0  }
0x12: {  	s1 =	sld [smem:$0x3F8B];
	s0 =	simm.s32 @p0 $0x1  }
0x13: {  	[smem:$0x3FA6] =	sst s0;
	s0 =	simm.s32 @!p1 $0x0  }
0x14: {  	s2 =	sld [smem:$0x3F8A];
	s0 =	simm.s32 @p1 $0x1  }
0x15: {  	[smem:$0x3FA7] =	sst s0;
	s0 =	simm.s32 @!p2 $0x0  }
0x16: {  	s3 =	sld [smem:$0x3FDB];
	s0 =	simm.s32 @p2 $0x1  }
0x17: {  	s4 =	simm.s32 $0x1BF5;
	[smem:$0x3FA9] =	sst s0  }
0x18: {  	s0 =	sld [smem:$0x3F8C];
	_ =	swait.ge [sflag:s4], $0x0  }
0x19: {  	s7 =	sld [smem:$0x3F8D]  }
0x1a: {  	s8 =	sadd.s32 $0xFFFFE003, lr  }
0x1b: {  	s9 =	sadd.s32 $0xFFFFFEF7, lr;
	s5 =	simm.s32 $0xFFFFFFFF;
	p2 =	slt.u32 s8, $0xFFFFF086  }
0x1c: {  	p1 =	slt.u32 s9, $0xF7A;
	s5 =	simm.s32 @!p2 $0x0  }
0x1d: {  	s5 =	simm.s32 @p1 $0x1;
	p0 =	seq.s32 s7, s2  }
0x1e: {  	s7 =	smul.u32 @!p0 $0xF7A, s2;
	p2 =	seq.s32 @!p0 s5, $0x0  }
0x1f: {  	s9 =	smul.u32 $0xF7A, s1;
	s8 =	simm.s32 @!p0 $0x1BF5;
	p2 =	por !p2, p0  }
0x20: {  	[sflag:s8] =	ssyncset.s32 @!p0 $0xFFFFF086;
	s6 =	sadd.s32 @!p0 s3, s7;
	s7 =	simm.s32 @!p0 $0x108  }
0x21: {  	s3 =	sadd.s32 s3, s9;
	s6 =	sadd.s32 @!p0 $0x88, s6;
	s7 =	simm.s32 @p2 $0x1082  }
0x22: {  	[simem:s7], [sflag:s8] =	dma.local @!p0 [hbm:s6], $0xF7A  }
0x23: {  	s9 =	sor.u32 $0xD0000000, s2;
	s6 =	simm.s32 $0x108;
	_ =	swait.ge @!p0 [sflag:s8], $0x0  }
0x24: {  	s3 =	sadd.s32 $0x88, s3;
	s6 =	simm.s32 @!p1 $0x1082;
	[sflag:s4] =	ssyncset.s32 $0xFFFFF086  }
0x25: {  	[simem:s6], [sflag:s4] =	dma.local [hbm:s3], $0xF7A  }
0x26: {  	[smem:$0x3F8D] =	sst s1;
	(tag) =	ssettag s2;
	_ =	strace s9  }
0x27: {  	s1 =	sld [smem:$0x3F9D]  }
0x28: {  	s2 =	sld [smem:$0x3F9E]  }
0x29: {  	s4 =	sld [smem:$0x3FA0]  }
0x2a: {  	p0 =	seq.s32 s5, $0x0;
	s5 =	sld [smem:$0x3FA1]  }
0x2b: {  	s6 =	sld [smem:$0x3FA2]  }
0x2c: {  	s7 =	sld [smem:$0x3FA3]  }
0x2d: {  	s3 =	simm.s32 $0x108;
	s8 =	sld [smem:$0x3FA4]  }
0x2e: {  	s3 =	simm.s32 @!p0 $0x1082;
	s9 =	sld [smem:$0x3FA5]  }
0x2f: {  	lr =	sadd.s32 s0, s3;
	s0 =	sld [smem:$0x3F9C]  }
0x30: {  	s3 =	sld [smem:$0x3F9F]  }
0x31: {  	[smem:$0x3FA8] =	sst s10  }
0x32: {  	s10 =	sld [smem:$0x3FA6];
	_ =	sdelay $0x3  }
0x33: {  	p0 =	seq.s32 s10, $0x1;
	s10 =	sld [smem:$0x3FA8];
	_ =	sdelay $0x3  }
0x34: {  	[smem:$0x3FA8] =	sst s10  }
0x35: {  	s10 =	sld [smem:$0x3FA7];
	_ =	sdelay $0x3  }
0x36: {  	p1 =	seq.s32 s10, $0x1;
	s10 =	sld [smem:$0x3FA8];
	_ =	sdelay $0x3  }
0x37: {  	[smem:$0x3FA8] =	sst s10  }
0x38: {  	s10 =	sld [smem:$0x3FA9]  }
0x39: {  	_ = 	snop;
	(pc) =	sbr.ind lr, $3  }
0x3a: {  	_ = 	snop  }
0x3b: {  	_ = 	snop  }
0x3c: {  	p2 =	seq.s32 s10, $0x1;
	s10 =	sld [smem:$0x3FA8]  }
0x3d: {  	_ =	shalt  }
0x3e: {  	_ =	shalt  }
0x3f: {  	_ =	shalt  }
0x40: {  	_ =	shalt  }
0x41: {  	_ =	shalt  }
0x42: {  	_ =	shalt  }
0x43: {  	_ =	shalt  }
0x44: {  	_ =	shalt  }
0x45: {  	_ =	shalt  }
0x46: {  	_ =	shalt  }
0x47: {  	_ =	shalt  }
0x48: {  	_ =	shalt  }
0x49: {  	_ =	shalt  }
0x4a: {  	_ =	shalt  }
0x4b: {  	_ =	shalt  }
0x4c: {  	_ =	shalt  }
0x4d: {  	_ =	shalt  }
0x4e: {  	_ =	shalt  }
0x4f: {  	_ =	shalt  }
0x50: {  	_ =	shalt  }
0x51: {  	_ =	shalt  }
0x52: {  	_ =	shalt  }
0x53: {  	_ =	shalt  }
0x54: {  	_ =	shalt  }
0x55: {  	_ =	shalt  }
0x56: {  	_ =	shalt  }
0x57: {  	_ =	shalt  }
0x58: {  	_ =	shalt  }
0x59: {  	_ =	shalt  }
0x5a: {  	_ =	shalt  }
0x5b: {  	_ =	shalt  }
0x5c: {  	_ =	shalt  }
0x5d: {  	_ =	shalt  }
0x5e: {  	_ =	shalt  }
0x5f: {  	_ =	shalt  }
0x60: {  	_ =	shalt  }
0x61: {  	_ =	shalt  }
0x62: {  	_ =	shalt  }
0x63: {  	_ =	shalt  }
0x64: {  	_ =	shalt  }
0x65: {  	_ =	shalt  }
0x66: {  	_ =	shalt  }
0x67: {  	_ =	shalt  }
0x68: {  	_ =	shalt  }
0x69: {  	_ =	shalt  }
0x6a: {  	_ =	shalt  }
0x6b: {  	_ =	shalt  }
0x6c: {  	_ =	shalt  }
0x6d: {  	_ =	shalt  }
0x6e: {  	_ =	shalt  }
0x6f: {  	_ =	shalt  }
0x70: {  	_ =	shalt  }
0x71: {  	_ =	shalt  }
0x72: {  	_ =	shalt  }
0x73: {  	_ =	shalt  }
0x74: {  	_ =	shalt  }
0x75: {  	_ =	shalt  }
0x76: {  	_ =	shalt  }
0x77: {  	_ =	shalt  }
0x78: {  	_ =	shalt  }
0x79: {  	_ =	shalt  }
0x7a: {  	_ =	shalt  }
0x7b: {  	_ =	shalt  }
0x7c: {  	_ =	shalt  }
0x7d: {  	_ =	shalt  }
0x7e: {  	_ =	shalt  }
0x7f: {  	_ =	shalt  }
0x80: {  	_ =	shalt  }
0x81: {  	_ =	shalt  }
0x82: {  	_ =	shalt  }
0x83: {  	_ =	shalt  }
0x84: {  	_ =	shalt  }
0x85: {  	_ =	shalt  }
0x86: {  	_ =	shalt  }
0x87: {  	_ =	shalt  }
.Lfunc_end0:
.L_simem_size_0:
called_computation.7_lowered:
.L_overlay_start_0:
0x88: {  	s2 =	sld [smem:$0x3FD9]  }
0x89: {  	s3 =	sld [smem:$0x3FFE];
	_ =	sdelay $0x1  }
0x8a: {  	s1 =	srdreg.scid  }
0x8b: {  	s0 =	sand.u32 $0x1, s1  }
0x8c: {  	s17 =	sshll.u32 s0, $0xA;
	s2 =	sadd.s32 s3, s2  }
0x8d: {  	s2 =	sadd.s32 s2, s17  }
0x8e: {  	[smem:$0x3FB4] =	sst s2  }
0x8f: {  	_ = 	snop  }
0x90: {  	s18 =	sld [smem:$0x3FC8];
	(tm) =	ssettm $0x1  }
0x91: {  	s19 =	sld [smem:$0x3FFB];
	_ =	sdelay $0x3  }
0x92: {  	_ =	strace s19  }
0x93: {  	s2 =	sld [smem:$0x3FFC];
	_ =	sdelay $0x3  }
0x94: {  	_ =	strace s2  }
0x95: {  	s2 =	sld [smem:$0x3FFD];
	_ =	sdelay $0x3  }
0x96: {  	_ =	strace s2  }
0x97: {  	_ =	strace $0x8FFFFFFF  }
0x98: {  	s20 =	sld [smem:$0x3FDB];
	_ =	sdelay $0x1  }
0x99: {  	s4 =	simm.s32 $_scs_section_size  }
0x9a: {  	s5 =	simm.s32 $_size__tile_overlayer_lowered;
	s6 =	simm.s32 $_tile_overlayer_lowered  }
0x9b: {  	s7 =	simm.s32 $0x1BFF;
	s21 =	sshll.u32 s6, $0x1;
	s4 =	sadd.s32 s4, s20  }
0x9c: {  	s22 =	simm.s32 $0x0;
	s5 =	sshll.u32 s5, $0x1;
	s6 =	sadd.s32 s21, s4  }
0x9d: {  	[timem:s22], [sflag:s7] =	dma.local [hbm:s6], s5  }
0x9e: {  	_ =	swait.ge [sflag:s7], s5  }
0x9f: {  	s5 =	ssub.s32 $0x0, s5;
	[sflag:s7] =	ssyncset.done $0x0  }
0xa0: {  	[sflag:s7] =	ssyncadd.s32 s5;
	_ =	sdelay $0x1  }
0xa1: {  	s23 =	simm.s32 $0x1B8B  }
0xa2: {  	_ =	swait.ge [sflag:s23], $0x1  }
0xa3: {  	[sflag:s23] =	ssyncset.done $0x0  }
0xa4: {  	[sflag:s23] =	ssyncadd.s32 $0xFFFFFFFF  }
0xa5: {  	s5 =	sld [smem:$0x0]  }
0xa6: {  	s6 =	sand.u32 $0xFFFFFFFE, s1  }
0xa7: {  	p0 =	sne.s32 s1, s6  }
0xa8: {  	s6 =	sshll.u32 @p0 s6, $0xE  }
0xa9: {  	s6 =	sadd.s32 @p0 $0x11B8D, s6;
	s7 =	sshll.u32 @p0 s5, $0x11  }
0xaa: {  	s6 =	sor.u32 @p0 s7, s6  }
0xab: {  	[sflag:s6] =	ssyncadd.remote.s32 @p0 $0x1;
	_ =	sdelay $0x1  }
0xac: {  	s6 =	simm.s32 @p0 $0x1B8D  }
0xad: {  	_ =	swait.eq @p0 [sflag:s6], $0x1  }
0xae: {  	[sflag:s6] =	ssyncadd.s32 @p0 $0xFFFFFFFF  }
0xaf: {  	s7 =	sshll.u32 @!p0 s1, $0xE  }
0xb0: {  	s7 =	sor.u32 @!p0 $0x4000, s7;
	s6 =	simm.s32 @!p0 $0x1B8D  }
0xb1: {  	s5 =	sshll.u32 @!p0 s5, $0x11;
	s7 =	sadd.s32 @!p0 $0x11B8D, s7;
	_ =	swait.eq @!p0 [sflag:s6], $0x1  }
0xb2: {  	s5 =	sor.u32 @!p0 s5, s7;
	[sflag:s6] =	ssyncadd.s32 @!p0 $0xFFFFFFFF  }
0xb3: {  	s25 =	simm.s32 $0x1B8E;
	s24 =	sld [smem:$0x3FFE];
	[sflag:s5] =	ssyncadd.remote.s32 @!p0 $0x1  }
0xb4: {  	s26 =	simm.s32 $execute0_lowered;
	[smem:$0x3FD2] =	sst s25  }
0xb5: {  	s6 =	sshll.u32 s26, $0x1;
	_ =	strace $0x80000067;
	[dreg:$0x1] =	wrdreg $0xFFFFFFFF  }
0xb6: {  	s28 =	simm.s32 $_size_execute0_lowered;
	s4 =	sadd.s32 s4, s6;
	[dreg:$0x0] =	wrdreg $0x0  }
0xb7: {  	s6 =	sshll.u32 s28, $0x1;
	[dreg:$0x2] =	wrdreg s4  }
0xb8: {  	[dreg:$0x3] =	wrdreg s6  }
0xb9: {  	[dreg:$0x4] =	wrdreg $0xC0  }
0xba: {  	_ =	task [dreg:s22], $0x5FFFF  }
0xbb: {  	[dreg:$0x1] =	wrdreg $0xFFFFFFFF  }
0xbc: {  	[dreg:$0x0] =	wrdreg $0x60  }
0xbd: {  	[dreg:$0x2] =	wrdreg s18  }
0xbe: {  	[dreg:$0x3] =	wrdreg s24  }
0xbf: {  	[dreg:$0x4] =	wrdreg $0x9  }
0xc0: {  	_ =	task.clear_ibuf [dreg:s22], $0x5FFFF;
	_ =	strace $0x90000067  }
0xc1: {  	s29 =	simm.s32 $0x9;
	_ =	strace $0x80000069  }
0xc2: {  	_ =	swait.ge [sflag:s29], $0x1  }
0xc3: {  	[sflag:s29] =	ssyncadd.s32 $0xFFFFFFFF  }
0xc4: {  	_ =	strace $0x90000069  }
0xc5: {  	_ =	sfence  }
0xc6: {  	s30 =	sld [smem:$0x0];
	_ =	sdelay $0x2  }
0xc7: {  	s31 =	sshll.u32 s1, $0xD;
	s1 =	sshrl.u32 s1, $0x2  }
0xc8: {  	s4 =	sand.u32 $0x4000, s31;
	s1 =	sadd.s32 s1, s30  }
0xc9: {  	s0 =	sor.u32 s4, s0;
	s1 =	sshll.u32 s1, $0x11  }
0xca: {  	s0 =	sor.u32 s1, s0  }
0xcb: {  	s0 =	sadd.s32 $0x8F2B, s0  }
0xcc: {  	[sflag:s0] =	ssyncadd.remote.s32 $0x1  }
0xcd: {  	_ =	sfence.sel $0xFFFF  }
0xce: {  	[dreg:$0x0] =	wrdreg $0xFFFFFFFF;
	(pc) =	sbr.abs _section_cstart, $3  }
0xcf: {  	[dreg:$0x1] =	wrdreg $0xFFFFFFFF  }
0xd0: {  	_ =	task.clear_ibuf [dreg:s22], $0x2FFFF;
	_ =	strace $0x9FFFFFFF  }
0xd1: {  	(tm) =	ssettm $0x7FFFFFFF  }
tec
execute0_lowered:
.L_overlay_start_1:
0x0: {  	(tag) =	ssettag $0x1  }
0x1: {  	s2 =	rddreg [dreg:$0x0]  }
0x2: {  	s3 =	rddreg [dreg:$0x1]  }
0x3: {  	s0 =	rddreg [dreg:$0x2];
	s1 =	srdreg.scid;
	_ =	strace $0x80000068  }
0x4: {  	s4 =	simm.s32 $0x1;
	s9 =	simm.s32 $0x3;
	s5 =	sshll.u32 s1, $0x4  }
.Ltmp0:
0x5: {  	s1 =	stileid.u32;
	s5 =	sand.u32 $0x10, s5;
	(pc) =	sbr.rel .LBB2_1-.Ltmp0, $4  }
0x6: {  	s12 =	simm.s32 $0x0;
	s10 =	simm.s32 $0x0;
	s6 =	sor.u32 s1, s5  }
0x7: {  	[sflag:s4] =	ssyncpa.u1 $0x0;
	s5 =	simm.s32 $0x2;
	s6 =	sshll.u32 s6, $0x6  }
0x8: {  	s7 =	sadd.s32 $0x21E00, s3;
	[sflag:s5] =	ssyncpa.u1 $0x0;
	s8 =	sadd.s32 $0x40, s6  }
0x9: {  	vm0 =	vmmov $0xff;
	vm1 =	vcmask $0x3F20;
	[sflag:s9] =	ssyncpa.u1 $0x0;
	s9 =	simm.s32 $0x40;
	s11 =	smov.u32 s6  }
.LBB2_10:
0xa: {  	[hbm:s16] =	stream.linear.scatter [tilespmem:s13], [sflag:$0x3], $0x800, $0x38;
	[tilespmem:$0x8080] =	vst v63  }
.LBB2_11:
0xb: {  	p0 =	seq.s32 s10, $0x2  }
.Ltmp1:
0xc: {  	_ = 	snop;
	(pc) =	sbr.rel @p0 .LBB2_13-.Ltmp1, $1  }
0xd: {  	_ =	sdelay $0x3  }
.LBB2_12:
0xe: {  	s12 =	sadd.s32 $0x40, s11  }
0xf: {  	s13 =	smov.u32 s6;
	p0 =	slt.s32 s12, s8  }
0x10: {  	s13 =	smov.u32 @p0 s12  }
0x11: {  	s10 =	sadd.s32 $0x1, s10;
	s12 =	smov.u32 s11;
	s11 =	smov.u32 s13  }
.LBB2_1:
0x12: {  	p0 =	sne.s32 s10, $0x0  }
.Ltmp2:
0x13: {  	_ = 	snop;
	(pc) =	sbr.rel @!p0 .LBB2_2-.Ltmp2, $1  }
0x14: {  	_ =	sdelay $0x3  }
0x15: {  	s13 =	sand.u32 $0x1, s10  }
0x16: {  	p0 =	seq.s32 s13, $0x0  }
.Ltmp3:
0x17: {  	_ = 	snop;
	(pc) =	sbr.rel @p0 .LBB2_11-.Ltmp3, $1  }
0x18: {  	_ =	sdelay $0x3  }
0x19: {  	_ =	swait.ge [sflag:s5], $0x40  }
0x1a: {  	[sflag:s5] =	ssyncset.done $0x0  }
0x1b: {  	s13 =	simm.s32 $0x0;
	[sflag:s5] =	ssyncadd.s32 $0xFFFFFFC0  }
.LBB2_5:
0x1c: {  	s14 =	sshll.u32 s13, $0x4  }
0x1d: {  	s14 =	sand.u32 $0x3FFFFFF0, s14  }
0x1e: {  	v0 =	vld.msk [tilespmem:s14+$0x40 ss:$0x1], $0xffff;
	_ =	sdelay $0x4  }
0x1f: {  	vm2 =	vgt.s32 v0, $0x0  }
0x20: {  	v0 =	vnsel vm2, $0x0, v0  }
0x21: {  	v0 =	vmin.u32 v0, $0x270F  }
0x22: {  	s31 =	sshll.u32 s13, $0xC;
	v1 =	vshll.u32 v0, $0x5;
	v0 =	vshll.u32 v0, $0x4  }
0x23: {  	s14 =	sand.u32 $0x3FFFF000, s31;
	v1 =	vand.u32 $0x7FF00, v1;
	v0 =	vand.u32 $0x70, v0  }
0x24: {  	p0 =	por $0x1, $0x1;
	s15 =	simm.s32 $0x0;
	s14 =	sadd.s32 $0x4080, s14;
	v0 =	vor.u32 v0, v1  }
.LBB2_6:
0x25: {  	_ =	sdelay $0x1  }
0x26: {  	s15 =	sshra.s32 s15, $0x2;
	p1 =	por p0, p0  }
.Ltmp4:
0x27: {  	s15 =	sadd.s32 s15, s14;
	(pc) =	sbr.rel @p1 .LBB2_6-.Ltmp4, $4  }
0x28: {  	[tilespmem:s15], [sflag:$0x1] =	stream.indirect_vreg.gather [hbm:s2], $0x80, v0, vm0, $0x38;
	[tilespmem:$0x8080] =	vst v63  }
0x29: {  	s15 =	sadd.s32 $0x800, s15  }
0x2a: {  	[tilespmem:s15], [sflag:$0x1] =	stream.indirect_vreg.gather [hbm:s2], $0x80, v0, vm1, $0x38;
	[tilespmem:$0x8080] =	vst v63  }
0x2b: {  	p0 =	por $0x0, $0x0;
	v0 =	vadd.s32 $0x80, v0;
	s15 =	simm.s32 $0x1000  }
0x2c: {  	s13 =	sadd.s32 $0x1, s13  }
0x2d: {  	p0 =	sne.s32 s13, $0x4  }
.Ltmp5:
0x2e: {  	_ = 	snop;
	(pc) =	sbr.rel @p0 .LBB2_5-.Ltmp5, $1  }
0x2f: {  	_ =	sdelay $0x3  }
0x30: {  	s13 =	sshll.u32 s12, $0x5  }
0x31: {  	_ =	swait.ge [sflag:s4], $0x4000;
	s31 =	sshll.u32 s12, $0x4;
	s13 =	sand.u32 $0xFFFFFF00, s13  }
0x32: {  	s14 =	simm.s32 $0x100;
	s12 =	sand.u32 $0x70, s31;
	s13 =	sadd.s32 s13, s3  }
0x33: {  	s15 =	simm.s32 $0x4880;
	[sflag:s4] =	ssyncset.done $0x0;
	s12 =	sadd.s32 s12, s13  }
0x34: {  	[sflag:s4] =	ssyncadd.s32 $0xFFFFC000;
	s13 =	simm.s32 $0x4080;
	s16 =	sadd.s32 $0x0, s12  }
.LBB2_9:
0x35: {  	[hbm:s16] =	stream.linear.scatter [tilespmem:s13], [sflag:$0x3], $0x800, $0x38;
	[tilespmem:$0x8080] =	vst v63  }
0x36: {  	s16 =	smov.u32 s14;
	s13 =	smov.u32 s15;
	p0 =	sne.s32 s14, $0x700  }
.Ltmp6:
0x37: {  	s14 =	sadd.s32 $0x100, s14;
	(pc) =	sbr.rel @p0 .LBB2_9-.Ltmp6, $2  }
0x38: {  	_ =	sdelay $0x2  }
0x39: {  	s15 =	sadd.s32 $0x800, s15;
	s16 =	sadd.s32 s16, s12  }
.Ltmp7:
0x3a: {  	_ = 	snop;
	(pc) =	sbr.rel .LBB2_10-.Ltmp7, $1  }
0x3b: {  	_ =	sdelay $0x3  }
.LBB2_2:
.Ltmp8:
0x3c: {  	(pc) =	sbr.rel .LBB2_12-.Ltmp8, $4  }
0x3d: {  	_ = 	snop  }
0x3e: {  	s12 =	sshrl.u32 s11, $0x3  }
0x3f: {  	s13 =	sand.u32 $0x7, s11;
	s12 =	sadd.s32 s7, s12  }
0x40: {  	[tilespmem:s9], [sflag:$0x2] =	stream.linear.gather [hbm4b:s12+s13], $0x40, $0x38;
	[tilespmem:$0x8080] =	vst v63  }
.LBB2_13:
0x41: {  	s2 =	simm.s32 $0x3  }
0x42: {  	_ =	swait.ge [sflag:s2], $0x4000  }
0x43: {  	[sflag:s2] =	ssyncset.done $0x0  }
0x44: {  	[sflag:s2] =	ssyncadd.s32 $0xFFFFC000  }
0x45: {  	_ =	sfence.sel $0x180000  }
0x46: {  	s3 =	simm.s32 $0x2;
	[bflag:$0x0] =	sbarrier.arrive $0xFFFF  }
0x47: {  	[sflag:s3] =	ssyncpa.u1 $0x1  }
0x48: {  	s31 =	simm.s32 $0x1;
	[sflag:s2] =	ssyncpa.u1 $0x1  }
0x49: {  	[sflag:s31] =	ssyncpa.u1 $0x1  }
0x4a: {  	p0 =	sne.s32 s1, $0x0;
	_ =	strace $0x90000068  }
0x4b: {  	s0 =	sadd.s32 @!p0 $0x100000, s0;
	[bflag:$0x2] =	sbarrier.arrive $0xFFFF  }
0x4c: {  	[sflag:s0] =	ssyncadd.tile.s32 @!p0 $0x1;
	_ =	shalt  }
.Lfunc_end2:
_tile_overlayer_lowered:
.L_overlay_start_2:
0x4d: {  	(tag) =	ssettag $0x2  }
0x4e: {  	s0 =	rddreg [dreg:$0x0];
	s2 =	stileid.u32  }
0x4f: {  	s1 =	rddreg [dreg:$0x1];
	p0 =	sne.s32 s2, $0x0  }
0x50: {  	s3 =	rddreg [dreg:$0x2];
	[bflag:$0x3] =	sbarrier.arrive $0xFFFF;
	s2 =	simm.s32 @!p0 $0x1C01  }
0x51: {  	[timem:s3], [sflag:s2] =	dma.local @!p0 [hbm:s0], s1  }
0x52: {  	s0 =	simm.s32 @!p0 $0x1  }
0x53: {  	_ =	swait.ge @!p0 [sflag:s0], s1  }
0x54: {  	s1 =	ssub.s32 @!p0 $0x0, s1;
	[sflag:s0] =	ssyncset.done @!p0 $0x0  }
0x55: {  	[sflag:s0] =	ssyncadd.s32 @!p0 s1  }
0x56: {  	[bflag:$0x3] =	sbarrier.arrive $0xFFFF  }
0x57: {  	_ =	shalt  }

// kernel: gather_offload_async_start.4
scs
__scs_entry_jumppad:
0x0: {  	(pc) =	sbr.rel $0x88, $3  }
0x1: {  	(tag) =	ssettag $0x0;
	lr =	simm.s32 $0x1  }
0x2: {  	[smem:$0x3F8D] =	sst lr;
	_ =	strace $0xD0000000  }
0x3: {  	_ = 	snop  }
0x4: {  	_ = 	snop  }
0x5: {  	_ = 	snop  }
0x6: {  	_ = 	snop  }
0x7: {  	_ = 	snop  }
__scs_overlays_trampoline_lowered:
0x8: {  	[smem:$0x3F9C] =	sst s0  }
0x9: {  	[smem:$0x3F9D] =	sst s1  }
0xa: {  	[smem:$0x3F9E] =	sst s2  }
0xb: {  	[smem:$0x3F9F] =	sst s3  }
0xc: {  	[smem:$0x3FA0] =	sst s4  }
0xd: {  	[smem:$0x3FA1] =	sst s5  }
0xe: {  	[smem:$0x3FA2] =	sst s6  }
0xf: {  	[smem:$0x3FA3] =	sst s7  }
0x10: {  	[smem:$0x3FA4] =	sst s8  }
0x11: {  	[smem:$0x3FA5] =	sst s9;
	s0 =	simm.s32 @!p0 $0x0  }
0x12: {  	s1 =	sld [smem:$0x3F8B];
	s0 =	simm.s32 @p0 $0x1  }
0x13: {  	[smem:$0x3FA6] =	sst s0;
	s0 =	simm.s32 @!p1 $0x0  }
0x14: {  	s2 =	sld [smem:$0x3F8A];
	s0 =	simm.s32 @p1 $0x1  }
0x15: {  	[smem:$0x3FA7] =	sst s0;
	s0 =	simm.s32 @!p2 $0x0  }
0x16: {  	s3 =	sld [smem:$0x3FDB];
	s0 =	simm.s32 @p2 $0x1  }
0x17: {  	s4 =	simm.s32 $0x1BF5;
	[smem:$0x3FA9] =	sst s0  }
0x18: {  	s0 =	sld [smem:$0x3F8C];
	_ =	swait.ge [sflag:s4], $0x0  }
0x19: {  	s7 =	sld [smem:$0x3F8D]  }
0x1a: {  	s8 =	sadd.s32 $0xFFFFE003, lr  }
0x1b: {  	s9 =	sadd.s32 $0xFFFFFEF7, lr;
	s5 =	simm.s32 $0xFFFFFFFF;
	p2 =	slt.u32 s8, $0xFFFFF086  }
0x1c: {  	p1 =	slt.u32 s9, $0xF7A;
	s5 =	simm.s32 @!p2 $0x0  }
0x1d: {  	s5 =	simm.s32 @p1 $0x1;
	p0 =	seq.s32 s7, s2  }
0x1e: {  	s7 =	smul.u32 @!p0 $0xF7A, s2;
	p2 =	seq.s32 @!p0 s5, $0x0  }
0x1f: {  	s9 =	smul.u32 $0xF7A, s1;
	s8 =	simm.s32 @!p0 $0x1BF5;
	p2 =	por !p2, p0  }
0x20: {  	[sflag:s8] =	ssyncset.s32 @!p0 $0xFFFFF086;
	s6 =	sadd.s32 @!p0 s3, s7;
	s7 =	simm.s32 @!p0 $0x108  }
0x21: {  	s3 =	sadd.s32 s3, s9;
	s6 =	sadd.s32 @!p0 $0x88, s6;
	s7 =	simm.s32 @p2 $0x1082  }
0x22: {  	[simem:s7], [sflag:s8] =	dma.local @!p0 [hbm:s6], $0xF7A  }
0x23: {  	s9 =	sor.u32 $0xD0000000, s2;
	s6 =	simm.s32 $0x108;
	_ =	swait.ge @!p0 [sflag:s8], $0x0  }
0x24: {  	s3 =	sadd.s32 $0x88, s3;
	s6 =	simm.s32 @!p1 $0x1082;
	[sflag:s4] =	ssyncset.s32 $0xFFFFF086  }
0x25: {  	[simem:s6], [sflag:s4] =	dma.local [hbm:s3], $0xF7A  }
0x26: {  	[smem:$0x3F8D] =	sst s1;
	(tag) =	ssettag s2;
	_ =	strace s9  }
0x27: {  	s1 =	sld [smem:$0x3F9D]  }
0x28: {  	s2 =	sld [smem:$0x3F9E]  }
0x29: {  	s4 =	sld [smem:$0x3FA0]  }
0x2a: {  	p0 =	seq.s32 s5, $0x0;
	s5 =	sld [smem:$0x3FA1]  }
0x2b: {  	s6 =	sld [smem:$0x3FA2]  }
0x2c: {  	s7 =	sld [smem:$0x3FA3]  }
0x2d: {  	s3 =	simm.s32 $0x108;
	s8 =	sld [smem:$0x3FA4]  }
0x2e: {  	s3 =	simm.s32 @!p0 $0x1082;
	s9 =	sld [smem:$0x3FA5]  }
0x2f: {  	lr =	sadd.s32 s0, s3;
	s0 =	sld [smem:$0x3F9C]  }
0x30: {  	s3 =	sld [smem:$0x3F9F]  }
0x31: {  	[smem:$0x3FA8] =	sst s10  }
0x32: {  	s10 =	sld [smem:$0x3FA6];
	_ =	sdelay $0x3  }
0x33: {  	p0 =	seq.s32 s10, $0x1;
	s10 =	sld [smem:$0x3FA8];
	_ =	sdelay $0x3  }
0x34: {  	[smem:$0x3FA8] =	sst s10  }
0x35: {  	s10 =	sld [smem:$0x3FA7];
	_ =	sdelay $0x3  }
0x36: {  	p1 =	seq.s32 s10, $0x1;
	s10 =	sld [smem:$0x3FA8];
	_ =	sdelay $0x3  }
0x37: {  	[smem:$0x3FA8] =	sst s10  }
0x38: {  	s10 =	sld [smem:$0x3FA9]  }
0x39: {  	_ = 	snop;
	(pc) =	sbr.ind lr, $3  }
0x3a: {  	_ = 	snop  }
0x3b: {  	_ = 	snop  }
0x3c: {  	p2 =	seq.s32 s10, $0x1;
	s10 =	sld [smem:$0x3FA8]  }
0x3d: {  	_ =	shalt  }
0x3e: {  	_ =	shalt  }
0x3f: {  	_ =	shalt  }
0x40: {  	_ =	shalt  }
0x41: {  	_ =	shalt  }
0x42: {  	_ =	shalt  }
0x43: {  	_ =	shalt  }
0x44: {  	_ =	shalt  }
0x45: {  	_ =	shalt  }
0x46: {  	_ =	shalt  }
0x47: {  	_ =	shalt  }
0x48: {  	_ =	shalt  }
0x49: {  	_ =	shalt  }
0x4a: {  	_ =	shalt  }
0x4b: {  	_ =	shalt  }
0x4c: {  	_ =	shalt  }
0x4d: {  	_ =	shalt  }
0x4e: {  	_ =	shalt  }
0x4f: {  	_ =	shalt  }
0x50: {  	_ =	shalt  }
0x51: {  	_ =	shalt  }
0x52: {  	_ =	shalt  }
0x53: {  	_ =	shalt  }
0x54: {  	_ =	shalt  }
0x55: {  	_ =	shalt  }
0x56: {  	_ =	shalt  }
0x57: {  	_ =	shalt  }
0x58: {  	_ =	shalt  }
0x59: {  	_ =	shalt  }
0x5a: {  	_ =	shalt  }
0x5b: {  	_ =	shalt  }
0x5c: {  	_ =	shalt  }
0x5d: {  	_ =	shalt  }
0x5e: {  	_ =	shalt  }
0x5f: {  	_ =	shalt  }
0x60: {  	_ =	shalt  }
0x61: {  	_ =	shalt  }
0x62: {  	_ =	shalt  }
0x63: {  	_ =	shalt  }
0x64: {  	_ =	shalt  }
0x65: {  	_ =	shalt  }
0x66: {  	_ =	shalt  }
0x67: {  	_ =	shalt  }
0x68: {  	_ =	shalt  }
0x69: {  	_ =	shalt  }
0x6a: {  	_ =	shalt  }
0x6b: {  	_ =	shalt  }
0x6c: {  	_ =	shalt  }
0x6d: {  	_ =	shalt  }
0x6e: {  	_ =	shalt  }
0x6f: {  	_ =	shalt  }
0x70: {  	_ =	shalt  }
0x71: {  	_ =	shalt  }
0x72: {  	_ =	shalt  }
0x73: {  	_ =	shalt  }
0x74: {  	_ =	shalt  }
0x75: {  	_ =	shalt  }
0x76: {  	_ =	shalt  }
0x77: {  	_ =	shalt  }
0x78: {  	_ =	shalt  }
0x79: {  	_ =	shalt  }
0x7a: {  	_ =	shalt  }
0x7b: {  	_ =	shalt  }
0x7c: {  	_ =	shalt  }
0x7d: {  	_ =	shalt  }
0x7e: {  	_ =	shalt  }
0x7f: {  	_ =	shalt  }
0x80: {  	_ =	shalt  }
0x81: {  	_ =	shalt  }
0x82: {  	_ =	shalt  }
0x83: {  	_ =	shalt  }
0x84: {  	_ =	shalt  }
0x85: {  	_ =	shalt  }
0x86: {  	_ =	shalt  }
0x87: {  	_ =	shalt  }
.Lfunc_end0:
.L_simem_size_0:
called_computation.8_lowered:
.L_overlay_start_0:
0x88: {  	s2 =	sld [smem:$0x3FD9]  }
0x89: {  	s3 =	sld [smem:$0x3FFE];
	_ =	sdelay $0x1  }
0x8a: {  	s1 =	srdreg.scid  }
0x8b: {  	s0 =	sand.u32 $0x1, s1  }
0x8c: {  	s17 =	sshll.u32 s0, $0xA;
	s2 =	sadd.s32 s3, s2  }
0x8d: {  	s2 =	sadd.s32 s2, s17  }
0x8e: {  	[smem:$0x3FB4] =	sst s2  }
0x8f: {  	_ = 	snop  }
0x90: {  	(tm) =	ssettm $0x1  }
0x91: {  	s18 =	sld [smem:$0x3FFB];
	_ =	sdelay $0x3  }
0x92: {  	_ =	strace s18  }
0x93: {  	s2 =	sld [smem:$0x3FFC];
	_ =	sdelay $0x3  }
0x94: {  	_ =	strace s2  }
0x95: {  	s2 =	sld [smem:$0x3FFD];
	_ =	sdelay $0x3  }
0x96: {  	_ =	strace s2  }
0x97: {  	_ =	strace $0x8FFFFFFF  }
0x98: {  	s19 =	sld [smem:$0x3FDB];
	_ =	sdelay $0x1  }
0x99: {  	s20 =	simm.s32 $_scs_section_size  }
0x9a: {  	s4 =	simm.s32 $_size__tile_overlayer_lowered;
	s5 =	simm.s32 $_tile_overlayer_lowered  }
0x9b: {  	s6 =	simm.s32 $0x1BFF;
	s21 =	sshll.u32 s5, $0x1;
	s3 =	sadd.s32 s20, s19  }
0x9c: {  	s22 =	simm.s32 $0x0;
	s4 =	sshll.u32 s4, $0x1;
	s5 =	sadd.s32 s21, s3  }
0x9d: {  	[timem:s22], [sflag:s6] =	dma.local [hbm:s5], s4  }
0x9e: {  	_ =	swait.ge [sflag:s6], s4  }
0x9f: {  	s4 =	ssub.s32 $0x0, s4;
	[sflag:s6] =	ssyncset.done $0x0  }
0xa0: {  	[sflag:s6] =	ssyncadd.s32 s4;
	_ =	sdelay $0x1  }
0xa1: {  	s23 =	simm.s32 $0x1B8B  }
0xa2: {  	_ =	swait.ge [sflag:s23], $0x1  }
0xa3: {  	[sflag:s23] =	ssyncset.done $0x0  }
0xa4: {  	[sflag:s23] =	ssyncadd.s32 $0xFFFFFFFF  }
0xa5: {  	s4 =	sld [smem:$0x0]  }
0xa6: {  	s5 =	sand.u32 $0xFFFFFFFE, s1  }
0xa7: {  	p0 =	sne.s32 s1, s5  }
0xa8: {  	s5 =	sshll.u32 @p0 s5, $0xE  }
0xa9: {  	s5 =	sadd.s32 @p0 $0x11B8D, s5;
	s6 =	sshll.u32 @p0 s4, $0x11  }
0xaa: {  	s5 =	sor.u32 @p0 s6, s5  }
0xab: {  	[sflag:s5] =	ssyncadd.remote.s32 @p0 $0x1;
	_ =	sdelay $0x1  }
0xac: {  	s5 =	simm.s32 @p0 $0x1B8D  }
0xad: {  	_ =	swait.eq @p0 [sflag:s5], $0x1  }
0xae: {  	[sflag:s5] =	ssyncadd.s32 @p0 $0xFFFFFFFF  }
0xaf: {  	s6 =	sshll.u32 @!p0 s1, $0xE  }
0xb0: {  	s6 =	sor.u32 @!p0 $0x4000, s6;
	s5 =	simm.s32 @!p0 $0x1B8D  }
0xb1: {  	s4 =	sshll.u32 @!p0 s4, $0x11;
	s6 =	sadd.s32 @!p0 $0x11B8D, s6;
	_ =	swait.eq @!p0 [sflag:s5], $0x1  }
0xb2: {  	s4 =	sor.u32 @!p0 s4, s6;
	[sflag:s5] =	ssyncadd.s32 @!p0 $0xFFFFFFFF  }
0xb3: {  	s25 =	simm.s32 $0x1B8E;
	s24 =	sld [smem:$0x3FFE];
	[sflag:s4] =	ssyncadd.remote.s32 @!p0 $0x1  }
0xb4: {  	s26 =	simm.s32 $execute0_lowered;
	[smem:$0x3FD2] =	sst s25  }
0xb5: {  	s5 =	sshll.u32 s26, $0x1;
	_ =	strace $0x8000005E;
	[dreg:$0x1] =	wrdreg $0xFFFFFFFF  }
0xb6: {  	s28 =	simm.s32 $_size_execute0_lowered;
	s3 =	sadd.s32 s3, s5;
	[dreg:$0x0] =	wrdreg $0x0  }
0xb7: {  	s5 =	sshll.u32 s28, $0x1;
	[dreg:$0x2] =	wrdreg s3  }
0xb8: {  	[dreg:$0x3] =	wrdreg s5  }
0xb9: {  	[dreg:$0x4] =	wrdreg $0xC0  }
0xba: {  	_ =	task [dreg:s22], $0x5FFFF  }
0xbb: {  	[dreg:$0x1] =	wrdreg $0xFFFFFFFF  }
0xbc: {  	[dreg:$0x0] =	wrdreg $0x60  }
0xbd: {  	[dreg:$0x2] =	wrdreg s24  }
0xbe: {  	[dreg:$0x3] =	wrdreg $0xA  }
0xbf: {  	_ =	task.clear_ibuf [dreg:s22], $0x4FFFF;
	_ =	strace $0x9000005E  }
0xc0: {  	s29 =	simm.s32 $0xA;
	_ =	strace $0x80000060  }
0xc1: {  	_ =	swait.ge [sflag:s29], $0x1  }
0xc2: {  	[sflag:s29] =	ssyncadd.s32 $0xFFFFFFFF  }
0xc3: {  	_ =	strace $0x90000060  }
0xc4: {  	_ =	sfence  }
0xc5: {  	s30 =	sld [smem:$0x0];
	_ =	sdelay $0x2  }
0xc6: {  	s31 =	sshll.u32 s1, $0xD;
	s1 =	sshrl.u32 s1, $0x2  }
0xc7: {  	s4 =	sand.u32 $0x4000, s31;
	s1 =	sadd.s32 s1, s30  }
0xc8: {  	s0 =	sor.u32 s4, s0;
	s1 =	sshll.u32 s1, $0x11  }
0xc9: {  	s0 =	sor.u32 s1, s0  }
0xca: {  	s0 =	sadd.s32 $0x8F2B, s0  }
0xcb: {  	[sflag:s0] =	ssyncadd.remote.s32 $0x1  }
0xcc: {  	_ =	sfence.sel $0xFFFF  }
0xcd: {  	[dreg:$0x0] =	wrdreg $0xFFFFFFFF;
	(pc) =	sbr.abs _section_cstart, $3  }
0xce: {  	[dreg:$0x1] =	wrdreg $0xFFFFFFFF  }
0xcf: {  	_ =	task.clear_ibuf [dreg:s22], $0x2FFFF;
	_ =	strace $0x9FFFFFFF  }
0xd0: {  	(tm) =	ssettm $0x7FFFFFFF  }
0xd1: {  	_ =	shalt  }
tec
execute0_lowered:
.L_overlay_start_1:
0x0: {  	(tag) =	ssettag $0x1  }
0x1: {  	s1 =	srdreg.scid  }
0x2: {  	s0 =	stileid.u32;
	s2 =	rddreg [dreg:$0x0];
	s1 =	sshll.u32 s1, $0x5  }
0x3: {  	s6 =	simm.s32 $0x1;
	s3 =	sshll.u32 s0, $0x6;
	s1 =	sand.u32 $0x20, s1  }
0x4: {  	s30 =	simm.s32 $0x2;
	s31 =	simm.s32 $0x3;
	s3 =	sor.u32 s3, s1  }
0x5: {  	s11 =	simm.s32 $0x0;
	s8 =	simm.s32 $0x0;
	s5 =	ssub.s32 $0x800, s3  }
0x6: {  	s9 =	simm.s32 $0x0;
	s4 =	sadd.s32 $0x21C00, s2;
	s7 =	sand.u32 $0x3E0, s5  }
0x7: {  	s1 =	rddreg [dreg:$0x1];
	_ =	strace $0x8000005F;
	p0 =	sne.s32 s7, $0x0  }
0x8: {  	[sflag:s6] =	ssyncpa.u1 $0x0;
	s5 =	sshrl.u32 s5, $0xA;
	s6 =	simm.s32 @!p0 $0x0  }
0x9: {  	s10 =	smov.u32 s3;
	[sflag:s30] =	ssyncpa.u1 $0x0;
	s5 =	sadd.s32 s6, s5  }
0xa: {  	[sflag:s31] =	ssyncpa.u1 $0x0;
	s6 =	sadd.s32 $0x22000, s2;
	s7 =	sadd.s32 $0x1, s5  }
.LBB2_1:
0xb: {  	p0 =	sge.u32 s9, s5  }
0xc: {  	s31 =	sadd.s32 $0xFFFFFFFF, s9;
	s12 =	sxor.u32 @!p0 $0xFFFFFFFF, s8;
	s13 =	sshrl.u32 @!p0 s10, $0x3  }
0xd: {  	s14 =	sand.u32 @!p0 $0x7, s10;
	s12 =	sand.u32 @!p0 $0x20, s12;
	s13 =	sadd.s32 @!p0 s4, s13  }
0xe: {  	[tilespmem:s12], [sflag:$0x2] =	stream.linear.gather @!p0 [hbm4b:s13+s14], $0x20, $0x38;
	[tilespmem:$0x80] =	vst v63  }
0xf: {  	p0 =	sge.u32 s31, s5  }
0x10: {  	s12 =	simm.s32 @!p0 $0x2  }
0x11: {  	_ =	swait.ge @!p0 [sflag:s12], $0x20  }
0x12: {  	[sflag:s12] =	ssyncset.done @!p0 $0x0  }
0x13: {  	[sflag:s12] =	ssyncadd.s32 @!p0 $0xFFFFFFE0;
	s12 =	sand.u32 @!p0 $0x20, s8  }
0x14: {  	(ifvalue) =	ssetifvalue @!p0 $0x7FFFFFFF;
	v0 =	vld.msk @!p0 [tilespmem:s12+$0x0 ss:$0x1], $0xffff;
	_ =	sdelay $0x4  }
0x15: {  	vm0 =	vgt.s32 @!p0 v0, $0x0  }
0x16: {  	v0 =	vnsel @!p0 vm0, $0x0, v0  }
0x17: {  	v0 =	vmin.u32 @!p0 v0, $0x270FF;
	_ =	sdelay $0x2  }
0x18: {  	s14 =	simm.s32 @!p0 $0x0  }
0x19: {  	s13 =	sor.u32 @!p0 $0x40, s12;
	(ifvalue) =	ssetifvalue @!p0 $0x7FFFFFFF;
	s15 =	sor.u32 @!p0 $0x10, s12;
	vm0 =	vmmov @!p0 $0xffff  }
0x1a: {  	[tilespmem:s13], [sflag:$0x1] =	stream.indirect_vreg.gather @!p0 [hbm4b:s2+s14], $0x1, v0, vm0, $0x4038;
	[tilespmem:$0x80] =	vst v63  }
0x1b: {  	v0 =	vld.msk @!p0 [tilespmem:s15+$0x0 ss:$0x1], $0xffff;
	_ =	sdelay $0x4  }
0x1c: {  	vm1 =	vgt.s32 @!p0 v0, $0x0  }
0x1d: {  	v0 =	vnsel @!p0 vm1, $0x0, v0  }
0x1e: {  	v0 =	vmin.u32 @!p0 v0, $0x270FF;
	_ =	sdelay $0x3  }
0x1f: {  	s12 =	sor.u32 @!p0 $0x50, s12;
	(ifvalue) =	ssetifvalue @!p0 $0x7FFFFFFF  }
0x20: {  	[tilespmem:s12], [sflag:$0x1] =	stream.indirect_vreg.gather @!p0 [hbm4b:s2+s14], $0x1, v0, vm0, $0x4038;
	[tilespmem:$0x80] =	vst v63  }
0x21: {  	s12 =	simm.s32 @!p0 $0x1  }
0x22: {  	_ =	swait.ge @!p0 [sflag:s12], $0x20  }
0x23: {  	s14 =	sshrl.u32 @!p0 s11, $0x3;
	[sflag:s12] =	ssyncset.done @!p0 $0x0  }
0x24: {  	s11 =	sand.u32 @!p0 $0x7, s11;
	[sflag:s12] =	ssyncadd.s32 @!p0 $0xFFFFFFE0;
	s12 =	sadd.s32 @!p0 s6, s14  }
0x25: {  	[hbm4b:s12+s11] =	stream.linear.scatter @!p0 [tilespmem:s13], [sflag:$0x3], $0x20, $0x38;
	[tilespmem:$0x80] =	vst v63  }
0x26: {  	s13 =	sadd.s32 $0x400, s10  }
0x27: {  	p1 =	sgt.s32 s13, $0x7FF  }
0x28: {  	s13 =	smov.u32 @p1 s3;
	p1 =	sne.s32 s9, s7  }
.Ltmp0:
0x29: {  	p0 =	slt.u32 s9, $0x2;
	(pc) =	sbr.rel @p1 .LBB2_1-.Ltmp0, $4  }
0x2a: {  	s12 =	simm.s32 @!p0 $0x3  }
0x2b: {  	_ =	swait.ge @!p0 [sflag:s12], $0x20  }
0x2c: {  	s8 =	sadd.s32 $0x20, s8;
	s11 =	smov.u32 s10;
	[sflag:s12] =	ssyncset.done @!p0 $0x0  }
0x2d: {  	s9 =	sadd.s32 $0x1, s9;
	s10 =	smov.u32 s13;
	[sflag:s12] =	ssyncadd.s32 @!p0 $0xFFFFFFE0  }
0x2e: {  	_ =	sfence.sel $0x180000  }
0x2f: {  	s2 =	simm.s32 $0x2;
	[bflag:$0x0] =	sbarrier.arrive $0xFFFF  }
0x30: {  	s30 =	simm.s32 $0x3;
	[sflag:s2] =	ssyncpa.u1 $0x1  }
0x31: {  	s31 =	simm.s32 $0x1;
	[sflag:s30] =	ssyncpa.u1 $0x1  }
0x32: {  	[sflag:s31] =	ssyncpa.u1 $0x1  }
0x33: {  	p0 =	sne.s32 s0, $0x0;
	_ =	strace $0x9000005F  }
0x34: {  	s0 =	sadd.s32 @!p0 $0x100000, s1;
	[bflag:$0x2] =	sbarrier.arrive $0xFFFF  }
0x35: {  	[sflag:s0] =	ssyncadd.tile.s32 @!p0 $0x1;
	_ =	shalt  }
.Lfunc_end2:
_tile_overlayer_lowered:
.L_overlay_start_2:
0x36: {  	(tag) =	ssettag $0x2  }
0x37: {  	s0 =	rddreg [dreg:$0x0];
	s2 =	stileid.u32  }
0x38: {  	s1 =	rddreg [dreg:$0x1];
	p0 =	sne.s32 s2, $0x0  }
0x39: {  	s3 =	rddreg [dreg:$0x2];
	[bflag:$0x3] =	sbarrier.arrive $0xFFFF;
	s2 =	simm.s32 @!p0 $0x1C01  }
0x3a: {  	[timem:s3], [sflag:s2] =	dma.local @!p0 [hbm:s0], s1  }
0x3b: {  	s0 =	simm.s32 @!p0 $0x1  }
0x3c: {  	_ =	swait.ge @!p0 [sflag:s0], s1  }
0x3d: {  	s1 =	ssub.s32 @!p0 $0x0, s1;
	[sflag:s0] =	ssyncset.done @!p0 $0x0  }
0x3e: {  	[sflag:s0] =	ssyncadd.s32 @!p0 s1  }
0x3f: {  	[bflag:$0x3] =	sbarrier.arrive $0xFFFF  }
0x40: {  	_ =	shalt  }

// kernel: gather_offload_async_start.5
scs
__scs_entry_jumppad:
0x0: {  	(pc) =	sbr.rel $0x88, $3  }
0x1: {  	(tag) =	ssettag $0x0;
	lr =	simm.s32 $0x1  }
0x2: {  	[smem:$0x3F8D] =	sst lr;
	_ =	strace $0xD0000000  }
0x3: {  	_ = 	snop  }
0x4: {  	_ = 	snop  }
0x5: {  	_ = 	snop  }
0x6: {  	_ = 	snop  }
0x7: {  	_ = 	snop  }
__scs_overlays_trampoline_lowered:
0x8: {  	[smem:$0x3F9C] =	sst s0  }
0x9: {  	[smem:$0x3F9D] =	sst s1  }
0xa: {  	[smem:$0x3F9E] =	sst s2  }
0xb: {  	[smem:$0x3F9F] =	sst s3  }
0xc: {  	[smem:$0x3FA0] =	sst s4  }
0xd: {  	[smem:$0x3FA1] =	sst s5  }
0xe: {  	[smem:$0x3FA2] =	sst s6  }
0xf: {  	[smem:$0x3FA3] =	sst s7  }
0x10: {  	[smem:$0x3FA4] =	sst s8  }
0x11: {  	[smem:$0x3FA5] =	sst s9;
	s0 =	simm.s32 @!p0 $0x0  }
0x12: {  	s1 =	sld [smem:$0x3F8B];
	s0 =	simm.s32 @p0 $0x1  }
0x13: {  	[smem:$0x3FA6] =	sst s0;
	s0 =	simm.s32 @!p1 $0x0  }
0x14: {  	s2 =	sld [smem:$0x3F8A];
	s0 =	simm.s32 @p1 $0x1  }
0x15: {  	[smem:$0x3FA7] =	sst s0;
	s0 =	simm.s32 @!p2 $0x0  }
0x16: {  	s3 =	sld [smem:$0x3FDB];
	s0 =	simm.s32 @p2 $0x1  }
0x17: {  	s4 =	simm.s32 $0x1BF5;
	[smem:$0x3FA9] =	sst s0  }
0x18: {  	s0 =	sld [smem:$0x3F8C];
	_ =	swait.ge [sflag:s4], $0x0  }
0x19: {  	s7 =	sld [smem:$0x3F8D]  }
0x1a: {  	s8 =	sadd.s32 $0xFFFFE003, lr  }
0x1b: {  	s9 =	sadd.s32 $0xFFFFFEF7, lr;
	s5 =	simm.s32 $0xFFFFFFFF;
	p2 =	slt.u32 s8, $0xFFFFF086  }
0x1c: {  	p1 =	slt.u32 s9, $0xF7A;
	s5 =	simm.s32 @!p2 $0x0  }
0x1d: {  	s5 =	simm.s32 @p1 $0x1;
	p0 =	seq.s32 s7, s2  }
0x1e: {  	s7 =	smul.u32 @!p0 $0xF7A, s2;
	p2 =	seq.s32 @!p0 s5, $0x0  }
0x1f: {  	s9 =	smul.u32 $0xF7A, s1;
	s8 =	simm.s32 @!p0 $0x1BF5;
	p2 =	por !p2, p0  }
0x20: {  	[sflag:s8] =	ssyncset.s32 @!p0 $0xFFFFF086;
	s6 =	sadd.s32 @!p0 s3, s7;
	s7 =	simm.s32 @!p0 $0x108  }
0x21: {  	s3 =	sadd.s32 s3, s9;
	s6 =	sadd.s32 @!p0 $0x88, s6;
	s7 =	simm.s32 @p2 $0x1082  }
0x22: {  	[simem:s7], [sflag:s8] =	dma.local @!p0 [hbm:s6], $0xF7A  }
0x23: {  	s9 =	sor.u32 $0xD0000000, s2;
	s6 =	simm.s32 $0x108;
	_ =	swait.ge @!p0 [sflag:s8], $0x0  }
0x24: {  	s3 =	sadd.s32 $0x88, s3;
	s6 =	simm.s32 @!p1 $0x1082;
	[sflag:s4] =	ssyncset.s32 $0xFFFFF086  }
0x25: {  	[simem:s6], [sflag:s4] =	dma.local [hbm:s3], $0xF7A  }
0x26: {  	[smem:$0x3F8D] =	sst s1;
	(tag) =	ssettag s2;
	_ =	strace s9  }
0x27: {  	s1 =	sld [smem:$0x3F9D]  }
0x28: {  	s2 =	sld [smem:$0x3F9E]  }
0x29: {  	s4 =	sld [smem:$0x3FA0]  }
0x2a: {  	p0 =	seq.s32 s5, $0x0;
	s5 =	sld [smem:$0x3FA1]  }
0x2b: {  	s6 =	sld [smem:$0x3FA2]  }
0x2c: {  	s7 =	sld [smem:$0x3FA3]  }
0x2d: {  	s3 =	simm.s32 $0x108;
	s8 =	sld [smem:$0x3FA4]  }
0x2e: {  	s3 =	simm.s32 @!p0 $0x1082;
	s9 =	sld [smem:$0x3FA5]  }
0x2f: {  	lr =	sadd.s32 s0, s3;
	s0 =	sld [smem:$0x3F9C]  }
0x30: {  	s3 =	sld [smem:$0x3F9F]  }
0x31: {  	[smem:$0x3FA8] =	sst s10  }
0x32: {  	s10 =	sld [smem:$0x3FA6];
	_ =	sdelay $0x3  }
0x33: {  	p0 =	seq.s32 s10, $0x1;
	s10 =	sld [smem:$0x3FA8];
	_ =	sdelay $0x3  }
0x34: {  	[smem:$0x3FA8] =	sst s10  }
0x35: {  	s10 =	sld [smem:$0x3FA7];
	_ =	sdelay $0x3  }
0x36: {  	p1 =	seq.s32 s10, $0x1;
	s10 =	sld [smem:$0x3FA8];
	_ =	sdelay $0x3  }
0x37: {  	[smem:$0x3FA8] =	sst s10  }
0x38: {  	s10 =	sld [smem:$0x3FA9]  }
0x39: {  	_ = 	snop;
	(pc) =	sbr.ind lr, $3  }
0x3a: {  	_ = 	snop  }
0x3b: {  	_ = 	snop  }
0x3c: {  	p2 =	seq.s32 s10, $0x1;
	s10 =	sld [smem:$0x3FA8]  }
0x3d: {  	_ =	shalt  }
0x3e: {  	_ =	shalt  }
0x3f: {  	_ =	shalt  }
0x40: {  	_ =	shalt  }
0x41: {  	_ =	shalt  }
0x42: {  	_ =	shalt  }
0x43: {  	_ =	shalt  }
0x44: {  	_ =	shalt  }
0x45: {  	_ =	shalt  }
0x46: {  	_ =	shalt  }
0x47: {  	_ =	shalt  }
0x48: {  	_ =	shalt  }
0x49: {  	_ =	shalt  }
0x4a: {  	_ =	shalt  }
0x4b: {  	_ =	shalt  }
0x4c: {  	_ =	shalt  }
0x4d: {  	_ =	shalt  }
0x4e: {  	_ =	shalt  }
0x4f: {  	_ =	shalt  }
0x50: {  	_ =	shalt  }
0x51: {  	_ =	shalt  }
0x52: {  	_ =	shalt  }
0x53: {  	_ =	shalt  }
0x54: {  	_ =	shalt  }
0x55: {  	_ =	shalt  }
0x56: {  	_ =	shalt  }
0x57: {  	_ =	shalt  }
0x58: {  	_ =	shalt  }
0x59: {  	_ =	shalt  }
0x5a: {  	_ =	shalt  }
0x5b: {  	_ =	shalt  }
0x5c: {  	_ =	shalt  }
0x5d: {  	_ =	shalt  }
0x5e: {  	_ =	shalt  }
0x5f: {  	_ =	shalt  }
0x60: {  	_ =	shalt  }
0x61: {  	_ =	shalt  }
0x62: {  	_ =	shalt  }
0x63: {  	_ =	shalt  }
0x64: {  	_ =	shalt  }
0x65: {  	_ =	shalt  }
0x66: {  	_ =	shalt  }
0x67: {  	_ =	shalt  }
0x68: {  	_ =	shalt  }
0x69: {  	_ =	shalt  }
0x6a: {  	_ =	shalt  }
0x6b: {  	_ =	shalt  }
0x6c: {  	_ =	shalt  }
0x6d: {  	_ =	shalt  }
0x6e: {  	_ =	shalt  }
0x6f: {  	_ =	shalt  }
0x70: {  	_ =	shalt  }
0x71: {  	_ =	shalt  }
0x72: {  	_ =	shalt  }
0x73: {  	_ =	shalt  }
0x74: {  	_ =	shalt  }
0x75: {  	_ =	shalt  }
0x76: {  	_ =	shalt  }
0x77: {  	_ =	shalt  }
0x78: {  	_ =	shalt  }
0x79: {  	_ =	shalt  }
0x7a: {  	_ =	shalt  }
0x7b: {  	_ =	shalt  }
0x7c: {  	_ =	shalt  }
0x7d: {  	_ =	shalt  }
0x7e: {  	_ =	shalt  }
0x7f: {  	_ =	shalt  }
0x80: {  	_ =	shalt  }
0x81: {  	_ =	shalt  }
0x82: {  	_ =	shalt  }
0x83: {  	_ =	shalt  }
0x84: {  	_ =	shalt  }
0x85: {  	_ =	shalt  }
0x86: {  	_ =	shalt  }
0x87: {  	_ =	shalt  }
.Lfunc_end0:
.L_simem_size_0:
called_computation.9_lowered:
.L_overlay_start_0:
0x88: {  	s2 =	sld [smem:$0x3FD9]  }
0x89: {  	s3 =	sld [smem:$0x3FFE];
	_ =	sdelay $0x1  }
0x8a: {  	s1 =	srdreg.scid  }
0x8b: {  	s0 =	sand.u32 $0x1, s1  }
0x8c: {  	s17 =	sshll.u32 s0, $0xA;
	s2 =	sadd.s32 s3, s2  }
0x8d: {  	s2 =	sadd.s32 s2, s17  }
0x8e: {  	[smem:$0x3FB4] =	sst s2  }
0x8f: {  	_ = 	snop  }
0x90: {  	s2 =	sld [smem:$0x3FC9];
	(tm) =	ssettm $0x1  }
0x91: {  	s18 =	sld [smem:$0x3FFB];
	_ =	sdelay $0x3  }
0x92: {  	_ =	strace s18  }
0x93: {  	s3 =	sld [smem:$0x3FFC];
	_ =	sdelay $0x3  }
0x94: {  	_ =	strace s3  }
0x95: {  	s3 =	sld [smem:$0x3FFD];
	_ =	sdelay $0x3  }
0x96: {  	_ =	strace s3  }
0x97: {  	_ =	strace $0x8FFFFFFF  }
0x98: {  	s19 =	sld [smem:$0x3FDB];
	_ =	sdelay $0x1  }
0x99: {  	s4 =	simm.s32 $_scs_section_size  }
0x9a: {  	s5 =	simm.s32 $_size__tile_overlayer_lowered;
	s6 =	simm.s32 $_tile_overlayer_lowered  }
0x9b: {  	s22 =	simm.s32 $0x1BFF;
	s21 =	sshll.u32 s6, $0x1;
	s3 =	sadd.s32 s4, s19  }
0x9c: {  	s7 =	simm.s32 $0x0;
	s20 =	sshll.u32 s5, $0x1;
	s5 =	sadd.s32 s21, s3  }
0x9d: {  	[timem:s7], [sflag:s22] =	dma.local [hbm:s5], s20  }
0x9e: {  	_ =	swait.ge [sflag:s22], s20  }
0x9f: {  	s4 =	ssub.s32 $0x0, s20;
	[sflag:s22] =	ssyncset.done $0x0  }
0xa0: {  	[sflag:s22] =	ssyncadd.s32 s4;
	_ =	sdelay $0x1  }
0xa1: {  	s23 =	simm.s32 $0x1B8B  }
0xa2: {  	_ =	swait.ge [sflag:s23], $0x1  }
0xa3: {  	[sflag:s23] =	ssyncset.done $0x0  }
0xa4: {  	s25 =	simm.s32 $0x1B8E;
	s24 =	sld [smem:$0x3FFE];
	[sflag:s23] =	ssyncadd.s32 $0xFFFFFFFF  }
0xa5: {  	s26 =	simm.s32 $execute0_lowered;
	[smem:$0x3FD2] =	sst s25  }
0xa6: {  	s5 =	sshll.u32 s26, $0x1;
	_ =	strace $0x80000064;
	[dreg:$0x1] =	wrdreg $0xFFFFFFFF  }
0xa7: {  	s28 =	simm.s32 $_size_execute0_lowered;
	s3 =	sadd.s32 s3, s5;
	[dreg:$0x0] =	wrdreg $0x0  }
0xa8: {  	s5 =	sshll.u32 s28, $0x1;
	[dreg:$0x2] =	wrdreg s3  }
0xa9: {  	[dreg:$0x3] =	wrdreg s5  }
0xaa: {  	[dreg:$0x4] =	wrdreg $0xC0  }
0xab: {  	_ =	task [dreg:s7], $0x5FFFF  }
0xac: {  	[dreg:$0x1] =	wrdreg $0xFFFFFFFF  }
0xad: {  	[dreg:$0x0] =	wrdreg $0x60  }
0xae: {  	[dreg:$0x2] =	wrdreg s2  }
0xaf: {  	[dreg:$0x3] =	wrdreg s24  }
0xb0: {  	[dreg:$0x4] =	wrdreg $0xA  }
0xb1: {  	_ =	task.clear_ibuf [dreg:s7], $0x5FFFF;
	_ =	strace $0x90000064  }
0xb2: {  	s29 =	simm.s32 $0xA;
	_ =	strace $0x80000066  }
0xb3: {  	_ =	swait.ge [sflag:s29], $0x1  }
0xb4: {  	[sflag:s29] =	ssyncadd.s32 $0xFFFFFFFF  }
0xb5: {  	_ =	strace $0x90000066  }
0xb6: {  	_ =	sfence  }
0xb7: {  	s30 =	sld [smem:$0x0];
	_ =	sdelay $0x2  }
0xb8: {  	s31 =	sshll.u32 s1, $0xD;
	s1 =	sshrl.u32 s1, $0x2  }
0xb9: {  	s3 =	sand.u32 $0x4000, s31;
	s1 =	sadd.s32 s1, s30  }
0xba: {  	s0 =	sor.u32 s3, s0;
	s1 =	sshll.u32 s1, $0x11  }
0xbb: {  	s0 =	sor.u32 s1, s0  }
0xbc: {  	s0 =	sadd.s32 $0x8F2B, s0  }
0xbd: {  	[sflag:s0] =	ssyncadd.remote.s32 $0x1  }
0xbe: {  	_ =	sfence.sel $0xFFFF  }
0xbf: {  	[dreg:$0x0] =	wrdreg $0xFFFFFFFF;
	(pc) =	sbr.abs _section_cstart, $3  }
0xc0: {  	[dreg:$0x1] =	wrdreg $0xFFFFFFFF  }
0xc1: {  	_ =	task.clear_ibuf [dreg:s7], $0x2FFFF;
	_ =	strace $0x9FFFFFFF  }
0xc2: {  	(tm) =	ssettm $0x7FFFFFFF  }
0xc3: {  	_ =	shalt  }
tec
execute0_lowered:
.L_overlay_start_1:
0x0: {  	(tag) =	ssettag $0x1  }
0x1: {  	s2 =	rddreg [dreg:$0x0]  }
0x2: {  	s7 =	rddreg [dreg:$0x1]  }
0x3: {  	s0 =	rddreg [dreg:$0x2]  }
0x4: {  	s1 =	srdreg.scid;
	_ =	strace $0x80000065;
	s4 =	simm.s32 $0x1  }
0x5: {  	s9 =	simm.s32 $0x3;
	s12 =	simm.s32 $0x0;
	s5 =	sshll.u32 s1, $0x4  }
.Ltmp0:
0x6: {  	s1 =	stileid.u32;
	s5 =	sand.u32 $0x10, s5;
	(pc) =	sbr.rel .LBB2_1-.Ltmp0, $4  }
0x7: {  	s10 =	simm.s32 $0x0;
	s3 =	sadd.s32 $0x21C00, s7;
	s6 =	sor.u32 s1, s5  }
0x8: {  	[sflag:s4] =	ssyncpa.u1 $0x0;
	s5 =	simm.s32 $0x2;
	s6 =	sshll.u32 s6, $0x6  }
0x9: {  	s7 =	sadd.s32 $0x26000, s7;
	[sflag:s5] =	ssyncpa.u1 $0x0;
	s8 =	sadd.s32 $0x40, s6  }
0xa: {  	vm0 =	vmmov $0xff;
	vm1 =	vcmask $0x3F20;
	[sflag:s9] =	ssyncpa.u1 $0x0;
	s9 =	simm.s32 $0x40;
	s11 =	smov.u32 s6  }
.LBB2_10:
0xb: {  	[hbm:s16] =	stream.linear.scatter [tilespmem:s13], [sflag:$0x3], $0x800, $0x38;
	[tilespmem:$0x8080] =	vst v63  }
.LBB2_11:
0xc: {  	p0 =	seq.s32 s10, $0x2  }
.Ltmp1:
0xd: {  	_ = 	snop;
	(pc) =	sbr.rel @p0 .LBB2_13-.Ltmp1, $1  }
0xe: {  	_ =	sdelay $0x3  }
.LBB2_12:
0xf: {  	s12 =	sadd.s32 $0x40, s11  }
0x10: {  	s13 =	smov.u32 s6;
	p0 =	slt.s32 s12, s8  }
0x11: {  	s13 =	smov.u32 @p0 s12  }
0x12: {  	s10 =	sadd.s32 $0x1, s10;
	s12 =	smov.u32 s11;
	s11 =	smov.u32 s13  }
.LBB2_1:
0x13: {  	p0 =	sne.s32 s10, $0x0  }
.Ltmp2:
0x14: {  	_ = 	snop;
	(pc) =	sbr.rel @!p0 .LBB2_2-.Ltmp2, $1  }
0x15: {  	_ =	sdelay $0x3  }
0x16: {  	s13 =	sand.u32 $0x1, s10  }
0x17: {  	p0 =	seq.s32 s13, $0x0  }
.Ltmp3:
0x18: {  	_ = 	snop;
	(pc) =	sbr.rel @p0 .LBB2_11-.Ltmp3, $1  }
0x19: {  	_ =	sdelay $0x3  }
0x1a: {  	_ =	swait.ge [sflag:s5], $0x40  }
0x1b: {  	[sflag:s5] =	ssyncset.done $0x0  }
0x1c: {  	s13 =	simm.s32 $0x0;
	[sflag:s5] =	ssyncadd.s32 $0xFFFFFFC0  }
.LBB2_5:
0x1d: {  	s14 =	sshll.u32 s13, $0x4  }
0x1e: {  	s14 =	sand.u32 $0x3FFFFFF0, s14  }
0x1f: {  	v0 =	vld.msk [tilespmem:s14+$0x40 ss:$0x1], $0xffff;
	_ =	sdelay $0x4  }
0x20: {  	vm2 =	vgt.s32 v0, $0x0  }
0x21: {  	v0 =	vnsel vm2, $0x0, v0  }
0x22: {  	v0 =	vmin.u32 v0, $0x270F  }
0x23: {  	s31 =	sshll.u32 s13, $0xC;
	v1 =	vshll.u32 v0, $0x5;
	v0 =	vshll.u32 v0, $0x4  }
0x24: {  	s14 =	sand.u32 $0x3FFFF000, s31;
	v1 =	vand.u32 $0x7FF00, v1;
	v0 =	vand.u32 $0x70, v0  }
0x25: {  	p0 =	por $0x1, $0x1;
	s15 =	simm.s32 $0x0;
	s14 =	sadd.s32 $0x4080, s14;
	v0 =	vor.u32 v0, v1  }
.LBB2_6:
0x26: {  	_ =	sdelay $0x1  }
0x27: {  	s15 =	sshra.s32 s15, $0x2;
	p1 =	por p0, p0  }
.Ltmp4:
0x28: {  	s15 =	sadd.s32 s15, s14;
	(pc) =	sbr.rel @p1 .LBB2_6-.Ltmp4, $4  }
0x29: {  	[tilespmem:s15], [sflag:$0x1] =	stream.indirect_vreg.gather [hbm:s2], $0x80, v0, vm0, $0x38;
	[tilespmem:$0x8080] =	vst v63  }
0x2a: {  	s15 =	sadd.s32 $0x800, s15  }
0x2b: {  	[tilespmem:s15], [sflag:$0x1] =	stream.indirect_vreg.gather [hbm:s2], $0x80, v0, vm1, $0x38;
	[tilespmem:$0x8080] =	vst v63  }
0x2c: {  	p0 =	por $0x0, $0x0;
	v0 =	vadd.s32 $0x80, v0;
	s15 =	simm.s32 $0x1000  }
0x2d: {  	s13 =	sadd.s32 $0x1, s13  }
0x2e: {  	p0 =	sne.s32 s13, $0x4  }
.Ltmp5:
0x2f: {  	_ = 	snop;
	(pc) =	sbr.rel @p0 .LBB2_5-.Ltmp5, $1  }
0x30: {  	_ =	sdelay $0x3  }
0x31: {  	s13 =	sshll.u32 s12, $0x5  }
0x32: {  	_ =	swait.ge [sflag:s4], $0x4000;
	s31 =	sshll.u32 s12, $0x4;
	s13 =	sand.u32 $0xFFFFFF00, s13  }
0x33: {  	s14 =	simm.s32 $0x100;
	s12 =	sand.u32 $0x70, s31;
	s13 =	sadd.s32 s13, s7  }
0x34: {  	s15 =	simm.s32 $0x4880;
	[sflag:s4] =	ssyncset.done $0x0;
	s12 =	sadd.s32 s12, s13  }
0x35: {  	[sflag:s4] =	ssyncadd.s32 $0xFFFFC000;
	s13 =	simm.s32 $0x4080;
	s16 =	sadd.s32 $0x0, s12  }
.LBB2_9:
0x36: {  	[hbm:s16] =	stream.linear.scatter [tilespmem:s13], [sflag:$0x3], $0x800, $0x38;
	[tilespmem:$0x8080] =	vst v63  }
0x37: {  	s16 =	smov.u32 s14;
	s13 =	smov.u32 s15;
	p0 =	sne.s32 s14, $0x700  }
.Ltmp6:
0x38: {  	s14 =	sadd.s32 $0x100, s14;
	(pc) =	sbr.rel @p0 .LBB2_9-.Ltmp6, $2  }
0x39: {  	_ =	sdelay $0x2  }
0x3a: {  	s15 =	sadd.s32 $0x800, s15;
	s16 =	sadd.s32 s16, s12  }
.Ltmp7:
0x3b: {  	_ = 	snop;
	(pc) =	sbr.rel .LBB2_10-.Ltmp7, $1  }
0x3c: {  	_ =	sdelay $0x3  }
.LBB2_2:
.Ltmp8:
0x3d: {  	(pc) =	sbr.rel .LBB2_12-.Ltmp8, $4  }
0x3e: {  	_ = 	snop  }
0x3f: {  	s12 =	sshrl.u32 s11, $0x3  }
0x40: {  	s13 =	sand.u32 $0x7, s11;
	s12 =	sadd.s32 s3, s12  }
0x41: {  	[tilespmem:s9], [sflag:$0x2] =	stream.linear.gather [hbm4b:s12+s13], $0x40, $0x38;
	[tilespmem:$0x8080] =	vst v63  }
.LBB2_13:
0x42: {  	s2 =	simm.s32 $0x3  }
0x43: {  	_ =	swait.ge [sflag:s2], $0x4000  }
0x44: {  	[sflag:s2] =	ssyncset.done $0x0  }
0x45: {  	[sflag:s2] =	ssyncadd.s32 $0xFFFFC000  }
0x46: {  	_ =	sfence.sel $0x180000  }
0x47: {  	s3 =	simm.s32 $0x2;
	[bflag:$0x0] =	sbarrier.arrive $0xFFFF  }
0x48: {  	[sflag:s3] =	ssyncpa.u1 $0x1  }
0x49: {  	s31 =	simm.s32 $0x1;
	[sflag:s2] =	ssyncpa.u1 $0x1  }
0x4a: {  	[sflag:s31] =	ssyncpa.u1 $0x1  }
0x4b: {  	p0 =	sne.s32 s1, $0x0;
	_ =	strace $0x90000065  }
0x4c: {  	s0 =	sadd.s32 @!p0 $0x100000, s0;
	[bflag:$0x2] =	sbarrier.arrive $0xFFFF  }
0x4d: {  	[sflag:s0] =	ssyncadd.tile.s32 @!p0 $0x1;
	_ =	shalt  }
.Lfunc_end2:
_tile_overlayer_lowered:
.L_overlay_start_2:
0x4e: {  	(tag) =	ssettag $0x2  }
0x4f: {  	s0 =	rddreg [dreg:$0x0];
	s2 =	stileid.u32  }
0x50: {  	s1 =	rddreg [dreg:$0x1];
	p0 =	sne.s32 s2, $0x0  }
0x51: {  	s3 =	rddreg [dreg:$0x2];
	[bflag:$0x3] =	sbarrier.arrive $0xFFFF;
	s2 =	simm.s32 @!p0 $0x1C01  }
0x52: {  	[timem:s3], [sflag:s2] =	dma.local @!p0 [hbm:s0], s1  }
0x53: {  	s0 =	simm.s32 @!p0 $0x1  }
0x54: {  	_ =	swait.ge @!p0 [sflag:s0], s1  }
0x55: {  	s1 =	ssub.s32 @!p0 $0x0, s1;
	[sflag:s0] =	ssyncset.done @!p0 $0x0  }
0x56: {  	[sflag:s0] =	ssyncadd.s32 @!p0 s1  }
0x57: {  	[bflag:$0x3] =	sbarrier.arrive $0xFFFF  }
0x58: {  	_ =	shalt  }

// kernel: gather_offload_async_start
scs
__scs_entry_jumppad:
0x0: {  	(pc) =	sbr.rel $0x88, $3  }
0x1: {  	(tag) =	ssettag $0x0;
	lr =	simm.s32 $0x1  }
0x2: {  	[smem:$0x3F8D] =	sst lr;
	_ =	strace $0xD0000000  }
0x3: {  	_ = 	snop  }
0x4: {  	_ = 	snop  }
0x5: {  	_ = 	snop  }
0x6: {  	_ = 	snop  }
0x7: {  	_ = 	snop  }
__scs_overlays_trampoline_lowered:
0x8: {  	[smem:$0x3F9C] =	sst s0  }
0x9: {  	[smem:$0x3F9D] =	sst s1  }
0xa: {  	[smem:$0x3F9E] =	sst s2  }
0xb: {  	[smem:$0x3F9F] =	sst s3  }
0xc: {  	[smem:$0x3FA0] =	sst s4  }
0xd: {  	[smem:$0x3FA1] =	sst s5  }
0xe: {  	[smem:$0x3FA2] =	sst s6  }
0xf: {  	[smem:$0x3FA3] =	sst s7  }
0x10: {  	[smem:$0x3FA4] =	sst s8  }
0x11: {  	[smem:$0x3FA5] =	sst s9;
	s0 =	simm.s32 @!p0 $0x0  }
0x12: {  	s1 =	sld [smem:$0x3F8B];
	s0 =	simm.s32 @p0 $0x1  }
0x13: {  	[smem:$0x3FA6] =	sst s0;
	s0 =	simm.s32 @!p1 $0x0  }
0x14: {  	s2 =	sld [smem:$0x3F8A];
	s0 =	simm.s32 @p1 $0x1  }
0x15: {  	[smem:$0x3FA7] =	sst s0;
	s0 =	simm.s32 @!p2 $0x0  }
0x16: {  	s3 =	sld [smem:$0x3FDB];
	s0 =	simm.s32 @p2 $0x1  }
0x17: {  	s4 =	simm.s32 $0x1BF5;
	[smem:$0x3FA9] =	sst s0  }
0x18: {  	s0 =	sld [smem:$0x3F8C];
	_ =	swait.ge [sflag:s4], $0x0  }
0x19: {  	s7 =	sld [smem:$0x3F8D]  }
0x1a: {  	s8 =	sadd.s32 $0xFFFFE003, lr  }
0x1b: {  	s9 =	sadd.s32 $0xFFFFFEF7, lr;
	s5 =	simm.s32 $0xFFFFFFFF;
	p2 =	slt.u32 s8, $0xFFFFF086  }
0x1c: {  	p1 =	slt.u32 s9, $0xF7A;
	s5 =	simm.s32 @!p2 $0x0  }
0x1d: {  	s5 =	simm.s32 @p1 $0x1;
	p0 =	seq.s32 s7, s2  }
0x1e: {  	s7 =	smul.u32 @!p0 $0xF7A, s2;
	p2 =	seq.s32 @!p0 s5, $0x0  }
0x1f: {  	s9 =	smul.u32 $0xF7A, s1;
	s8 =	simm.s32 @!p0 $0x1BF5;
	p2 =	por !p2, p0  }
0x20: {  	[sflag:s8] =	ssyncset.s32 @!p0 $0xFFFFF086;
	s6 =	sadd.s32 @!p0 s3, s7;
	s7 =	simm.s32 @!p0 $0x108  }
0x21: {  	s3 =	sadd.s32 s3, s9;
	s6 =	sadd.s32 @!p0 $0x88, s6;
	s7 =	simm.s32 @p2 $0x1082  }
0x22: {  	[simem:s7], [sflag:s8] =	dma.local @!p0 [hbm:s6], $0xF7A  }
0x23: {  	s9 =	sor.u32 $0xD0000000, s2;
	s6 =	simm.s32 $0x108;
	_ =	swait.ge @!p0 [sflag:s8], $0x0  }
0x24: {  	s3 =	sadd.s32 $0x88, s3;
	s6 =	simm.s32 @!p1 $0x1082;
	[sflag:s4] =	ssyncset.s32 $0xFFFFF086  }
0x25: {  	[simem:s6], [sflag:s4] =	dma.local [hbm:s3], $0xF7A  }
0x26: {  	[smem:$0x3F8D] =	sst s1;
	(tag) =	ssettag s2;
	_ =	strace s9  }
0x27: {  	s1 =	sld [smem:$0x3F9D]  }
0x28: {  	s2 =	sld [smem:$0x3F9E]  }
0x29: {  	s4 =	sld [smem:$0x3FA0]  }
0x2a: {  	p0 =	seq.s32 s5, $0x0;
	s5 =	sld [smem:$0x3FA1]  }
0x2b: {  	s6 =	sld [smem:$0x3FA2]  }
0x2c: {  	s7 =	sld [smem:$0x3FA3]  }
0x2d: {  	s3 =	simm.s32 $0x108;
	s8 =	sld [smem:$0x3FA4]  }
0x2e: {  	s3 =	simm.s32 @!p0 $0x1082;
	s9 =	sld [smem:$0x3FA5]  }
0x2f: {  	lr =	sadd.s32 s0, s3;
	s0 =	sld [smem:$0x3F9C]  }
0x30: {  	s3 =	sld [smem:$0x3F9F]  }
0x31: {  	[smem:$0x3FA8] =	sst s10  }
0x32: {  	s10 =	sld [smem:$0x3FA6];
	_ =	sdelay $0x3  }
0x33: {  	p0 =	seq.s32 s10, $0x1;
	s10 =	sld [smem:$0x3FA8];
	_ =	sdelay $0x3  }
0x34: {  	[smem:$0x3FA8] =	sst s10  }
0x35: {  	s10 =	sld [smem:$0x3FA7];
	_ =	sdelay $0x3  }
0x36: {  	p1 =	seq.s32 s10, $0x1;
	s10 =	sld [smem:$0x3FA8];
	_ =	sdelay $0x3  }
0x37: {  	[smem:$0x3FA8] =	sst s10  }
0x38: {  	s10 =	sld [smem:$0x3FA9]  }
0x39: {  	_ = 	snop;
	(pc) =	sbr.ind lr, $3  }
0x3a: {  	_ = 	snop  }
0x3b: {  	_ = 	snop  }
0x3c: {  	p2 =	seq.s32 s10, $0x1;
	s10 =	sld [smem:$0x3FA8]  }
0x3d: {  	_ =	shalt  }
0x3e: {  	_ =	shalt  }
0x3f: {  	_ =	shalt  }
0x40: {  	_ =	shalt  }
0x41: {  	_ =	shalt  }
0x42: {  	_ =	shalt  }
0x43: {  	_ =	shalt  }
0x44: {  	_ =	shalt  }
0x45: {  	_ =	shalt  }
0x46: {  	_ =	shalt  }
0x47: {  	_ =	shalt  }
0x48: {  	_ =	shalt  }
0x49: {  	_ =	shalt  }
0x4a: {  	_ =	shalt  }
0x4b: {  	_ =	shalt  }
0x4c: {  	_ =	shalt  }
0x4d: {  	_ =	shalt  }
0x4e: {  	_ =	shalt  }
0x4f: {  	_ =	shalt  }
0x50: {  	_ =	shalt  }
0x51: {  	_ =	shalt  }
0x52: {  	_ =	shalt  }
0x53: {  	_ =	shalt  }
0x54: {  	_ =	shalt  }
0x55: {  	_ =	shalt  }
0x56: {  	_ =	shalt  }
0x57: {  	_ =	shalt  }
0x58: {  	_ =	shalt  }
0x59: {  	_ =	shalt  }
0x5a: {  	_ =	shalt  }
0x5b: {  	_ =	shalt  }
0x5c: {  	_ =	shalt  }
0x5d: {  	_ =	shalt  }
0x5e: {  	_ =	shalt  }
0x5f: {  	_ =	shalt  }
0x60: {  	_ =	shalt  }
0x61: {  	_ =	shalt  }
0x62: {  	_ =	shalt  }
0x63: {  	_ =	shalt  }
0x64: {  	_ =	shalt  }
0x65: {  	_ =	shalt  }
0x66: {  	_ =	shalt  }
0x67: {  	_ =	shalt  }
0x68: {  	_ =	shalt  }
0x69: {  	_ =	shalt  }
0x6a: {  	_ =	shalt  }
0x6b: {  	_ =	shalt  }
0x6c: {  	_ =	shalt  }
0x6d: {  	_ =	shalt  }
0x6e: {  	_ =	shalt  }
0x6f: {  	_ =	shalt  }
0x70: {  	_ =	shalt  }
0x71: {  	_ =	shalt  }
0x72: {  	_ =	shalt  }
0x73: {  	_ =	shalt  }
0x74: {  	_ =	shalt  }
0x75: {  	_ =	shalt  }
0x76: {  	_ =	shalt  }
0x77: {  	_ =	shalt  }
0x78: {  	_ =	shalt  }
0x79: {  	_ =	shalt  }
0x7a: {  	_ =	shalt  }
0x7b: {  	_ =	shalt  }
0x7c: {  	_ =	shalt  }
0x7d: {  	_ =	shalt  }
0x7e: {  	_ =	shalt  }
0x7f: {  	_ =	shalt  }
0x80: {  	_ =	shalt  }
0x81: {  	_ =	shalt  }
0x82: {  	_ =	shalt  }
0x83: {  	_ =	shalt  }
0x84: {  	_ =	shalt  }
0x85: {  	_ =	shalt  }
0x86: {  	_ =	shalt  }
0x87: {  	_ =	shalt  }
.Lfunc_end0:
.L_simem_size_0:
called_computation.4_lowered:
.L_overlay_start_0:
0x88: {  	s2 =	sld [smem:$0x3FD9]  }
0x89: {  	s3 =	sld [smem:$0x3FFE];
	_ =	sdelay $0x1  }
0x8a: {  	s1 =	srdreg.scid  }
0x8b: {  	s0 =	sand.u32 $0x1, s1  }
0x8c: {  	s17 =	sshll.u32 s0, $0xA;
	s2 =	sadd.s32 s3, s2  }
0x8d: {  	s2 =	sadd.s32 s2, s17  }
0x8e: {  	[smem:$0x3FB4] =	sst s2  }
0x8f: {  	_ = 	snop  }
0x90: {  	(tm) =	ssettm $0x1  }
0x91: {  	s18 =	sld [smem:$0x3FFB];
	_ =	sdelay $0x3  }
0x92: {  	_ =	strace s18  }
0x93: {  	s2 =	sld [smem:$0x3FFC];
	_ =	sdelay $0x3  }
0x94: {  	_ =	strace s2  }
0x95: {  	s2 =	sld [smem:$0x3FFD];
	_ =	sdelay $0x3  }
0x96: {  	_ =	strace s2  }
0x97: {  	_ =	strace $0x8FFFFFFF  }
0x98: {  	s19 =	sld [smem:$0x3FDB];
	_ =	sdelay $0x1  }
0x99: {  	s20 =	simm.s32 $_scs_section_size  }
0x9a: {  	s4 =	simm.s32 $_size__tile_overlayer_lowered;
	s5 =	simm.s32 $_tile_overlayer_lowered  }
0x9b: {  	s6 =	simm.s32 $0x1BFF;
	s21 =	sshll.u32 s5, $0x1;
	s3 =	sadd.s32 s20, s19  }
0x9c: {  	s22 =	simm.s32 $0x0;
	s4 =	sshll.u32 s4, $0x1;
	s5 =	sadd.s32 s21, s3  }
0x9d: {  	[timem:s22], [sflag:s6] =	dma.local [hbm:s5], s4  }
0x9e: {  	_ =	swait.ge [sflag:s6], s4  }
0x9f: {  	s4 =	ssub.s32 $0x0, s4;
	[sflag:s6] =	ssyncset.done $0x0  }
0xa0: {  	[sflag:s6] =	ssyncadd.s32 s4;
	_ =	sdelay $0x1  }
0xa1: {  	s23 =	simm.s32 $0x1B8B  }
0xa2: {  	_ =	swait.ge [sflag:s23], $0x1  }
0xa3: {  	[sflag:s23] =	ssyncset.done $0x0  }
0xa4: {  	[sflag:s23] =	ssyncadd.s32 $0xFFFFFFFF  }
0xa5: {  	s4 =	sld [smem:$0x0]  }
0xa6: {  	s5 =	sand.u32 $0xFFFFFFFE, s1  }
0xa7: {  	p0 =	sne.s32 s1, s5  }
0xa8: {  	s5 =	sshll.u32 @p0 s5, $0xE  }
0xa9: {  	s5 =	sadd.s32 @p0 $0x11B8D, s5;
	s6 =	sshll.u32 @p0 s4, $0x11  }
0xaa: {  	s5 =	sor.u32 @p0 s6, s5  }
0xab: {  	[sflag:s5] =	ssyncadd.remote.s32 @p0 $0x1;
	_ =	sdelay $0x1  }
0xac: {  	s5 =	simm.s32 @p0 $0x1B8D  }
0xad: {  	_ =	swait.eq @p0 [sflag:s5], $0x1  }
0xae: {  	[sflag:s5] =	ssyncadd.s32 @p0 $0xFFFFFFFF  }
0xaf: {  	s6 =	sshll.u32 @!p0 s1, $0xE  }
0xb0: {  	s6 =	sor.u32 @!p0 $0x4000, s6;
	s5 =	simm.s32 @!p0 $0x1B8D  }
0xb1: {  	s4 =	sshll.u32 @!p0 s4, $0x11;
	s6 =	sadd.s32 @!p0 $0x11B8D, s6;
	_ =	swait.eq @!p0 [sflag:s5], $0x1  }
0xb2: {  	s4 =	sor.u32 @!p0 s4, s6;
	[sflag:s5] =	ssyncadd.s32 @!p0 $0xFFFFFFFF  }
0xb3: {  	s25 =	simm.s32 $0x1B8E;
	s24 =	sld [smem:$0x3FFE];
	[sflag:s4] =	ssyncadd.remote.s32 @!p0 $0x1  }
0xb4: {  	s26 =	simm.s32 $execute0_lowered;
	[smem:$0x3FD2] =	sst s25  }
0xb5: {  	s5 =	sshll.u32 s26, $0x1;
	_ =	strace $0x8000005B;
	[dreg:$0x1] =	wrdreg $0xFFFFFFFF  }
0xb6: {  	s28 =	simm.s32 $_size_execute0_lowered;
	s3 =	sadd.s32 s3, s5;
	[dreg:$0x0] =	wrdreg $0x0  }
0xb7: {  	s5 =	sshll.u32 s28, $0x1;
	[dreg:$0x2] =	wrdreg s3  }
0xb8: {  	[dreg:$0x3] =	wrdreg s5  }
0xb9: {  	[dreg:$0x4] =	wrdreg $0xC0  }
0xba: {  	_ =	task [dreg:s22], $0x5FFFF  }
0xbb: {  	[dreg:$0x1] =	wrdreg $0xFFFFFFFF  }
0xbc: {  	[dreg:$0x0] =	wrdreg $0x60  }
0xbd: {  	[dreg:$0x2] =	wrdreg s24  }
0xbe: {  	[dreg:$0x3] =	wrdreg $0x9  }
0xbf: {  	_ =	task.clear_ibuf [dreg:s22], $0x4FFFF;
	_ =	strace $0x9000005B  }
0xc0: {  	s29 =	simm.s32 $0x9;
	_ =	strace $0x8000005D  }
0xc1: {  	_ =	swait.ge [sflag:s29], $0x1  }
0xc2: {  	[sflag:s29] =	ssyncadd.s32 $0xFFFFFFFF  }
0xc3: {  	_ =	strace $0x9000005D  }
0xc4: {  	_ =	sfence  }
0xc5: {  	s30 =	sld [smem:$0x0];
	_ =	sdelay $0x2  }
0xc6: {  	s31 =	sshll.u32 s1, $0xD;
	s1 =	sshrl.u32 s1, $0x2  }
0xc7: {  	s4 =	sand.u32 $0x4000, s31;
	s1 =	sadd.s32 s1, s30  }
0xc8: {  	s0 =	sor.u32 s4, s0;
	s1 =	sshll.u32 s1, $0x11  }
0xc9: {  	s0 =	sor.u32 s1, s0  }
0xca: {  	s0 =	sadd.s32 $0x8F2B, s0  }
0xcb: {  	[sflag:s0] =	ssyncadd.remote.s32 $0x1  }
0xcc: {  	_ =	sfence.sel $0xFFFF  }
0xcd: {  	[dreg:$0x0] =	wrdreg $0xFFFFFFFF;
	(pc) =	sbr.abs _section_cstart, $3  }
0xce: {  	[dreg:$0x1] =	wrdreg $0xFFFFFFFF  }
0xcf: {  	_ =	task.clear_ibuf [dreg:s22], $0x2FFFF;
	_ =	strace $0x9FFFFFFF  }
0xd0: {  	(tm) =	ssettm $0x7FFFFFFF  }
0xd1: {  	_ =	shalt  }
tec
execute0_lowered:
.L_overlay_start_1:
0x0: {  	(tag) =	ssettag $0x1  }
0x1: {  	s1 =	srdreg.scid;
	s0 =	stileid.u32  }
0x2: {  	s6 =	rddreg [dreg:$0x0];
	s7 =	simm.s32 $0x1;
	s1 =	sshll.u32 s1, $0x5  }
0x3: {  	s30 =	simm.s32 $0x2;
	s2 =	sshll.u32 s0, $0x6;
	s3 =	sand.u32 $0x20, s1  }
0x4: {  	s31 =	simm.s32 $0x3;
	s11 =	simm.s32 $0x0;
	s2 =	sor.u32 s2, s3  }
0x5: {  	s9 =	simm.s32 $0x0;
	s4 =	sadd.s32 $0x21E00, s6;
	s5 =	ssub.s32 $0x800, s2  }
0x6: {  	s1 =	rddreg [dreg:$0x1];
	_ =	strace $0x8000005C;
	s8 =	sand.u32 $0x3E0, s5  }
0x7: {  	s3 =	sadd.s32 $0xF000, s6;
	[sflag:s7] =	ssyncpa.u1 $0x0;
	p0 =	sne.s32 s8, $0x0  }
0x8: {  	s6 =	sadd.s32 $0x22200, s6;
	s5 =	sshrl.u32 s5, $0xA;
	s7 =	simm.s32 @!p0 $0x0  }
0x9: {  	[sflag:s30] =	ssyncpa.u1 $0x0;
	s10 =	smov.u32 s2;
	s5 =	sadd.s32 s7, s5  }
0xa: {  	[sflag:s31] =	ssyncpa.u1 $0x0;
	s8 =	simm.s32 $0x0;
	s7 =	sadd.s32 $0x1, s5  }
.LBB2_1:
0xb: {  	p0 =	sge.u32 s9, s5  }
0xc: {  	s31 =	sadd.s32 $0xFFFFFFFF, s9;
	s12 =	sxor.u32 @!p0 $0xFFFFFFFF, s8;
	s13 =	sshrl.u32 @!p0 s10, $0x3  }
0xd: {  	s14 =	sand.u32 @!p0 $0x7, s10;
	s12 =	sand.u32 @!p0 $0x20, s12;
	s13 =	sadd.s32 @!p0 s4, s13  }
0xe: {  	[tilespmem:s12], [sflag:$0x2] =	stream.linear.gather @!p0 [hbm4b:s13+s14], $0x20, $0x38;
	[tilespmem:$0x80] =	vst v63  }
0xf: {  	p0 =	sge.u32 s31, s5  }
0x10: {  	s12 =	simm.s32 @!p0 $0x2  }
0x11: {  	_ =	swait.ge @!p0 [sflag:s12], $0x20  }
0x12: {  	[sflag:s12] =	ssyncset.done @!p0 $0x0  }
0x13: {  	[sflag:s12] =	ssyncadd.s32 @!p0 $0xFFFFFFE0;
	s12 =	sand.u32 @!p0 $0x20, s8  }
0x14: {  	(ifvalue) =	ssetifvalue @!p0 $0x7FFFFFFF;
	v0 =	vld.msk @!p0 [tilespmem:s12+$0x0 ss:$0x1], $0xffff;
	_ =	sdelay $0x4  }
0x15: {  	vm0 =	vgt.s32 @!p0 v0, $0x0  }
0x16: {  	v0 =	vnsel @!p0 vm0, $0x0, v0  }
0x17: {  	v0 =	vmin.u32 @!p0 v0, $0x270FF;
	_ =	sdelay $0x2  }
0x18: {  	s14 =	simm.s32 @!p0 $0x0  }
0x19: {  	s13 =	sor.u32 @!p0 $0x40, s12;
	(ifvalue) =	ssetifvalue @!p0 $0x7FFFFFFF;
	s15 =	sor.u32 @!p0 $0x10, s12;
	vm0 =	vmmov @!p0 $0xffff  }
0x1a: {  	[tilespmem:s13], [sflag:$0x1] =	stream.indirect_vreg.gather @!p0 [hbm4b:s3+s14], $0x1, v0, vm0, $0x4038;
	[tilespmem:$0x80] =	vst v63  }
0x1b: {  	v0 =	vld.msk @!p0 [tilespmem:s15+$0x0 ss:$0x1], $0xffff;
	_ =	sdelay $0x4  }
0x1c: {  	vm1 =	vgt.s32 @!p0 v0, $0x0  }
0x1d: {  	v0 =	vnsel @!p0 vm1, $0x0, v0  }
0x1e: {  	v0 =	vmin.u32 @!p0 v0, $0x270FF;
	_ =	sdelay $0x3  }
0x1f: {  	s12 =	sor.u32 @!p0 $0x50, s12;
	(ifvalue) =	ssetifvalue @!p0 $0x7FFFFFFF  }
0x20: {  	[tilespmem:s12], [sflag:$0x1] =	stream.indirect_vreg.gather @!p0 [hbm4b:s3+s14], $0x1, v0, vm0, $0x4038;
	[tilespmem:$0x80] =	vst v63  }
0x21: {  	s12 =	simm.s32 @!p0 $0x1  }
0x22: {  	_ =	swait.ge @!p0 [sflag:s12], $0x20  }
0x23: {  	s14 =	sshrl.u32 @!p0 s11, $0x3;
	[sflag:s12] =	ssyncset.done @!p0 $0x0  }
0x24: {  	s11 =	sand.u32 @!p0 $0x7, s11;
	[sflag:s12] =	ssyncadd.s32 @!p0 $0xFFFFFFE0;
	s12 =	sadd.s32 @!p0 s6, s14  }
0x25: {  	[hbm4b:s12+s11] =	stream.linear.scatter @!p0 [tilespmem:s13], [sflag:$0x3], $0x20, $0x38;
	[tilespmem:$0x80] =	vst v63  }
0x26: {  	s13 =	sadd.s32 $0x400, s10  }
0x27: {  	p1 =	sgt.s32 s13, $0x7FF  }
0x28: {  	s13 =	smov.u32 @p1 s2;
	p1 =	sne.s32 s9, s7  }
.Ltmp0:
0x29: {  	p0 =	slt.u32 s9, $0x2;
	(pc) =	sbr.rel @p1 .LBB2_1-.Ltmp0, $4  }
0x2a: {  	s12 =	simm.s32 @!p0 $0x3  }
0x2b: {  	_ =	swait.ge @!p0 [sflag:s12], $0x20  }
0x2c: {  	s8 =	sadd.s32 $0x20, s8;
	s11 =	smov.u32 s10;
	[sflag:s12] =	ssyncset.done @!p0 $0x0  }
0x2d: {  	s9 =	sadd.s32 $0x1, s9;
	s10 =	smov.u32 s13;
	[sflag:s12] =	ssyncadd.s32 @!p0 $0xFFFFFFE0  }
0x2e: {  	_ =	sfence.sel $0x180000  }
0x2f: {  	s2 =	simm.s32 $0x2;
	[bflag:$0x0] =	sbarrier.arrive $0xFFFF  }
0x30: {  	s30 =	simm.s32 $0x3;
	[sflag:s2] =	ssyncpa.u1 $0x1  }
0x31: {  	s31 =	simm.s32 $0x1;
	[sflag:s30] =	ssyncpa.u1 $0x1  }
0x32: {  	[sflag:s31] =	ssyncpa.u1 $0x1  }
0x33: {  	p0 =	sne.s32 s0, $0x0;
	_ =	strace $0x9000005C  }
0x34: {  	s0 =	sadd.s32 @!p0 $0x100000, s1;
	[bflag:$0x2] =	sbarrier.arrive $0xFFFF  }
0x35: {  	[sflag:s0] =	ssyncadd.tile.s32 @!p0 $0x1;
	_ =	shalt  }
.Lfunc_end2:
_tile_overlayer_lowered:
.L_overlay_start_2:
0x36: {  	(tag) =	ssettag $0x2  }
0x37: {  	s0 =	rddreg [dreg:$0x0];
	s2 =	stileid.u32  }
0x38: {  	s1 =	rddreg [dreg:$0x1];
	p0 =	sne.s32 s2, $0x0  }
0x39: {  	s3 =	rddreg [dreg:$0x2];
	[bflag:$0x3] =	sbarrier.arrive $0xFFFF;
	s2 =	simm.s32 @!p0 $0x1C01  }
0x3a: {  	[timem:s3], [sflag:s2] =	dma.local @!p0 [hbm:s0], s1  }
0x3b: {  	s0 =	simm.s32 @!p0 $0x1  }
0x3c: {  	_ =	swait.ge @!p0 [sflag:s0], s1  }
0x3d: {  	s1 =	ssub.s32 @!p0 $0x0, s1;
	[sflag:s0] =	ssyncset.done @!p0 $0x0  }
0x3e: {  	[sflag:s0] =	ssyncadd.s32 @!p0 s1  }
0x3f: {  	[bflag:$0x3] =	sbarrier.arrive $0xFFFF  }
0x40: {  	_ =	shalt  }

// kernel: scatter_offload_async_start.1
scs
__scs_entry_jumppad:
0x0: {  	(pc) =	sbr.rel $0x88, $3  }
0x1: {  	(tag) =	ssettag $0x0;
	lr =	simm.s32 $0x1  }
0x2: {  	[smem:$0x3F8D] =	sst lr;
	_ =	strace $0xD0000000  }
0x3: {  	_ = 	snop  }
0x4: {  	_ = 	snop  }
0x5: {  	_ = 	snop  }
0x6: {  	_ = 	snop  }
0x7: {  	_ = 	snop  }
__scs_overlays_trampoline_lowered:
0x8: {  	[smem:$0x3F9C] =	sst s0  }
0x9: {  	[smem:$0x3F9D] =	sst s1  }
0xa: {  	[smem:$0x3F9E] =	sst s2  }
0xb: {  	[smem:$0x3F9F] =	sst s3  }
0xc: {  	[smem:$0x3FA0] =	sst s4  }
0xd: {  	[smem:$0x3FA1] =	sst s5  }
0xe: {  	[smem:$0x3FA2] =	sst s6  }
0xf: {  	[smem:$0x3FA3] =	sst s7  }
0x10: {  	[smem:$0x3FA4] =	sst s8  }
0x11: {  	[smem:$0x3FA5] =	sst s9;
	s0 =	simm.s32 @!p0 $0x0  }
0x12: {  	s1 =	sld [smem:$0x3F8B];
	s0 =	simm.s32 @p0 $0x1  }
0x13: {  	[smem:$0x3FA6] =	sst s0;
	s0 =	simm.s32 @!p1 $0x0  }
0x14: {  	s2 =	sld [smem:$0x3F8A];
	s0 =	simm.s32 @p1 $0x1  }
0x15: {  	[smem:$0x3FA7] =	sst s0;
	s0 =	simm.s32 @!p2 $0x0  }
0x16: {  	s3 =	sld [smem:$0x3FDB];
	s0 =	simm.s32 @p2 $0x1  }
0x17: {  	s4 =	simm.s32 $0x1BF5;
	[smem:$0x3FA9] =	sst s0  }
0x18: {  	s0 =	sld [smem:$0x3F8C];
	_ =	swait.ge [sflag:s4], $0x0  }
0x19: {  	s7 =	sld [smem:$0x3F8D]  }
0x1a: {  	s8 =	sadd.s32 $0xFFFFE003, lr  }
0x1b: {  	s9 =	sadd.s32 $0xFFFFFEF7, lr;
	s5 =	simm.s32 $0xFFFFFFFF;
	p2 =	slt.u32 s8, $0xFFFFF086  }
0x1c: {  	p1 =	slt.u32 s9, $0xF7A;
	s5 =	simm.s32 @!p2 $0x0  }
0x1d: {  	s5 =	simm.s32 @p1 $0x1;
	p0 =	seq.s32 s7, s2  }
0x1e: {  	s7 =	smul.u32 @!p0 $0xF7A, s2;
	p2 =	seq.s32 @!p0 s5, $0x0  }
0x1f: {  	s9 =	smul.u32 $0xF7A, s1;
	s8 =	simm.s32 @!p0 $0x1BF5;
	p2 =	por !p2, p0  }
0x20: {  	[sflag:s8] =	ssyncset.s32 @!p0 $0xFFFFF086;
	s6 =	sadd.s32 @!p0 s3, s7;
	s7 =	simm.s32 @!p0 $0x108  }
0x21: {  	s3 =	sadd.s32 s3, s9;
	s6 =	sadd.s32 @!p0 $0x88, s6;
	s7 =	simm.s32 @p2 $0x1082  }
0x22: {  	[simem:s7], [sflag:s8] =	dma.local @!p0 [hbm:s6], $0xF7A  }
0x23: {  	s9 =	sor.u32 $0xD0000000, s2;
	s6 =	simm.s32 $0x108;
	_ =	swait.ge @!p0 [sflag:s8], $0x0  }
0x24: {  	s3 =	sadd.s32 $0x88, s3;
	s6 =	simm.s32 @!p1 $0x1082;
	[sflag:s4] =	ssyncset.s32 $0xFFFFF086  }
0x25: {  	[simem:s6], [sflag:s4] =	dma.local [hbm:s3], $0xF7A  }
0x26: {  	[smem:$0x3F8D] =	sst s1;
	(tag) =	ssettag s2;
	_ =	strace s9  }
0x27: {  	s1 =	sld [smem:$0x3F9D]  }
0x28: {  	s2 =	sld [smem:$0x3F9E]  }
0x29: {  	s4 =	sld [smem:$0x3FA0]  }
0x2a: {  	p0 =	seq.s32 s5, $0x0;
	s5 =	sld [smem:$0x3FA1]  }
0x2b: {  	s6 =	sld [smem:$0x3FA2]  }
0x2c: {  	s7 =	sld [smem:$0x3FA3]  }
0x2d: {  	s3 =	simm.s32 $0x108;
	s8 =	sld [smem:$0x3FA4]  }
0x2e: {  	s3 =	simm.s32 @!p0 $0x1082;
	s9 =	sld [smem:$0x3FA5]  }
0x2f: {  	lr =	sadd.s32 s0, s3;
	s0 =	sld [smem:$0x3F9C]  }
0x30: {  	s3 =	sld [smem:$0x3F9F]  }
0x31: {  	[smem:$0x3FA8] =	sst s10  }
0x32: {  	s10 =	sld [smem:$0x3FA6];
	_ =	sdelay $0x3  }
0x33: {  	p0 =	seq.s32 s10, $0x1;
	s10 =	sld [smem:$0x3FA8];
	_ =	sdelay $0x3  }
0x34: {  	[smem:$0x3FA8] =	sst s10  }
0x35: {  	s10 =	sld [smem:$0x3FA7];
	_ =	sdelay $0x3  }
0x36: {  	p1 =	seq.s32 s10, $0x1;
	s10 =	sld [smem:$0x3FA8];
	_ =	sdelay $0x3  }
0x37: {  	[smem:$0x3FA8] =	sst s10  }
0x38: {  	s10 =	sld [smem:$0x3FA9]  }
0x39: {  	_ = 	snop;
	(pc) =	sbr.ind lr, $3  }
0x3a: {  	_ = 	snop  }
0x3b: {  	_ = 	snop  }
0x3c: {  	p2 =	seq.s32 s10, $0x1;
	s10 =	sld [smem:$0x3FA8]  }
0x3d: {  	_ =	shalt  }
0x3e: {  	_ =	shalt  }
0x3f: {  	_ =	shalt  }
0x40: {  	_ =	shalt  }
0x41: {  	_ =	shalt  }
0x42: {  	_ =	shalt  }
0x43: {  	_ =	shalt  }
0x44: {  	_ =	shalt  }
0x45: {  	_ =	shalt  }
0x46: {  	_ =	shalt  }
0x47: {  	_ =	shalt  }
0x48: {  	_ =	shalt  }
0x49: {  	_ =	shalt  }
0x4a: {  	_ =	shalt  }
0x4b: {  	_ =	shalt  }
0x4c: {  	_ =	shalt  }
0x4d: {  	_ =	shalt  }
0x4e: {  	_ =	shalt  }
0x4f: {  	_ =	shalt  }
0x50: {  	_ =	shalt  }
0x51: {  	_ =	shalt  }
0x52: {  	_ =	shalt  }
0x53: {  	_ =	shalt  }
0x54: {  	_ =	shalt  }
0x55: {  	_ =	shalt  }
0x56: {  	_ =	shalt  }
0x57: {  	_ =	shalt  }
0x58: {  	_ =	shalt  }
0x59: {  	_ =	shalt  }
0x5a: {  	_ =	shalt  }
0x5b: {  	_ =	shalt  }
0x5c: {  	_ =	shalt  }
0x5d: {  	_ =	shalt  }
0x5e: {  	_ =	shalt  }
0x5f: {  	_ =	shalt  }
0x60: {  	_ =	shalt  }
0x61: {  	_ =	shalt  }
0x62: {  	_ =	shalt  }
0x63: {  	_ =	shalt  }
0x64: {  	_ =	shalt  }
0x65: {  	_ =	shalt  }
0x66: {  	_ =	shalt  }
0x67: {  	_ =	shalt  }
0x68: {  	_ =	shalt  }
0x69: {  	_ =	shalt  }
0x6a: {  	_ =	shalt  }
0x6b: {  	_ =	shalt  }
0x6c: {  	_ =	shalt  }
0x6d: {  	_ =	shalt  }
0x6e: {  	_ =	shalt  }
0x6f: {  	_ =	shalt  }
0x70: {  	_ =	shalt  }
0x71: {  	_ =	shalt  }
0x72: {  	_ =	shalt  }
0x73: {  	_ =	shalt  }
0x74: {  	_ =	shalt  }
0x75: {  	_ =	shalt  }
0x76: {  	_ =	shalt  }
0x77: {  	_ =	shalt  }
0x78: {  	_ =	shalt  }
0x79: {  	_ =	shalt  }
0x7a: {  	_ =	shalt  }
0x7b: {  	_ =	shalt  }
0x7c: {  	_ =	shalt  }
0x7d: {  	_ =	shalt  }
0x7e: {  	_ =	shalt  }
0x7f: {  	_ =	shalt  }
0x80: {  	_ =	shalt  }
0x81: {  	_ =	shalt  }
0x82: {  	_ =	shalt  }
0x83: {  	_ =	shalt  }
0x84: {  	_ =	shalt  }
0x85: {  	_ =	shalt  }
0x86: {  	_ =	shalt  }
0x87: {  	_ =	shalt  }
.Lfunc_end0:
.L_simem_size_0:
called_computation.1_lowered:
.L_overlay_start_0:
0x88: {  	s0 =	sld [smem:$0x3FD9]  }
0x89: {  	s1 =	sld [smem:$0x3FFE];
	_ =	sdelay $0x3  }
0x8a: {  	s0 =	sadd.s32 s1, s0  }
0x8b: {  	[smem:$0x3FB4] =	sst s0  }
0x8c: {  	_ = 	snop  }
0x8d: {  	s0 =	sld [smem:$0x3FD0];
	(tm) =	ssettm $0x1  }
0x8e: {  	s16 =	sld [smem:$0x3FFB];
	_ =	sdelay $0x3  }
0x8f: {  	_ =	strace s16  }
0x90: {  	s1 =	sld [smem:$0x3FFC];
	_ =	sdelay $0x3  }
0x91: {  	_ =	strace s1  }
0x92: {  	s1 =	sld [smem:$0x3FFD];
	_ =	sdelay $0x3  }
0x93: {  	_ =	strace s1  }
0x94: {  	_ =	strace $0x8FFFFFFF  }
0x95: {  	s17 =	sld [smem:$0x3FDB];
	_ =	sdelay $0x1  }
0x96: {  	s2 =	simm.s32 $_scs_section_size  }
0x97: {  	s3 =	simm.s32 $_size__tile_overlayer_lowered;
	s4 =	simm.s32 $_tile_overlayer_lowered  }
0x98: {  	s20 =	simm.s32 $0x1BFF;
	s19 =	sshll.u32 s4, $0x1;
	s1 =	sadd.s32 s2, s17  }
0x99: {  	s5 =	simm.s32 $0x0;
	s18 =	sshll.u32 s3, $0x1;
	s3 =	sadd.s32 s19, s1  }
0x9a: {  	[timem:s5], [sflag:s20] =	dma.local [hbm:s3], s18  }
0x9b: {  	_ =	swait.ge [sflag:s20], s18  }
0x9c: {  	s2 =	ssub.s32 $0x0, s18;
	[sflag:s20] =	ssyncset.done $0x0  }
0x9d: {  	[sflag:s20] =	ssyncadd.s32 s2;
	_ =	sdelay $0x1  }
0x9e: {  	s21 =	simm.s32 $0x1B8B  }
0x9f: {  	_ =	swait.ge [sflag:s21], $0x1  }
0xa0: {  	[sflag:s21] =	ssyncset.done $0x0  }
0xa1: {  	s23 =	simm.s32 $0x1B8E;
	s22 =	sld [smem:$0x3FFE];
	[sflag:s21] =	ssyncadd.s32 $0xFFFFFFFF  }
0xa2: {  	s24 =	simm.s32 $execute0_lowered;
	[smem:$0x3FD2] =	sst s23  }
0xa3: {  	s3 =	sshll.u32 s24, $0x1;
	_ =	strace $0x8000004C;
	[dreg:$0x1] =	wrdreg $0xFFFFFFFF  }
0xa4: {  	s25 =	simm.s32 $_size_execute0_lowered;
	s1 =	sadd.s32 s1, s3;
	[dreg:$0x0] =	wrdreg $0x0  }
0xa5: {  	s3 =	sshll.u32 s25, $0x1;
	[dreg:$0x2] =	wrdreg s1  }
0xa6: {  	[dreg:$0x3] =	wrdreg s3  }
0xa7: {  	[dreg:$0x4] =	wrdreg $0xC0  }
0xa8: {  	_ =	task [dreg:s5], $0x5FFFF  }
0xa9: {  	[dreg:$0x1] =	wrdreg $0xFFFFFFFF  }
0xaa: {  	[dreg:$0x0] =	wrdreg $0x60  }
0xab: {  	[dreg:$0x2] =	wrdreg s0  }
0xac: {  	[dreg:$0x3] =	wrdreg s22  }
0xad: {  	[dreg:$0x4] =	wrdreg $0x9  }
0xae: {  	_ =	task.clear_ibuf [dreg:s5], $0x5FFFF;
	_ =	strace $0x9000004C  }
0xaf: {  	s26 =	simm.s32 $0x9;
	_ =	strace $0x8000004E  }
0xb0: {  	_ =	swait.ge [sflag:s26], $0x1  }
0xb1: {  	[sflag:s26] =	ssyncadd.s32 $0xFFFFFFFF  }
0xb2: {  	_ =	strace $0x9000004E  }
0xb3: {  	_ =	sfence  }
0xb4: {  	s28 =	sld [smem:$0x0];
	_ =	sdelay $0x1  }
0xb5: {  	s29 =	srdreg.scid  }
0xb6: {  	s30 =	sshll.u32 s29, $0xD;
	s31 =	sshrl.u32 s29, $0x2  }
0xb7: {  	s2 =	sand.u32 $0x4000, s30;
	s1 =	sand.u32 $0x1, s29;
	s0 =	sadd.s32 s31, s28  }
0xb8: {  	s1 =	sor.u32 s2, s1;
	s0 =	sshll.u32 s0, $0x11  }
0xb9: {  	s0 =	sor.u32 s0, s1  }
0xba: {  	s0 =	sadd.s32 $0x8F2B, s0  }
0xbb: {  	[sflag:s0] =	ssyncadd.remote.s32 $0x1  }
0xbc: {  	_ =	sfence.sel $0xFFFF  }
0xbd: {  	[dreg:$0x0] =	wrdreg $0xFFFFFFFF;
	(pc) =	sbr.abs _section_cstart, $3  }
0xbe: {  	[dreg:$0x1] =	wrdreg $0xFFFFFFFF  }
0xbf: {  	_ =	task.clear_ibuf [dreg:s5], $0x2FFFF;
	_ =	strace $0x9FFFFFFF  }
0xc0: {  	(tm) =	ssettm $0x7FFFFFFF  }
0xc1: {  	_ =	shalt  }
tec
execute0_lowered:
.L_overlay_start_1:
0x0: {  	(tag) =	ssettag $0x1  }
0x1: {  	s1 =	rddreg [dreg:$0x0]  }
0x2: {  	s7 =	rddreg [dreg:$0x1]  }
0x3: {  	s0 =	rddreg [dreg:$0x2]  }
0x4: {  	s3 =	stileid.u32;
	_ =	strace $0x8000004D;
	s4 =	simm.s32 $0x3E  }
0x5: {  	p0 =	sne.s32 s3, $0x0;
	[sflag:s4] =	ssyncpa.u1 $0x0  }
0x6: {  	s30 =	smin.u32 s3, $0x4;
	s2 =	simm.s32 @!p0 $0x1C3E;
	s5 =	simm.s32 @!p0 $0x0  }
0x7: {  	[spmem:s5], [sflag:s2] =	dma.local @!p0 [hbm:s1], $0x10  }
0x8: {  	s2 =	sadd.s32 s3, s30  }
0x9: {  	p1 =	slt.u32 s3, $0x4;
	s3 =	simm.s32 $0x3E80;
	s2 =	smul.u32 $0x1F40, s2  }
0xa: {  	s3 =	simm.s32 @!p1 $0x1F40  }
0xb: {  	s3 =	sadd.s32 s3, s2  }
0xc: {  	s3 =	smin.u32 s3, $0x27100  }
0xd: {  	s8 =	ssub.s32 s3, s2  }
0xe: {  	p1 =	sgt.s32 s8, $0x0  }
0xf: {  	s8 =	simm.s32 @!p1 $0x0  }
0x10: {  	s5 =	simm.s32 @!p0 $0x3E;
	s31 =	smulhi.u32 $0x10624DD3, s8  }
0x11: {  	_ =	swait.ge @!p0 [sflag:s5], $0x10  }
0x12: {  	s6 =	simm.s32 $0x2;
	[sflag:s5] =	ssyncset.done @!p0 $0x0;
	s9 =	sshrl.u32 s31, $0x9  }
0x13: {  	s11 =	simm.s32 $0x0;
	[sflag:s5] =	ssyncadd.s32 @!p0 $0xFFFFFFF0;
	s10 =	smul.u32 $0x1F40, s9  }
.Ltmp0:
0x14: {  	s5 =	sadd.s32 $0x26000, s7;
	[bflag:$0x0] =	sbarrier.arrive $0xFFFF;
	(pc) =	sbr.rel .LBB2_1-.Ltmp0, $4  }
0x15: {  	s7 =	sadd.s32 $0x2B000, s7;
	[sflag:s4] =	ssyncpa.u1 $0x1;
	s4 =	simm.s32 $0x1  }
0x16: {  	[sflag:s4] =	ssyncpa.u1 $0x0;
	p1 =	sne.s32 s8, s10;
	s8 =	simm.s32 $0x1  }
0x17: {  	(ifvalue) =	ssetifvalue $0x80;
	[sflag:s6] =	ssyncpa.u1 $0x0;
	s8 =	simm.s32 @!p1 $0x0  }
0x18: {  	vm0 =	vmmov $0xffff;
	s10 =	smov.u32 s2;
	s8 =	sadd.s32 s8, s9;
	s9 =	simm.s32 $0x0  }
.LBB2_5:
0x19: {  	p2 =	sne.s32 s11, s8  }
.Ltmp1:
0x1a: {  	_ = 	snop;
	(pc) =	sbr.rel @!p2 .LBB2_6-.Ltmp1, $4  }
0x1b: {  	_ = 	snop  }
0x1c: {  	s12 =	sadd.s32 $0x1F40, s10  }
0x1d: {  	s10 =	smov.u32 s2;
	s13 =	sadd.s32 $0x1, s11;
	p1 =	slt.s32 s12, s3  }
0x1e: {  	s11 =	smov.u32 s13;
	s10 =	smov.u32 @p1 s12  }
.LBB2_1:
0x1f: {  	p1 =	sge.u32 s11, s8  }
0x20: {  	s12 =	sxor.u32 @!p1 $0xFFFFFFFF, s11  }
0x21: {  	s12 =	sand.u32 @!p1 $0x1, s12  }
0x22: {  	s12 =	smul.u32 @!p1 $0x1F40, s12  }
0x23: {  	s13 =	sshrl.u32 @!p1 s10, $0x3  }
0x24: {  	s16 =	sand.u32 @!p1 $0x7, s10;
	s14 =	sadd.s32 @!p1 s5, s13;
	s15 =	sor.u32 @!p1 $0x8, s12  }
0x25: {  	[tilespmem:s15], [sflag:$0x2] =	stream.linear.gather @!p1 [hbm4b:s14+s16], $0x1F40, $0x38;
	[tilespmem:$0x7D08] =	vst v63  }
0x26: {  	s13 =	sadd.s32 @!p1 s7, s13;
	s12 =	sadd.s32 @!p1 $0x3E88, s12  }
0x27: {  	[tilespmem:s12], [sflag:$0x2] =	stream.linear.gather @!p1 [hbm4b:s13+s16], $0x1F40, $0x38;
	[tilespmem:$0x7D08] =	vst v63  }
0x28: {  	p1 =	seq.s32 s11, $0x0  }
.Ltmp2:
0x29: {  	_ = 	snop;
	(pc) =	sbr.rel @p1 .LBB2_5-.Ltmp2, $1  }
0x2a: {  	_ =	sdelay $0x3  }
0x2b: {  	s12 =	sand.u32 $0x1, s11  }
0x2c: {  	_ =	swait.ge [sflag:s6], $0x3E80;
	p1 =	seq.s32 s12, $0x1;
	s12 =	simm.s32 $0x1F40  }
0x2d: {  	[sflag:s6] =	ssyncset.done $0x0;
	s12 =	simm.s32 @!p1 $0x0  }
0x2e: {  	[sflag:s6] =	ssyncadd.s32 $0xFFFFC180;
	s14 =	sor.u32 $0x8, s12  }
0x2f: {  	v0 =	vld.msk [tilespmem:s14+$0x0 ss:$0x1], $0xffff;
	_ =	sdelay $0x4  }
0x30: {  	v0 =	vmin.u32 v0, $0x80;
	_ =	sdelay $0x3  }
0x31: {  	s13 =	simm.s32 $0x0;
	s12 =	sadd.s32 $0x3E88, s12;
	s14 =	sadd.s32 $0x10, s14  }
0x32: {  	[spmem:s9] =	stream.indirect_vreg.scatter.add.s32 [tilespmem:s12], [sflag:$0x1], $0x1, v0, vm0, $0x4038;
	[tilespmem:$0x7D08] =	vst v63  }
.LBB2_3:
0x33: {  	v0 =	vld.msk [tilespmem:s14+$0x0 ss:$0x1], $0xffff;
	s13 =	sadd.s32 $0x10, s13  }
0x34: {  	p1 =	slt.u32 s13, $0x1F30;
	_ =	sdelay $0x4  }
0x35: {  	v0 =	vmin.u32 v0, $0x80  }
.Ltmp3:
0x36: {  	(pc) =	sbr.rel @p1 .LBB2_3-.Ltmp3, $3  }
0x37: {  	_ =	sdelay $0x1  }
0x38: {  	s14 =	sadd.s32 $0x10, s14;
	s12 =	sadd.s32 $0x10, s12  }
0x39: {  	[spmem:s9] =	stream.indirect_vreg.scatter.add.s32 [tilespmem:s12], [sflag:$0x1], $0x1, v0, vm0, $0x4038;
	[tilespmem:$0x7D08] =	vst v63  }
.Ltmp4:
0x3a: {  	(pc) =	sbr.rel .LBB2_5-.Ltmp4, $4  }
0x3b: {  	_ = 	snop  }
0x3c: {  	_ =	swait.ge [sflag:s4], $0x1F40  }
0x3d: {  	[sflag:s4] =	ssyncset.done $0x0  }
0x3e: {  	[sflag:s4] =	ssyncadd.s32 $0xFFFFE0C0  }
.LBB2_6:
0x3f: {  	_ =	sfence.sel $0x180000  }
0x40: {  	s2 =	simm.s32 $0x2;
	[bflag:$0x0] =	sbarrier.arrive $0xFFFF  }
0x41: {  	s30 =	simm.s32 $0x1;
	[sflag:s2] =	ssyncpa.u1 $0x1  }
0x42: {  	[sflag:s30] =	ssyncpa.u1 $0x1  }
0x43: {  	_ =	sfence.stream.spmem  }
0x44: {  	s31 =	simm.s32 $0x3D;
	[bflag:$0x0] =	sbarrier.arrive $0xFFFF  }
0x45: {  	s2 =	simm.s32 @p0 $0x3D;
	[sflag:s31] =	ssyncpa.u1 $0x0  }
0x46: {  	[sflag:s2] =	ssyncpa.u1 @p0 $0x1  }
0x47: {  	[bflag:$0x0] =	sbarrier.arrive @p0 $0xFFFF  }
0x48: {  	_ =	strace @p0 $0x9000004D  }
0x49: {  	s3 =	simm.s32 @!p0 $0x1C3D;
	s2 =	simm.s32 @!p0 $0x0;
	[bflag:$0x2] =	sbarrier.arrive @p0 $0xFFFF  }
0x4a: {  	[hbm:s1], [sflag:s3] =	dma.local @!p0 [spmem:s2], $0x10  }
0x4b: {  	s1 =	simm.s32 @!p0 $0x3D  }
0x4c: {  	_ =	swait.ge @!p0 [sflag:s1], $0x10  }
0x4d: {  	[sflag:s1] =	ssyncset.done @!p0 $0x0  }
0x4e: {  	[sflag:s1] =	ssyncadd.s32 @!p0 $0xFFFFFFF0  }
0x4f: {  	[sflag:s1] =	ssyncpa.u1 @!p0 $0x1  }
0x50: {  	[bflag:$0x0] =	sbarrier.arrive @!p0 $0xFFFF  }
0x51: {  	_ =	strace @!p0 $0x9000004D  }
0x52: {  	s0 =	sadd.s32 @!p0 $0x100000, s0;
	[bflag:$0x2] =	sbarrier.arrive @!p0 $0xFFFF  }
0x53: {  	[sflag:s0] =	ssyncadd.tile.s32 @!p0 $0x1;
	_ =	shalt  }
.Lfunc_end2:
_tile_overlayer_lowered:
.L_overlay_start_2:
0x54: {  	(tag) =	ssettag $0x2  }
0x55: {  	s0 =	rddreg [dreg:$0x0];
	s2 =	stileid.u32  }
0x56: {  	s1 =	rddreg [dreg:$0x1];
	p0 =	sne.s32 s2, $0x0  }
0x57: {  	s3 =	rddreg [dreg:$0x2];
	[bflag:$0x3] =	sbarrier.arrive $0xFFFF;
	s2 =	simm.s32 @!p0 $0x1C01  }
0x58: {  	[timem:s3], [sflag:s2] =	dma.local @!p0 [hbm:s0], s1  }
0x59: {  	s0 =	simm.s32 @!p0 $0x1  }
0x5a: {  	_ =	swait.ge @!p0 [sflag:s0], s1  }
0x5b: {  	s1 =	ssub.s32 @!p0 $0x0, s1;
	[sflag:s0] =	ssyncset.done @!p0 $0x0  }
0x5c: {  	[sflag:s0] =	ssyncadd.s32 @!p0 s1  }
0x5d: {  	[bflag:$0x3] =	sbarrier.arrive $0xFFFF  }
0x5e: {  	_ =	shalt  }

// kernel: scatter_offload_async_start.2
scs
__scs_entry_jumppad:
0x0: {  	(pc) =	sbr.rel $0x88, $3  }
0x1: {  	(tag) =	ssettag $0x0;
	lr =	simm.s32 $0x1  }
0x2: {  	[smem:$0x3F8D] =	sst lr;
	_ =	strace $0xD0000000  }
0x3: {  	_ = 	snop  }
0x4: {  	_ = 	snop  }
0x5: {  	_ = 	snop  }
0x6: {  	_ = 	snop  }
0x7: {  	_ = 	snop  }
__scs_overlays_trampoline_lowered:
0x8: {  	[smem:$0x3F9C] =	sst s0  }
0x9: {  	[smem:$0x3F9D] =	sst s1  }
0xa: {  	[smem:$0x3F9E] =	sst s2  }
0xb: {  	[smem:$0x3F9F] =	sst s3  }
0xc: {  	[smem:$0x3FA0] =	sst s4  }
0xd: {  	[smem:$0x3FA1] =	sst s5  }
0xe: {  	[smem:$0x3FA2] =	sst s6  }
0xf: {  	[smem:$0x3FA3] =	sst s7  }
0x10: {  	[smem:$0x3FA4] =	sst s8  }
0x11: {  	[smem:$0x3FA5] =	sst s9;
	s0 =	simm.s32 @!p0 $0x0  }
0x12: {  	s1 =	sld [smem:$0x3F8B];
	s0 =	simm.s32 @p0 $0x1  }
0x13: {  	[smem:$0x3FA6] =	sst s0;
	s0 =	simm.s32 @!p1 $0x0  }
0x14: {  	s2 =	sld [smem:$0x3F8A];
	s0 =	simm.s32 @p1 $0x1  }
0x15: {  	[smem:$0x3FA7] =	sst s0;
	s0 =	simm.s32 @!p2 $0x0  }
0x16: {  	s3 =	sld [smem:$0x3FDB];
	s0 =	simm.s32 @p2 $0x1  }
0x17: {  	s4 =	simm.s32 $0x1BF5;
	[smem:$0x3FA9] =	sst s0  }
0x18: {  	s0 =	sld [smem:$0x3F8C];
	_ =	swait.ge [sflag:s4], $0x0  }
0x19: {  	s7 =	sld [smem:$0x3F8D]  }
0x1a: {  	s8 =	sadd.s32 $0xFFFFE003, lr  }
0x1b: {  	s9 =	sadd.s32 $0xFFFFFEF7, lr;
	s5 =	simm.s32 $0xFFFFFFFF;
	p2 =	slt.u32 s8, $0xFFFFF086  }
0x1c: {  	p1 =	slt.u32 s9, $0xF7A;
	s5 =	simm.s32 @!p2 $0x0  }
0x1d: {  	s5 =	simm.s32 @p1 $0x1;
	p0 =	seq.s32 s7, s2  }
0x1e: {  	s7 =	smul.u32 @!p0 $0xF7A, s2;
	p2 =	seq.s32 @!p0 s5, $0x0  }
0x1f: {  	s9 =	smul.u32 $0xF7A, s1;
	s8 =	simm.s32 @!p0 $0x1BF5;
	p2 =	por !p2, p0  }
0x20: {  	[sflag:s8] =	ssyncset.s32 @!p0 $0xFFFFF086;
	s6 =	sadd.s32 @!p0 s3, s7;
	s7 =	simm.s32 @!p0 $0x108  }
0x21: {  	s3 =	sadd.s32 s3, s9;
	s6 =	sadd.s32 @!p0 $0x88, s6;
	s7 =	simm.s32 @p2 $0x1082  }
0x22: {  	[simem:s7], [sflag:s8] =	dma.local @!p0 [hbm:s6], $0xF7A  }
0x23: {  	s9 =	sor.u32 $0xD0000000, s2;
	s6 =	simm.s32 $0x108;
	_ =	swait.ge @!p0 [sflag:s8], $0x0  }
0x24: {  	s3 =	sadd.s32 $0x88, s3;
	s6 =	simm.s32 @!p1 $0x1082;
	[sflag:s4] =	ssyncset.s32 $0xFFFFF086  }
0x25: {  	[simem:s6], [sflag:s4] =	dma.local [hbm:s3], $0xF7A  }
0x26: {  	[smem:$0x3F8D] =	sst s1;
	(tag) =	ssettag s2;
	_ =	strace s9  }
0x27: {  	s1 =	sld [smem:$0x3F9D]  }
0x28: {  	s2 =	sld [smem:$0x3F9E]  }
0x29: {  	s4 =	sld [smem:$0x3FA0]  }
0x2a: {  	p0 =	seq.s32 s5, $0x0;
	s5 =	sld [smem:$0x3FA1]  }
0x2b: {  	s6 =	sld [smem:$0x3FA2]  }
0x2c: {  	s7 =	sld [smem:$0x3FA3]  }
0x2d: {  	s3 =	simm.s32 $0x108;
	s8 =	sld [smem:$0x3FA4]  }
0x2e: {  	s3 =	simm.s32 @!p0 $0x1082;
	s9 =	sld [smem:$0x3FA5]  }
0x2f: {  	lr =	sadd.s32 s0, s3;
	s0 =	sld [smem:$0x3F9C]  }
0x30: {  	s3 =	sld [smem:$0x3F9F]  }
0x31: {  	[smem:$0x3FA8] =	sst s10  }
0x32: {  	s10 =	sld [smem:$0x3FA6];
	_ =	sdelay $0x3  }
0x33: {  	p0 =	seq.s32 s10, $0x1;
	s10 =	sld [smem:$0x3FA8];
	_ =	sdelay $0x3  }
0x34: {  	[smem:$0x3FA8] =	sst s10  }
0x35: {  	s10 =	sld [smem:$0x3FA7];
	_ =	sdelay $0x3  }
0x36: {  	p1 =	seq.s32 s10, $0x1;
	s10 =	sld [smem:$0x3FA8];
	_ =	sdelay $0x3  }
0x37: {  	[smem:$0x3FA8] =	sst s10  }
0x38: {  	s10 =	sld [smem:$0x3FA9]  }
0x39: {  	_ = 	snop;
	(pc) =	sbr.ind lr, $3  }
0x3a: {  	_ = 	snop  }
0x3b: {  	_ = 	snop  }
0x3c: {  	p2 =	seq.s32 s10, $0x1;
	s10 =	sld [smem:$0x3FA8]  }
0x3d: {  	_ =	shalt  }
0x3e: {  	_ =	shalt  }
0x3f: {  	_ =	shalt  }
0x40: {  	_ =	shalt  }
0x41: {  	_ =	shalt  }
0x42: {  	_ =	shalt  }
0x43: {  	_ =	shalt  }
0x44: {  	_ =	shalt  }
0x45: {  	_ =	shalt  }
0x46: {  	_ =	shalt  }
0x47: {  	_ =	shalt  }
0x48: {  	_ =	shalt  }
0x49: {  	_ =	shalt  }
0x4a: {  	_ =	shalt  }
0x4b: {  	_ =	shalt  }
0x4c: {  	_ =	shalt  }
0x4d: {  	_ =	shalt  }
0x4e: {  	_ =	shalt  }
0x4f: {  	_ =	shalt  }
0x50: {  	_ =	shalt  }
0x51: {  	_ =	shalt  }
0x52: {  	_ =	shalt  }
0x53: {  	_ =	shalt  }
0x54: {  	_ =	shalt  }
0x55: {  	_ =	shalt  }
0x56: {  	_ =	shalt  }
0x57: {  	_ =	shalt  }
0x58: {  	_ =	shalt  }
0x59: {  	_ =	shalt  }
0x5a: {  	_ =	shalt  }
0x5b: {  	_ =	shalt  }
0x5c: {  	_ =	shalt  }
0x5d: {  	_ =	shalt  }
0x5e: {  	_ =	shalt  }
0x5f: {  	_ =	shalt  }
0x60: {  	_ =	shalt  }
0x61: {  	_ =	shalt  }
0x62: {  	_ =	shalt  }
0x63: {  	_ =	shalt  }
0x64: {  	_ =	shalt  }
0x65: {  	_ =	shalt  }
0x66: {  	_ =	shalt  }
0x67: {  	_ =	shalt  }
0x68: {  	_ =	shalt  }
0x69: {  	_ =	shalt  }
0x6a: {  	_ =	shalt  }
0x6b: {  	_ =	shalt  }
0x6c: {  	_ =	shalt  }
0x6d: {  	_ =	shalt  }
0x6e: {  	_ =	shalt  }
0x6f: {  	_ =	shalt  }
0x70: {  	_ =	shalt  }
0x71: {  	_ =	shalt  }
0x72: {  	_ =	shalt  }
0x73: {  	_ =	shalt  }
0x74: {  	_ =	shalt  }
0x75: {  	_ =	shalt  }
0x76: {  	_ =	shalt  }
0x77: {  	_ =	shalt  }
0x78: {  	_ =	shalt  }
0x79: {  	_ =	shalt  }
0x7a: {  	_ =	shalt  }
0x7b: {  	_ =	shalt  }
0x7c: {  	_ =	shalt  }
0x7d: {  	_ =	shalt  }
0x7e: {  	_ =	shalt  }
0x7f: {  	_ =	shalt  }
0x80: {  	_ =	shalt  }
0x81: {  	_ =	shalt  }
0x82: {  	_ =	shalt  }
0x83: {  	_ =	shalt  }
0x84: {  	_ =	shalt  }
0x85: {  	_ =	shalt  }
0x86: {  	_ =	shalt  }
0x87: {  	_ =	shalt  }
.Lfunc_end0:
.L_simem_size_0:
called_computation.2_lowered:
.L_overlay_start_0:
0x88: {  	s0 =	sld [smem:$0x3FD9]  }
0x89: {  	s1 =	sld [smem:$0x3FFE];
	_ =	sdelay $0x3  }
0x8a: {  	s0 =	sadd.s32 s1, s0  }
0x8b: {  	[smem:$0x3FB4] =	sst s0  }
0x8c: {  	_ = 	snop  }
0x8d: {  	(tm) =	ssettm $0x1  }
0x8e: {  	s15 =	sld [smem:$0x3FFB];
	_ =	sdelay $0x3  }
0x8f: {  	_ =	strace s15  }
0x90: {  	s0 =	sld [smem:$0x3FFC];
	_ =	sdelay $0x3  }
0x91: {  	_ =	strace s0  }
0x92: {  	s0 =	sld [smem:$0x3FFD];
	_ =	sdelay $0x3  }
0x93: {  	_ =	strace s0  }
0x94: {  	_ =	strace $0x8FFFFFFF  }
0x95: {  	s16 =	sld [smem:$0x3FDB];
	_ =	sdelay $0x1  }
0x96: {  	s17 =	simm.s32 $_scs_section_size  }
0x97: {  	s2 =	simm.s32 $_size__tile_overlayer_lowered;
	s3 =	simm.s32 $_tile_overlayer_lowered  }
0x98: {  	s20 =	simm.s32 $0x1BFF;
	s19 =	sshll.u32 s3, $0x1;
	s0 =	sadd.s32 s17, s16  }
0x99: {  	s4 =	simm.s32 $0x0;
	s18 =	sshll.u32 s2, $0x1;
	s2 =	sadd.s32 s19, s0  }
0x9a: {  	[timem:s4], [sflag:s20] =	dma.local [hbm:s2], s18  }
0x9b: {  	_ =	swait.ge [sflag:s20], s18  }
0x9c: {  	s1 =	ssub.s32 $0x0, s18;
	[sflag:s20] =	ssyncset.done $0x0  }
0x9d: {  	[sflag:s20] =	ssyncadd.s32 s1;
	_ =	sdelay $0x1  }
0x9e: {  	s21 =	simm.s32 $0x1B8B  }
0x9f: {  	_ =	swait.ge [sflag:s21], $0x1  }
0xa0: {  	[sflag:s21] =	ssyncset.done $0x0  }
0xa1: {  	s23 =	simm.s32 $0x1B8E;
	s22 =	sld [smem:$0x3FFE];
	[sflag:s21] =	ssyncadd.s32 $0xFFFFFFFF  }
0xa2: {  	s24 =	simm.s32 $execute0_lowered;
	[smem:$0x3FD2] =	sst s23  }
0xa3: {  	s2 =	sshll.u32 s24, $0x1;
	_ =	strace $0x80000055;
	[dreg:$0x1] =	wrdreg $0xFFFFFFFF  }
0xa4: {  	s25 =	simm.s32 $_size_execute0_lowered;
	s0 =	sadd.s32 s0, s2;
	[dreg:$0x0] =	wrdreg $0x0  }
0xa5: {  	s2 =	sshll.u32 s25, $0x1;
	[dreg:$0x2] =	wrdreg s0  }
0xa6: {  	[dreg:$0x3] =	wrdreg s2  }
0xa7: {  	[dreg:$0x4] =	wrdreg $0xC0  }
0xa8: {  	_ =	task [dreg:s4], $0x5FFFF  }
0xa9: {  	[dreg:$0x1] =	wrdreg $0xFFFFFFFF  }
0xaa: {  	[dreg:$0x0] =	wrdreg $0x60  }
0xab: {  	[dreg:$0x2] =	wrdreg s22  }
0xac: {  	[dreg:$0x3] =	wrdreg $0x9  }
0xad: {  	_ =	task.clear_ibuf [dreg:s4], $0x4FFFF;
	_ =	strace $0x90000055  }
0xae: {  	s26 =	simm.s32 $0x9;
	_ =	strace $0x80000057  }
0xaf: {  	_ =	swait.ge [sflag:s26], $0x1  }
0xb0: {  	[sflag:s26] =	ssyncadd.s32 $0xFFFFFFFF  }
0xb1: {  	_ =	strace $0x90000057  }
0xb2: {  	_ =	sfence  }
0xb3: {  	s28 =	sld [smem:$0x0];
	_ =	sdelay $0x1  }
0xb4: {  	s29 =	srdreg.scid  }
0xb5: {  	s30 =	sshll.u32 s29, $0xD;
	s31 =	sshrl.u32 s29, $0x2  }
0xb6: {  	s1 =	sand.u32 $0x1, s29;
	s2 =	sand.u32 $0x4000, s30;
	s0 =	sadd.s32 s31, s28  }
0xb7: {  	s1 =	sor.u32 s2, s1;
	s0 =	sshll.u32 s0, $0x11  }
0xb8: {  	s0 =	sor.u32 s0, s1  }
0xb9: {  	s0 =	sadd.s32 $0x8F2B, s0  }
0xba: {  	[sflag:s0] =	ssyncadd.remote.s32 $0x1  }
0xbb: {  	_ =	sfence.sel $0xFFFF  }
0xbc: {  	[dreg:$0x0] =	wrdreg $0xFFFFFFFF;
	(pc) =	sbr.abs _section_cstart, $3  }
0xbd: {  	[dreg:$0x1] =	wrdreg $0xFFFFFFFF  }
0xbe: {  	_ =	task.clear_ibuf [dreg:s4], $0x2FFFF;
	_ =	strace $0x9FFFFFFF  }
0xbf: {  	(tm) =	ssettm $0x7FFFFFFF  }
tec
execute0_lowered:
.L_overlay_start_1:
0x0: {  	(tag) =	ssettag $0x1  }
0x1: {  	s7 =	rddreg [dreg:$0x0]  }
0x2: {  	s0 =	rddreg [dreg:$0x1]  }
0x3: {  	_ =	strace $0x80000056;
	s3 =	stileid.u32;
	s4 =	simm.s32 $0x3E  }
0x4: {  	s1 =	sadd.s32 $0x22200, s7;
	p0 =	sne.s32 s3, $0x0;
	[sflag:s4] =	ssyncpa.u1 $0x0  }
0x5: {  	s30 =	smin.u32 s3, $0x4;
	s2 =	simm.s32 @!p0 $0x1C3E;
	s5 =	simm.s32 @!p0 $0x0  }
0x6: {  	[spmem:s5], [sflag:s2] =	dma.local @!p0 [hbm:s1], $0x100  }
0x7: {  	s2 =	sadd.s32 s3, s30  }
0x8: {  	p1 =	slt.u32 s3, $0x4;
	s3 =	simm.s32 $0x3E80;
	s2 =	smul.u32 $0x1F40, s2  }
0x9: {  	s3 =	simm.s32 @!p1 $0x1F40  }
0xa: {  	s3 =	sadd.s32 s3, s2  }
0xb: {  	s3 =	smin.u32 s3, $0x27100  }
0xc: {  	s8 =	ssub.s32 s3, s2  }
0xd: {  	p1 =	sgt.s32 s8, $0x0  }
0xe: {  	s8 =	simm.s32 @!p1 $0x0  }
0xf: {  	s5 =	simm.s32 @!p0 $0x3E;
	s31 =	smulhi.u32 $0x10624DD3, s8  }
0x10: {  	_ =	swait.ge @!p0 [sflag:s5], $0x100  }
0x11: {  	s6 =	simm.s32 $0x2;
	[sflag:s5] =	ssyncset.done @!p0 $0x0;
	s9 =	sshrl.u32 s31, $0x9  }
0x12: {  	s11 =	simm.s32 $0x0;
	[sflag:s5] =	ssyncadd.s32 @!p0 $0xFFFFFF00;
	s10 =	smul.u32 $0x1F40, s9  }
.Ltmp0:
0x13: {  	s5 =	sadd.s32 $0x1BC00, s7;
	[bflag:$0x0] =	sbarrier.arrive $0xFFFF;
	(pc) =	sbr.rel .LBB2_1-.Ltmp0, $4  }
0x14: {  	s7 =	sadd.s32 $0x2B000, s7;
	[sflag:s4] =	ssyncpa.u1 $0x1;
	s4 =	simm.s32 $0x1  }
0x15: {  	[sflag:s4] =	ssyncpa.u1 $0x0;
	p1 =	sne.s32 s8, s10;
	s8 =	simm.s32 $0x1  }
0x16: {  	(ifvalue) =	ssetifvalue $0x800;
	[sflag:s6] =	ssyncpa.u1 $0x0;
	s8 =	simm.s32 @!p1 $0x0  }
0x17: {  	vm0 =	vmmov $0xffff;
	s10 =	smov.u32 s2;
	s8 =	sadd.s32 s8, s9;
	s9 =	simm.s32 $0x0  }
.LBB2_5:
0x18: {  	p2 =	sne.s32 s11, s8  }
.Ltmp1:
0x19: {  	_ = 	snop;
	(pc) =	sbr.rel @!p2 .LBB2_6-.Ltmp1, $4  }
0x1a: {  	_ = 	snop  }
0x1b: {  	s12 =	sadd.s32 $0x1F40, s10  }
0x1c: {  	s10 =	smov.u32 s2;
	s13 =	sadd.s32 $0x1, s11;
	p1 =	slt.s32 s12, s3  }
0x1d: {  	s11 =	smov.u32 s13;
	s10 =	smov.u32 @p1 s12  }
.LBB2_1:
0x1e: {  	p1 =	sge.u32 s11, s8  }
0x1f: {  	s12 =	sxor.u32 @!p1 $0xFFFFFFFF, s11  }
0x20: {  	s12 =	sand.u32 @!p1 $0x1, s12  }
0x21: {  	s12 =	smul.u32 @!p1 $0x1F40, s12  }
0x22: {  	s13 =	sshrl.u32 @!p1 s10, $0x3  }
0x23: {  	s16 =	sand.u32 @!p1 $0x7, s10;
	s14 =	sadd.s32 @!p1 s5, s13;
	s15 =	sadd.s32 @!p1 $0x80, s12  }
0x24: {  	[tilespmem:s15], [sflag:$0x2] =	stream.linear.gather @!p1 [hbm4b:s14+s16], $0x1F40, $0x38;
	[tilespmem:$0x7D80] =	vst v63  }
0x25: {  	s13 =	sadd.s32 @!p1 s7, s13;
	s12 =	sadd.s32 @!p1 $0x3F00, s12  }
0x26: {  	[tilespmem:s12], [sflag:$0x2] =	stream.linear.gather @!p1 [hbm4b:s13+s16], $0x1F40, $0x38;
	[tilespmem:$0x7D80] =	vst v63  }
0x27: {  	p1 =	seq.s32 s11, $0x0  }
.Ltmp2:
0x28: {  	_ = 	snop;
	(pc) =	sbr.rel @p1 .LBB2_5-.Ltmp2, $1  }
0x29: {  	_ =	sdelay $0x3  }
0x2a: {  	s12 =	sand.u32 $0x1, s11  }
0x2b: {  	_ =	swait.ge [sflag:s6], $0x3E80;
	p1 =	seq.s32 s12, $0x1;
	s12 =	simm.s32 $0x1F40  }
0x2c: {  	[sflag:s6] =	ssyncset.done $0x0;
	s12 =	simm.s32 @!p1 $0x0  }
0x2d: {  	[sflag:s6] =	ssyncadd.s32 $0xFFFFC180;
	s14 =	sor.u32 $0x80, s12  }
0x2e: {  	v0 =	vld.msk [tilespmem:s14+$0x0 ss:$0x1], $0xffff;
	_ =	sdelay $0x4  }
0x2f: {  	v0 =	vmin.u32 v0, $0x800;
	_ =	sdelay $0x3  }
0x30: {  	s13 =	simm.s32 $0x0;
	s12 =	sadd.s32 $0x3F00, s12;
	s14 =	sadd.s32 $0x10, s14  }
0x31: {  	[spmem:s9] =	stream.indirect_vreg.scatter.add.s32 [tilespmem:s12], [sflag:$0x1], $0x1, v0, vm0, $0x4038;
	[tilespmem:$0x7D80] =	vst v63  }
.LBB2_3:
0x32: {  	v0 =	vld.msk [tilespmem:s14+$0x0 ss:$0x1], $0xffff;
	s13 =	sadd.s32 $0x10, s13  }
0x33: {  	p1 =	slt.u32 s13, $0x1F30;
	_ =	sdelay $0x4  }
0x34: {  	v0 =	vmin.u32 v0, $0x800  }
.Ltmp3:
0x35: {  	(pc) =	sbr.rel @p1 .LBB2_3-.Ltmp3, $3  }
0x36: {  	_ =	sdelay $0x1  }
0x37: {  	s14 =	sadd.s32 $0x10, s14;
	s12 =	sadd.s32 $0x10, s12  }
0x38: {  	[spmem:s9] =	stream.indirect_vreg.scatter.add.s32 [tilespmem:s12], [sflag:$0x1], $0x1, v0, vm0, $0x4038;
	[tilespmem:$0x7D80] =	vst v63  }
.Ltmp4:
0x39: {  	(pc) =	sbr.rel .LBB2_5-.Ltmp4, $4  }
0x3a: {  	_ = 	snop  }
0x3b: {  	_ =	swait.ge [sflag:s4], $0x1F40  }
0x3c: {  	[sflag:s4] =	ssyncset.done $0x0  }
0x3d: {  	[sflag:s4] =	ssyncadd.s32 $0xFFFFE0C0  }
.LBB2_6:
0x3e: {  	_ =	sfence.sel $0x180000  }
0x3f: {  	s2 =	simm.s32 $0x2;
	[bflag:$0x0] =	sbarrier.arrive $0xFFFF  }
0x40: {  	s30 =	simm.s32 $0x1;
	[sflag:s2] =	ssyncpa.u1 $0x1  }
0x41: {  	[sflag:s30] =	ssyncpa.u1 $0x1  }
0x42: {  	_ =	sfence.stream.spmem  }
0x43: {  	s31 =	simm.s32 $0x3D;
	[bflag:$0x0] =	sbarrier.arrive $0xFFFF  }
0x44: {  	s2 =	simm.s32 @p0 $0x3D;
	[sflag:s31] =	ssyncpa.u1 $0x0  }
0x45: {  	[sflag:s2] =	ssyncpa.u1 @p0 $0x1  }
0x46: {  	[bflag:$0x0] =	sbarrier.arrive @p0 $0xFFFF  }
0x47: {  	_ =	strace @p0 $0x90000056  }
0x48: {  	s3 =	simm.s32 @!p0 $0x1C3D;
	s2 =	simm.s32 @!p0 $0x0;
	[bflag:$0x2] =	sbarrier.arrive @p0 $0xFFFF  }
0x49: {  	[hbm:s1], [sflag:s3] =	dma.local @!p0 [spmem:s2], $0x100  }
0x4a: {  	s1 =	simm.s32 @!p0 $0x3D  }
0x4b: {  	_ =	swait.ge @!p0 [sflag:s1], $0x100  }
0x4c: {  	[sflag:s1] =	ssyncset.done @!p0 $0x0  }
0x4d: {  	[sflag:s1] =	ssyncadd.s32 @!p0 $0xFFFFFF00  }
0x4e: {  	[sflag:s1] =	ssyncpa.u1 @!p0 $0x1  }
0x4f: {  	[bflag:$0x0] =	sbarrier.arrive @!p0 $0xFFFF  }
0x50: {  	_ =	strace @!p0 $0x90000056  }
0x51: {  	s0 =	sadd.s32 @!p0 $0x100000, s0;
	[bflag:$0x2] =	sbarrier.arrive @!p0 $0xFFFF  }
0x52: {  	[sflag:s0] =	ssyncadd.tile.s32 @!p0 $0x1;
	_ =	shalt  }
.Lfunc_end2:
_tile_overlayer_lowered:
.L_overlay_start_2:
0x53: {  	(tag) =	ssettag $0x2  }
0x54: {  	s0 =	rddreg [dreg:$0x0];
	s2 =	stileid.u32  }
0x55: {  	s1 =	rddreg [dreg:$0x1];
	p0 =	sne.s32 s2, $0x0  }
0x56: {  	s3 =	rddreg [dreg:$0x2];
	[bflag:$0x3] =	sbarrier.arrive $0xFFFF;
	s2 =	simm.s32 @!p0 $0x1C01  }
0x57: {  	[timem:s3], [sflag:s2] =	dma.local @!p0 [hbm:s0], s1  }
0x58: {  	s0 =	simm.s32 @!p0 $0x1  }
0x59: {  	_ =	swait.ge @!p0 [sflag:s0], s1  }
0x5a: {  	s1 =	ssub.s32 @!p0 $0x0, s1;
	[sflag:s0] =	ssyncset.done @!p0 $0x0  }
0x5b: {  	[sflag:s0] =	ssyncadd.s32 @!p0 s1  }
0x5c: {  	[bflag:$0x3] =	sbarrier.arrive $0xFFFF  }
0x5d: {  	_ =	shalt  }

// kernel: scatter_offload_async_start.3
scs
__scs_entry_jumppad:
0x0: {  	(pc) =	sbr.rel $0x88, $3  }
0x1: {  	(tag) =	ssettag $0x0;
	lr =	simm.s32 $0x1  }
0x2: {  	[smem:$0x3F8D] =	sst lr;
	_ =	strace $0xD0000000  }
0x3: {  	_ = 	snop  }
0x4: {  	_ = 	snop  }
0x5: {  	_ = 	snop  }
0x6: {  	_ = 	snop  }
0x7: {  	_ = 	snop  }
__scs_overlays_trampoline_lowered:
0x8: {  	[smem:$0x3F9C] =	sst s0  }
0x9: {  	[smem:$0x3F9D] =	sst s1  }
0xa: {  	[smem:$0x3F9E] =	sst s2  }
0xb: {  	[smem:$0x3F9F] =	sst s3  }
0xc: {  	[smem:$0x3FA0] =	sst s4  }
0xd: {  	[smem:$0x3FA1] =	sst s5  }
0xe: {  	[smem:$0x3FA2] =	sst s6  }
0xf: {  	[smem:$0x3FA3] =	sst s7  }
0x10: {  	[smem:$0x3FA4] =	sst s8  }
0x11: {  	[smem:$0x3FA5] =	sst s9;
	s0 =	simm.s32 @!p0 $0x0  }
0x12: {  	s1 =	sld [smem:$0x3F8B];
	s0 =	simm.s32 @p0 $0x1  }
0x13: {  	[smem:$0x3FA6] =	sst s0;
	s0 =	simm.s32 @!p1 $0x0  }
0x14: {  	s2 =	sld [smem:$0x3F8A];
	s0 =	simm.s32 @p1 $0x1  }
0x15: {  	[smem:$0x3FA7] =	sst s0;
	s0 =	simm.s32 @!p2 $0x0  }
0x16: {  	s3 =	sld [smem:$0x3FDB];
	s0 =	simm.s32 @p2 $0x1  }
0x17: {  	s4 =	simm.s32 $0x1BF5;
	[smem:$0x3FA9] =	sst s0  }
0x18: {  	s0 =	sld [smem:$0x3F8C];
	_ =	swait.ge [sflag:s4], $0x0  }
0x19: {  	s7 =	sld [smem:$0x3F8D]  }
0x1a: {  	s8 =	sadd.s32 $0xFFFFE003, lr  }
0x1b: {  	s9 =	sadd.s32 $0xFFFFFEF7, lr;
	s5 =	simm.s32 $0xFFFFFFFF;
	p2 =	slt.u32 s8, $0xFFFFF086  }
0x1c: {  	p1 =	slt.u32 s9, $0xF7A;
	s5 =	simm.s32 @!p2 $0x0  }
0x1d: {  	s5 =	simm.s32 @p1 $0x1;
	p0 =	seq.s32 s7, s2  }
0x1e: {  	s7 =	smul.u32 @!p0 $0xF7A, s2;
	p2 =	seq.s32 @!p0 s5, $0x0  }
0x1f: {  	s9 =	smul.u32 $0xF7A, s1;
	s8 =	simm.s32 @!p0 $0x1BF5;
	p2 =	por !p2, p0  }
0x20: {  	[sflag:s8] =	ssyncset.s32 @!p0 $0xFFFFF086;
	s6 =	sadd.s32 @!p0 s3, s7;
	s7 =	simm.s32 @!p0 $0x108  }
0x21: {  	s3 =	sadd.s32 s3, s9;
	s6 =	sadd.s32 @!p0 $0x88, s6;
	s7 =	simm.s32 @p2 $0x1082  }
0x22: {  	[simem:s7], [sflag:s8] =	dma.local @!p0 [hbm:s6], $0xF7A  }
0x23: {  	s9 =	sor.u32 $0xD0000000, s2;
	s6 =	simm.s32 $0x108;
	_ =	swait.ge @!p0 [sflag:s8], $0x0  }
0x24: {  	s3 =	sadd.s32 $0x88, s3;
	s6 =	simm.s32 @!p1 $0x1082;
	[sflag:s4] =	ssyncset.s32 $0xFFFFF086  }
0x25: {  	[simem:s6], [sflag:s4] =	dma.local [hbm:s3], $0xF7A  }
0x26: {  	[smem:$0x3F8D] =	sst s1;
	(tag) =	ssettag s2;
	_ =	strace s9  }
0x27: {  	s1 =	sld [smem:$0x3F9D]  }
0x28: {  	s2 =	sld [smem:$0x3F9E]  }
0x29: {  	s4 =	sld [smem:$0x3FA0]  }
0x2a: {  	p0 =	seq.s32 s5, $0x0;
	s5 =	sld [smem:$0x3FA1]  }
0x2b: {  	s6 =	sld [smem:$0x3FA2]  }
0x2c: {  	s7 =	sld [smem:$0x3FA3]  }
0x2d: {  	s3 =	simm.s32 $0x108;
	s8 =	sld [smem:$0x3FA4]  }
0x2e: {  	s3 =	simm.s32 @!p0 $0x1082;
	s9 =	sld [smem:$0x3FA5]  }
0x2f: {  	lr =	sadd.s32 s0, s3;
	s0 =	sld [smem:$0x3F9C]  }
0x30: {  	s3 =	sld [smem:$0x3F9F]  }
0x31: {  	[smem:$0x3FA8] =	sst s10  }
0x32: {  	s10 =	sld [smem:$0x3FA6];
	_ =	sdelay $0x3  }
0x33: {  	p0 =	seq.s32 s10, $0x1;
	s10 =	sld [smem:$0x3FA8];
	_ =	sdelay $0x3  }
0x34: {  	[smem:$0x3FA8] =	sst s10  }
0x35: {  	s10 =	sld [smem:$0x3FA7];
	_ =	sdelay $0x3  }
0x36: {  	p1 =	seq.s32 s10, $0x1;
	s10 =	sld [smem:$0x3FA8];
	_ =	sdelay $0x3  }
0x37: {  	[smem:$0x3FA8] =	sst s10  }
0x38: {  	s10 =	sld [smem:$0x3FA9]  }
0x39: {  	_ = 	snop;
	(pc) =	sbr.ind lr, $3  }
0x3a: {  	_ = 	snop  }
0x3b: {  	_ = 	snop  }
0x3c: {  	p2 =	seq.s32 s10, $0x1;
	s10 =	sld [smem:$0x3FA8]  }
0x3d: {  	_ =	shalt  }
0x3e: {  	_ =	shalt  }
0x3f: {  	_ =	shalt  }
0x40: {  	_ =	shalt  }
0x41: {  	_ =	shalt  }
0x42: {  	_ =	shalt  }
0x43: {  	_ =	shalt  }
0x44: {  	_ =	shalt  }
0x45: {  	_ =	shalt  }
0x46: {  	_ =	shalt  }
0x47: {  	_ =	shalt  }
0x48: {  	_ =	shalt  }
0x49: {  	_ =	shalt  }
0x4a: {  	_ =	shalt  }
0x4b: {  	_ =	shalt  }
0x4c: {  	_ =	shalt  }
0x4d: {  	_ =	shalt  }
0x4e: {  	_ =	shalt  }
0x4f: {  	_ =	shalt  }
0x50: {  	_ =	shalt  }
0x51: {  	_ =	shalt  }
0x52: {  	_ =	shalt  }
0x53: {  	_ =	shalt  }
0x54: {  	_ =	shalt  }
0x55: {  	_ =	shalt  }
0x56: {  	_ =	shalt  }
0x57: {  	_ =	shalt  }
0x58: {  	_ =	shalt  }
0x59: {  	_ =	shalt  }
0x5a: {  	_ =	shalt  }
0x5b: {  	_ =	shalt  }
0x5c: {  	_ =	shalt  }
0x5d: {  	_ =	shalt  }
0x5e: {  	_ =	shalt  }
0x5f: {  	_ =	shalt  }
0x60: {  	_ =	shalt  }
0x61: {  	_ =	shalt  }
0x62: {  	_ =	shalt  }
0x63: {  	_ =	shalt  }
0x64: {  	_ =	shalt  }
0x65: {  	_ =	shalt  }
0x66: {  	_ =	shalt  }
0x67: {  	_ =	shalt  }
0x68: {  	_ =	shalt  }
0x69: {  	_ =	shalt  }
0x6a: {  	_ =	shalt  }
0x6b: {  	_ =	shalt  }
0x6c: {  	_ =	shalt  }
0x6d: {  	_ =	shalt  }
0x6e: {  	_ =	shalt  }
0x6f: {  	_ =	shalt  }
0x70: {  	_ =	shalt  }
0x71: {  	_ =	shalt  }
0x72: {  	_ =	shalt  }
0x73: {  	_ =	shalt  }
0x74: {  	_ =	shalt  }
0x75: {  	_ =	shalt  }
0x76: {  	_ =	shalt  }
0x77: {  	_ =	shalt  }
0x78: {  	_ =	shalt  }
0x79: {  	_ =	shalt  }
0x7a: {  	_ =	shalt  }
0x7b: {  	_ =	shalt  }
0x7c: {  	_ =	shalt  }
0x7d: {  	_ =	shalt  }
0x7e: {  	_ =	shalt  }
0x7f: {  	_ =	shalt  }
0x80: {  	_ =	shalt  }
0x81: {  	_ =	shalt  }
0x82: {  	_ =	shalt  }
0x83: {  	_ =	shalt  }
0x84: {  	_ =	shalt  }
0x85: {  	_ =	shalt  }
0x86: {  	_ =	shalt  }
0x87: {  	_ =	shalt  }
.Lfunc_end0:
.L_simem_size_0:
called_computation.3_lowered:
.L_overlay_start_0:
0x88: {  	s0 =	sld [smem:$0x3FD9]  }
0x89: {  	s1 =	sld [smem:$0x3FFE];
	_ =	sdelay $0x3  }
0x8a: {  	s0 =	sadd.s32 s1, s0  }
0x8b: {  	[smem:$0x3FB4] =	sst s0  }
0x8c: {  	_ = 	snop  }
0x8d: {  	(tm) =	ssettm $0x1  }
0x8e: {  	s14 =	sld [smem:$0x3FFB];
	_ =	sdelay $0x3  }
0x8f: {  	_ =	strace s14  }
0x90: {  	s0 =	sld [smem:$0x3FFC];
	_ =	sdelay $0x3  }
0x91: {  	_ =	strace s0  }
0x92: {  	s0 =	sld [smem:$0x3FFD];
	_ =	sdelay $0x3  }
0x93: {  	_ =	strace s0  }
0x94: {  	_ =	strace $0x8FFFFFFF  }
0x95: {  	s15 =	sld [smem:$0x3FDB];
	_ =	sdelay $0x1  }
0x96: {  	s16 =	simm.s32 $_scs_section_size  }
0x97: {  	s2 =	simm.s32 $_size__tile_overlayer_lowered;
	s3 =	simm.s32 $_tile_overlayer_lowered  }
0x98: {  	s4 =	simm.s32 $0x1BFF;
	s17 =	sshll.u32 s3, $0x1;
	s1 =	sadd.s32 s16, s15  }
0x99: {  	s18 =	simm.s32 $0x0;
	s2 =	sshll.u32 s2, $0x1;
	s3 =	sadd.s32 s17, s1  }
0x9a: {  	[timem:s18], [sflag:s4] =	dma.local [hbm:s3], s2  }
0x9b: {  	_ =	swait.ge [sflag:s4], s2  }
0x9c: {  	s2 =	ssub.s32 $0x0, s2;
	[sflag:s4] =	ssyncset.done $0x0  }
0x9d: {  	[sflag:s4] =	ssyncadd.s32 s2;
	_ =	sdelay $0x1  }
0x9e: {  	s19 =	simm.s32 $0x1B8B  }
0x9f: {  	_ =	swait.ge [sflag:s19], $0x1  }
0xa0: {  	[sflag:s19] =	ssyncset.done $0x0  }
0xa1: {  	s21 =	simm.s32 $0x1B8E;
	s20 =	sld [smem:$0x3FFE];
	[sflag:s19] =	ssyncadd.s32 $0xFFFFFFFF  }
0xa2: {  	s22 =	simm.s32 $execute0_lowered;
	[smem:$0x3FD2] =	sst s21  }
0xa3: {  	s3 =	sshll.u32 s22, $0x1;
	_ =	strace $0x8000004F;
	[dreg:$0x1] =	wrdreg $0xFFFFFFFF  }
0xa4: {  	s23 =	simm.s32 $_size_execute0_lowered;
	s3 =	sadd.s32 s1, s3;
	[dreg:$0x0] =	wrdreg $0x0  }
0xa5: {  	s4 =	sshll.u32 s23, $0x1;
	[dreg:$0x2] =	wrdreg s3  }
0xa6: {  	[dreg:$0x3] =	wrdreg s4  }
0xa7: {  	[dreg:$0x4] =	wrdreg $0xC0  }
0xa8: {  	s24 =	simm.s32 $execute1_lowered;
	_ =	task [dreg:s18], $0x5FFFF  }
0xa9: {  	s3 =	sshll.u32 s24, $0x1;
	[dreg:$0x1] =	wrdreg $0xFFFFFFFF  }
0xaa: {  	s1 =	sadd.s32 s1, s3;
	[dreg:$0x0] =	wrdreg $0x60  }
0xab: {  	[dreg:$0x2] =	wrdreg s1  }
0xac: {  	[dreg:$0x3] =	wrdreg s20  }
0xad: {  	[dreg:$0x4] =	wrdreg $0x9  }
0xae: {  	_ =	task.clear_ibuf [dreg:s18], $0x5FFFF;
	_ =	strace $0x9000004F  }
0xaf: {  	s25 =	simm.s32 $0x9;
	_ =	strace $0x80000051  }
0xb0: {  	_ =	swait.ge [sflag:s25], $0x1  }
0xb1: {  	[sflag:s25] =	ssyncadd.s32 $0xFFFFFFFF  }
0xb2: {  	_ =	strace $0x90000051  }
0xb3: {  	_ =	strace $0x80000052;
	[dreg:$0x1] =	wrdreg $0xFFFFFFFF  }
0xb4: {  	[dreg:$0x0] =	wrdreg $0x2030  }
0xb5: {  	[dreg:$0x2] =	wrdreg s20  }
0xb6: {  	[dreg:$0x3] =	wrdreg $0xA  }
0xb7: {  	_ =	task.clear_ibuf [dreg:s18], $0x4FFFF;
	_ =	strace $0x90000052  }
0xb8: {  	s26 =	simm.s32 $0xA;
	_ =	strace $0x80000054  }
0xb9: {  	_ =	swait.ge [sflag:s26], $0x1  }
0xba: {  	[sflag:s26] =	ssyncadd.s32 $0xFFFFFFFF  }
0xbb: {  	_ =	strace $0x90000054  }
0xbc: {  	_ =	sfence  }
0xbd: {  	s28 =	sld [smem:$0x0];
	_ =	sdelay $0x1  }
0xbe: {  	s29 =	srdreg.scid  }
0xbf: {  	s30 =	sshll.u32 s29, $0xD;
	s31 =	sshrl.u32 s29, $0x2  }
0xc0: {  	s2 =	sand.u32 $0x1, s29;
	s3 =	sand.u32 $0x4000, s30;
	s1 =	sadd.s32 s31, s28  }
0xc1: {  	s2 =	sor.u32 s3, s2;
	s1 =	sshll.u32 s1, $0x11  }
0xc2: {  	s1 =	sor.u32 s1, s2  }
0xc3: {  	s1 =	sadd.s32 $0x8F2B, s1  }
0xc4: {  	[sflag:s1] =	ssyncadd.remote.s32 $0x1  }
0xc5: {  	_ =	sfence.sel $0xFFFF  }
0xc6: {  	[dreg:$0x0] =	wrdreg $0xFFFFFFFF;
	(pc) =	sbr.abs _section_cstart, $3  }
0xc7: {  	[dreg:$0x1] =	wrdreg $0xFFFFFFFF  }
0xc8: {  	_ =	task.clear_ibuf [dreg:s18], $0x2FFFF;
	_ =	strace $0x9FFFFFFF  }
0xc9: {  	(tm) =	ssettm $0x7FFFFFFF  }
tec
execute0_lowered:
.L_overlay_start_1:
0x0: {  	(tag) =	ssettag $0x1  }
0x1: {  	s2 =	rddreg [dreg:$0x0]  }
0x2: {  	s7 =	rddreg [dreg:$0x1]  }
0x3: {  	s0 =	rddreg [dreg:$0x2];
	s3 =	stileid.u32  }
0x4: {  	[bflag:$0x3] =	sbarrier.arrive $0xFFFF;
	s1 =	simm.s32 $_size_execute1_lowered;
	p0 =	sne.s32 s3, $0x0  }
0x5: {  	s1 =	sshll.u32 s1, $0x1;
	s4 =	simm.s32 @!p0 $0x1C3F;
	s5 =	simm.s32 @!p0 $0x4060  }
0x6: {  	[timem:s5], [sflag:s4] =	dma.local @!p0 [hbm:s2], s1  }
0x7: {  	s4 =	sshll.u32 s3, $0x7  }
0x8: {  	s30 =	ssub.s32 $0x800, s4  }
0x9: {  	s31 =	sand.u32 $0x780, s30  }
0xa: {  	s8 =	simm.s32 $0x1;
	s6 =	sshll.u32 s3, $0x4;
	p1 =	sne.s32 s31, $0x0  }
0xb: {  	s9 =	sadd.s32 s6, s7;
	s5 =	sshrl.u32 s30, $0xB;
	s8 =	simm.s32 @!p1 $0x0  }
0xc: {  	s2 =	simm.s32 $0x1;
	s3 =	simm.s32 $0x2;
	s6 =	sadd.s32 s8, s5  }
0xd: {  	_ =	strace $0x80000050;
	s5 =	simm.s32 $0x0;
	p3 =	sle.u32 s6, $0x0  }
0xe: {  	[sflag:s2] =	ssyncpa.u1 $0x0;
	s8 =	sadd.s32 $0x22200, s9;
	s9 =	sxor.u32 @!p3 $0xFFFFFFFF, s5  }
0xf: {  	[sflag:s3] =	ssyncpa.u1 $0x0;
	s10 =	simm.s32 @!p3 $0x0;
	s9 =	sand.u32 @!p3 $0x80, s9  }
0x10: {  	[tilespmem:s9], [sflag:$0x1] =	stream.linear.gather @!p3 [hbm4b:s8+s10], $0x80, $0x38;
	[tilespmem:$0x200] =	vst v63  }
0x11: {  	p2 =	sle.u32 s6, $0xFFFFFFFF;
	s9 =	sadd.s32 $0x1, s6  }
0x12: {  	p1 =	por p2, p2;
	p3 =	sne.s32 s9, $0x0  }
.Ltmp0:
0x13: {  	s13 =	simm.s32 @!p1 $0x1;
	(pc) =	sbr.rel @!p3 .LBB2_2-.Ltmp0, $4  }
0x14: {  	_ =	swait.ge @!p1 [sflag:s13], $0x80  }
0x15: {  	s11 =	simm.s32 $0x1;
	[sflag:s13] =	ssyncset.done @!p1 $0x0  }
0x16: {  	s12 =	sand.u32 @!p1 $0x80, s5;
	s10 =	sadd.s32 $0x22400, s7;
	[sflag:s13] =	ssyncadd.s32 @!p1 $0xFFFFFF80  }
0x17: {  	s14 =	simm.s32 $0x0;
	s7 =	sadd.s32 @!p2 $0x0, s10;
	s13 =	sor.u32 @!p1 $0x100, s12;
	v0 =	vld @!p1 [tilespmem:s12+$0x50]  }
.LBB2_1:
0x18: {  	p2 =	sne.s32 s11, s9  }
0x19: {  	v1 =	vld @!p1 [tilespmem:s12+$0x30];
	s14 =	sadd.s32 $0x80, s14;
	s15 =	smov.u32 s11;
	s11 =	sadd.s32 $0x1, s11  }
0x1a: {  	v2 =	vld @!p1 [tilespmem:s12+$0x70]  }
0x1b: {  	v3 =	vld @!p1 [tilespmem:s12+$0x60]  }
0x1c: {  	v4 =	vld @!p1 [tilespmem:s12+$0x10]  }
0x1d: {  	v5 =	vld @!p1 [tilespmem:s12+$0x0];
	[tilespmem:s12+$0x150] =	vst @!p1 v0  }
0x1e: {  	p3 =	sge.u32 s15, s6;
	[tilespmem:s12+$0x130] =	vst @!p1 v1;
	v0 =	vld @!p1 [tilespmem:s12+$0x40]  }
0x1f: {  	s17 =	sadd.s32 $0xFFFFFFFF, s15;
	s16 =	sxor.u32 @!p3 $0xFFFFFFFF, s14;
	v1 =	vld @!p1 [tilespmem:s12+$0x20];
	[tilespmem:s12+$0x170] =	vst @!p1 v2  }
0x20: {  	p4 =	sge.u32 s17, s6;
	s16 =	sand.u32 @!p3 $0x80, s16;
	[tilespmem:s12+$0x160] =	vst @!p1 v3  }
0x21: {  	s17 =	sshrl.u32 @!p4 s4, $0x3;
	[tilespmem:s12+$0x110] =	vst @!p1 v4  }
0x22: {  	s17 =	sadd.s32 @!p4 s10, s17;
	[tilespmem:s12+$0x100] =	vst @!p1 v5  }
0x23: {  	s18 =	simm.s32 @!p1 $0x0;
	p5 =	slt.u32 s5, $0x2;
	s5 =	smov.u32 s15;
	[tilespmem:s12+$0x140] =	vst @!p1 v0  }
0x24: {  	[tilespmem:s12+$0x120] =	vst @!p1 v1;
	s12 =	simm.s32 @!p5 $0x2  }
0x25: {  	[hbm4b:s7+s18] =	stream.linear.scatter @!p1 [tilespmem:s13], [sflag:$0x2], $0x80, $0x38;
	[tilespmem:$0x200] =	vst v63  }
0x26: {  	s13 =	simm.s32 @!p3 $0x0;
	s7 =	smov.u32 s17;
	_ =	swait.ge @!p5 [sflag:s12], $0x80  }
0x27: {  	p1 =	por p4, p4;
	[sflag:s12] =	ssyncset.done @!p5 $0x0  }
0x28: {  	s15 =	simm.s32 @!p1 $0x1;
	[sflag:s12] =	ssyncadd.s32 @!p5 $0xFFFFFF80  }
0x29: {  	[tilespmem:s16], [sflag:$0x1] =	stream.linear.gather @!p3 [hbm4b:s8+s13], $0x80, $0x38;
	[tilespmem:$0x200] =	vst v63  }
.Ltmp1:
0x2a: {  	_ = 	snop;
	(pc) =	sbr.rel @p2 .LBB2_1-.Ltmp1, $4  }
0x2b: {  	_ =	swait.ge @!p1 [sflag:s15], $0x80  }
0x2c: {  	s12 =	sand.u32 @!p1 $0x80, s14;
	[sflag:s15] =	ssyncset.done @!p1 $0x0  }
0x2d: {  	s13 =	sor.u32 @!p1 $0x100, s12;
	[sflag:s15] =	ssyncadd.s32 @!p1 $0xFFFFFF80  }
0x2e: {  	v0 =	vld @!p1 [tilespmem:s12+$0x50]  }
.LBB2_2:
0x2f: {  	v1 =	vld @!p1 [tilespmem:s12+$0x30]  }
0x30: {  	v2 =	vld @!p1 [tilespmem:s12+$0x70]  }
0x31: {  	v3 =	vld @!p1 [tilespmem:s12+$0x60]  }
0x32: {  	v4 =	vld @!p1 [tilespmem:s12+$0x10]  }
0x33: {  	v5 =	vld @!p1 [tilespmem:s12+$0x0];
	[tilespmem:s12+$0x150] =	vst @!p1 v0  }
0x34: {  	v0 =	vld @!p1 [tilespmem:s12+$0x40];
	[tilespmem:s12+$0x130] =	vst @!p1 v1  }
0x35: {  	v1 =	vld @!p1 [tilespmem:s12+$0x20];
	[tilespmem:s12+$0x170] =	vst @!p1 v2  }
0x36: {  	[tilespmem:s12+$0x160] =	vst @!p1 v3  }
0x37: {  	[tilespmem:s12+$0x110] =	vst @!p1 v4  }
0x38: {  	[tilespmem:s12+$0x100] =	vst @!p1 v5  }
0x39: {  	p2 =	slt.u32 s5, $0x2;
	[tilespmem:s12+$0x140] =	vst @!p1 v0  }
0x3a: {  	s4 =	simm.s32 @!p1 $0x0;
	s5 =	simm.s32 @!p2 $0x2;
	[tilespmem:s12+$0x120] =	vst @!p1 v1  }
0x3b: {  	[hbm4b:s7+s4] =	stream.linear.scatter @!p1 [tilespmem:s13], [sflag:$0x2], $0x80, $0x38;
	[tilespmem:$0x200] =	vst v63  }
0x3c: {  	_ =	swait.ge @!p2 [sflag:s5], $0x80  }
0x3d: {  	[sflag:s5] =	ssyncset.done @!p2 $0x0  }
0x3e: {  	[sflag:s5] =	ssyncadd.s32 @!p2 $0xFFFFFF80  }
0x3f: {  	_ =	sfence.sel $0x180000  }
0x40: {  	[bflag:$0x0] =	sbarrier.arrive $0xFFFF  }
0x41: {  	[sflag:s2] =	ssyncpa.u1 $0x1  }
0x42: {  	[sflag:s3] =	ssyncpa.u1 $0x1  }
0x43: {  	_ =	strace $0x90000050  }
0x44: {  	s0 =	sadd.s32 @!p0 $0x100000, s0;
	[bflag:$0x2] =	sbarrier.arrive $0xFFFF  }
0x45: {  	[sflag:s0] =	ssyncadd.tile.s32 @!p0 $0x1;
	s0 =	simm.s32 @!p0 $0x3F  }
0x46: {  	_ =	swait.ge @!p0 [sflag:s0], s1  }
0x47: {  	s1 =	ssub.s32 @!p0 $0x0, s1;
	[sflag:s0] =	ssyncset.done @!p0 $0x0  }
0x48: {  	[sflag:s0] =	ssyncadd.s32 @!p0 s1  }
0x49: {  	[bflag:$0x3] =	sbarrier.arrive $0xFFFF  }
0x4a: {  	_ =	shalt  }
.Lfunc_end2:
execute1_lowered:
.L_overlay_start_2:
0x4b: {  	(tag) =	ssettag $0x2  }
0x4c: {  	s7 =	rddreg [dreg:$0x0]  }
0x4d: {  	s0 =	rddreg [dreg:$0x1]  }
0x4e: {  	_ =	strace $0x80000053;
	s3 =	stileid.u32;
	s4 =	simm.s32 $0x3E  }
0x4f: {  	s1 =	sadd.s32 $0x22400, s7;
	p0 =	sne.s32 s3, $0x0;
	[sflag:s4] =	ssyncpa.u1 $0x0  }
0x50: {  	s30 =	smin.u32 s3, $0x4;
	s2 =	simm.s32 @!p0 $0x1C3E;
	s5 =	simm.s32 @!p0 $0x0  }
0x51: {  	[spmem:s5], [sflag:s2] =	dma.local @!p0 [hbm:s1], $0x100  }
0x52: {  	s2 =	sadd.s32 s3, s30  }
0x53: {  	p1 =	slt.u32 s3, $0x4;
	s3 =	simm.s32 $0x3E80;
	s2 =	smul.u32 $0x1F40, s2  }
0x54: {  	s3 =	simm.s32 @!p1 $0x1F40  }
0x55: {  	s3 =	sadd.s32 s3, s2  }
0x56: {  	s3 =	smin.u32 s3, $0x27100  }
0x57: {  	s8 =	ssub.s32 s3, s2  }
0x58: {  	p1 =	sgt.s32 s8, $0x0  }
0x59: {  	s8 =	simm.s32 @!p1 $0x0  }
0x5a: {  	s5 =	simm.s32 @!p0 $0x3E;
	s31 =	smulhi.u32 $0x10624DD3, s8  }
0x5b: {  	_ =	swait.ge @!p0 [sflag:s5], $0x100  }
0x5c: {  	s6 =	simm.s32 $0x2;
	[sflag:s5] =	ssyncset.done @!p0 $0x0;
	s9 =	sshrl.u32 s31, $0x9  }
0x5d: {  	s11 =	simm.s32 $0x0;
	[sflag:s5] =	ssyncadd.s32 @!p0 $0xFFFFFF00;
	s10 =	smul.u32 $0x1F40, s9  }
.Ltmp2:
0x5e: {  	s5 =	sadd.s32 $0x16C00, s7;
	[bflag:$0x0] =	sbarrier.arrive $0xFFFF;
	(pc) =	sbr.rel .LBB3_1-.Ltmp2, $4  }
0x5f: {  	s7 =	sadd.s32 $0x2B000, s7;
	[sflag:s4] =	ssyncpa.u1 $0x1;
	s4 =	simm.s32 $0x1  }
0x60: {  	[sflag:s4] =	ssyncpa.u1 $0x0;
	p1 =	sne.s32 s8, s10;
	s8 =	simm.s32 $0x1  }
0x61: {  	(ifvalue) =	ssetifvalue $0x800;
	[sflag:s6] =	ssyncpa.u1 $0x0;
	s8 =	simm.s32 @!p1 $0x0  }
0x62: {  	vm0 =	vmmov $0xffff;
	s10 =	smov.u32 s2;
	s8 =	sadd.s32 s8, s9;
	s9 =	simm.s32 $0x0  }
.LBB3_5:
0x63: {  	p2 =	sne.s32 s11, s8  }
.Ltmp3:
0x64: {  	_ = 	snop;
	(pc) =	sbr.rel @!p2 .LBB3_6-.Ltmp3, $4  }
0x65: {  	_ = 	snop  }
0x66: {  	s12 =	sadd.s32 $0x1F40, s10  }
0x67: {  	s10 =	smov.u32 s2;
	s13 =	sadd.s32 $0x1, s11;
	p1 =	slt.s32 s12, s3  }
0x68: {  	s11 =	smov.u32 s13;
	s10 =	smov.u32 @p1 s12  }
.LBB3_1:
0x69: {  	p1 =	sge.u32 s11, s8  }
0x6a: {  	s12 =	sxor.u32 @!p1 $0xFFFFFFFF, s11  }
0x6b: {  	s12 =	sand.u32 @!p1 $0x1, s12  }
0x6c: {  	s12 =	smul.u32 @!p1 $0x1F40, s12  }
0x6d: {  	s13 =	sshrl.u32 @!p1 s10, $0x3  }
0x6e: {  	s16 =	sand.u32 @!p1 $0x7, s10;
	s14 =	sadd.s32 @!p1 s5, s13;
	s15 =	sadd.s32 @!p1 $0x80, s12  }
0x6f: {  	[tilespmem:s15], [sflag:$0x2] =	stream.linear.gather @!p1 [hbm4b:s14+s16], $0x1F40, $0x38;
	[tilespmem:$0x7D80] =	vst v63  }
0x70: {  	s13 =	sadd.s32 @!p1 s7, s13;
	s12 =	sadd.s32 @!p1 $0x3F00, s12  }
0x71: {  	[tilespmem:s12], [sflag:$0x2] =	stream.linear.gather @!p1 [hbm4b:s13+s16], $0x1F40, $0x38;
	[tilespmem:$0x7D80] =	vst v63  }
0x72: {  	p1 =	seq.s32 s11, $0x0  }
.Ltmp4:
0x73: {  	_ = 	snop;
	(pc) =	sbr.rel @p1 .LBB3_5-.Ltmp4, $1  }
0x74: {  	_ =	sdelay $0x3  }
0x75: {  	s12 =	sand.u32 $0x1, s11  }
0x76: {  	_ =	swait.ge [sflag:s6], $0x3E80;
	p1 =	seq.s32 s12, $0x1;
	s12 =	simm.s32 $0x1F40  }
0x77: {  	[sflag:s6] =	ssyncset.done $0x0;
	s12 =	simm.s32 @!p1 $0x0  }
0x78: {  	[sflag:s6] =	ssyncadd.s32 $0xFFFFC180;
	s14 =	sor.u32 $0x80, s12  }
0x79: {  	v0 =	vld.msk [tilespmem:s14+$0x0 ss:$0x1], $0xffff;
	_ =	sdelay $0x4  }
0x7a: {  	v0 =	vmin.u32 v0, $0x800;
	_ =	sdelay $0x3  }
0x7b: {  	s13 =	simm.s32 $0x0;
	s12 =	sadd.s32 $0x3F00, s12;
	s14 =	sadd.s32 $0x10, s14  }
0x7c: {  	[spmem:s9] =	stream.indirect_vreg.scatter.add.s32 [tilespmem:s12], [sflag:$0x1], $0x1, v0, vm0, $0x4038;
	[tilespmem:$0x7D80] =	vst v63  }
.LBB3_3:
0x7d: {  	v0 =	vld.msk [tilespmem:s14+$0x0 ss:$0x1], $0xffff;
	s13 =	sadd.s32 $0x10, s13  }
0x7e: {  	p1 =	slt.u32 s13, $0x1F30;
	_ =	sdelay $0x4  }
0x7f: {  	v0 =	vmin.u32 v0, $0x800  }
.Ltmp5:
0x80: {  	(pc) =	sbr.rel @p1 .LBB3_3-.Ltmp5, $3  }
0x81: {  	_ =	sdelay $0x1  }
0x82: {  	s14 =	sadd.s32 $0x10, s14;
	s12 =	sadd.s32 $0x10, s12  }
0x83: {  	[spmem:s9] =	stream.indirect_vreg.scatter.add.s32 [tilespmem:s12], [sflag:$0x1], $0x1, v0, vm0, $0x4038;
	[tilespmem:$0x7D80] =	vst v63  }
.Ltmp6:
0x84: {  	(pc) =	sbr.rel .LBB3_5-.Ltmp6, $4  }
0x85: {  	_ = 	snop  }
0x86: {  	_ =	swait.ge [sflag:s4], $0x1F40  }
0x87: {  	[sflag:s4] =	ssyncset.done $0x0  }
0x88: {  	[sflag:s4] =	ssyncadd.s32 $0xFFFFE0C0  }
.LBB3_6:
0x89: {  	_ =	sfence.sel $0x180000  }
0x8a: {  	s2 =	simm.s32 $0x2;
	[bflag:$0x0] =	sbarrier.arrive $0xFFFF  }
0x8b: {  	s30 =	simm.s32 $0x1;
	[sflag:s2] =	ssyncpa.u1 $0x1  }
0x8c: {  	[sflag:s30] =	ssyncpa.u1 $0x1  }
0x8d: {  	_ =	sfence.stream.spmem  }
0x8e: {  	s31 =	simm.s32 $0x3D;
	[bflag:$0x0] =	sbarrier.arrive $0xFFFF  }
0x8f: {  	s2 =	simm.s32 @p0 $0x3D;
	[sflag:s31] =	ssyncpa.u1 $0x0  }
0x90: {  	[sflag:s2] =	ssyncpa.u1 @p0 $0x1  }
0x91: {  	[bflag:$0x0] =	sbarrier.arrive @p0 $0xFFFF  }
0x92: {  	_ =	strace @p0 $0x90000053  }
0x93: {  	s3 =	simm.s32 @!p0 $0x1C3D;
	s2 =	simm.s32 @!p0 $0x0;
	[bflag:$0x2] =	sbarrier.arrive @p0 $0xFFFF  }
0x94: {  	[hbm:s1], [sflag:s3] =	dma.local @!p0 [spmem:s2], $0x100  }
0x95: {  	s1 =	simm.s32 @!p0 $0x3D  }
0x96: {  	_ =	swait.ge @!p0 [sflag:s1], $0x100  }
0x97: {  	[sflag:s1] =	ssyncset.done @!p0 $0x0  }
0x98: {  	[sflag:s1] =	ssyncadd.s32 @!p0 $0xFFFFFF00  }
0x99: {  	[sflag:s1] =	ssyncpa.u1 @!p0 $0x1  }
0x9a: {  	[bflag:$0x0] =	sbarrier.arrive @!p0 $0xFFFF  }
0x9b: {  	_ =	strace @!p0 $0x90000053  }
0x9c: {  	s0 =	sadd.s32 @!p0 $0x100000, s0;
	[bflag:$0x2] =	sbarrier.arrive @!p0 $0xFFFF  }
0x9d: {  	[sflag:s0] =	ssyncadd.tile.s32 @!p0 $0x1;
	_ =	shalt  }
.Lfunc_end3:
_tile_overlayer_lowered:
.L_overlay_start_3:
0x9e: {  	(tag) =	ssettag $0x3  }
0x9f: {  	s0 =	rddreg [dreg:$0x0];
	s2 =	stileid.u32  }
0xa0: {  	s1 =	rddreg [dreg:$0x1];
	p0 =	sne.s32 s2, $0x0  }
0xa1: {  	s3 =	rddreg [dreg:$0x2];
	[bflag:$0x3] =	sbarrier.arrive $0xFFFF;
	s2 =	simm.s32 @!p0 $0x1C01  }
0xa2: {  	[timem:s3], [sflag:s2] =	dma.local @!p0 [hbm:s0], s1  }
0xa3: {  	s0 =	simm.s32 @!p0 $0x1  }
0xa4: {  	_ =	swait.ge @!p0 [sflag:s0], s1  }
0xa5: {  	s1 =	ssub.s32 @!p0 $0x0, s1;
	[sflag:s0] =	ssyncset.done @!p0 $0x0  }
0xa6: {  	[sflag:s0] =	ssyncadd.s32 @!p0 s1  }
0xa7: {  	[bflag:$0x3] =	sbarrier.arrive $0xFFFF  }
0xa8: {  	_ =	shalt  }

// kernel: scatter_offload_async_start
scs
__scs_entry_jumppad:
0x0: {  	(pc) =	sbr.rel $0x88, $3  }
0x1: {  	(tag) =	ssettag $0x0;
	lr =	simm.s32 $0x1  }
0x2: {  	[smem:$0x3F8D] =	sst lr;
	_ =	strace $0xD0000000  }
0x3: {  	_ = 	snop  }
0x4: {  	_ = 	snop  }
0x5: {  	_ = 	snop  }
0x6: {  	_ = 	snop  }
0x7: {  	_ = 	snop  }
__scs_overlays_trampoline_lowered:
0x8: {  	[smem:$0x3F9C] =	sst s0  }
0x9: {  	[smem:$0x3F9D] =	sst s1  }
0xa: {  	[smem:$0x3F9E] =	sst s2  }
0xb: {  	[smem:$0x3F9F] =	sst s3  }
0xc: {  	[smem:$0x3FA0] =	sst s4  }
0xd: {  	[smem:$0x3FA1] =	sst s5  }
0xe: {  	[smem:$0x3FA2] =	sst s6  }
0xf: {  	[smem:$0x3FA3] =	sst s7  }
0x10: {  	[smem:$0x3FA4] =	sst s8  }
0x11: {  	[smem:$0x3FA5] =	sst s9;
	s0 =	simm.s32 @!p0 $0x0  }
0x12: {  	s1 =	sld [smem:$0x3F8B];
	s0 =	simm.s32 @p0 $0x1  }
0x13: {  	[smem:$0x3FA6] =	sst s0;
	s0 =	simm.s32 @!p1 $0x0  }
0x14: {  	s2 =	sld [smem:$0x3F8A];
	s0 =	simm.s32 @p1 $0x1  }
0x15: {  	[smem:$0x3FA7] =	sst s0;
	s0 =	simm.s32 @!p2 $0x0  }
0x16: {  	s3 =	sld [smem:$0x3FDB];
	s0 =	simm.s32 @p2 $0x1  }
0x17: {  	s4 =	simm.s32 $0x1BF5;
	[smem:$0x3FA9] =	sst s0  }
0x18: {  	s0 =	sld [smem:$0x3F8C];
	_ =	swait.ge [sflag:s4], $0x0  }
0x19: {  	s7 =	sld [smem:$0x3F8D]  }
0x1a: {  	s8 =	sadd.s32 $0xFFFFE003, lr  }
0x1b: {  	s9 =	sadd.s32 $0xFFFFFEF7, lr;
	s5 =	simm.s32 $0xFFFFFFFF;
	p2 =	slt.u32 s8, $0xFFFFF086  }
0x1c: {  	p1 =	slt.u32 s9, $0xF7A;
	s5 =	simm.s32 @!p2 $0x0  }
0x1d: {  	s5 =	simm.s32 @p1 $0x1;
	p0 =	seq.s32 s7, s2  }
0x1e: {  	s7 =	smul.u32 @!p0 $0xF7A, s2;
	p2 =	seq.s32 @!p0 s5, $0x0  }
0x1f: {  	s9 =	smul.u32 $0xF7A, s1;
	s8 =	simm.s32 @!p0 $0x1BF5;
	p2 =	por !p2, p0  }
0x20: {  	[sflag:s8] =	ssyncset.s32 @!p0 $0xFFFFF086;
	s6 =	sadd.s32 @!p0 s3, s7;
	s7 =	simm.s32 @!p0 $0x108  }
0x21: {  	s3 =	sadd.s32 s3, s9;
	s6 =	sadd.s32 @!p0 $0x88, s6;
	s7 =	simm.s32 @p2 $0x1082  }
0x22: {  	[simem:s7], [sflag:s8] =	dma.local @!p0 [hbm:s6], $0xF7A  }
0x23: {  	s9 =	sor.u32 $0xD0000000, s2;
	s6 =	simm.s32 $0x108;
	_ =	swait.ge @!p0 [sflag:s8], $0x0  }
0x24: {  	s3 =	sadd.s32 $0x88, s3;
	s6 =	simm.s32 @!p1 $0x1082;
	[sflag:s4] =	ssyncset.s32 $0xFFFFF086  }
0x25: {  	[simem:s6], [sflag:s4] =	dma.local [hbm:s3], $0xF7A  }
0x26: {  	[smem:$0x3F8D] =	sst s1;
	(tag) =	ssettag s2;
	_ =	strace s9  }
0x27: {  	s1 =	sld [smem:$0x3F9D]  }
0x28: {  	s2 =	sld [smem:$0x3F9E]  }
0x29: {  	s4 =	sld [smem:$0x3FA0]  }
0x2a: {  	p0 =	seq.s32 s5, $0x0;
	s5 =	sld [smem:$0x3FA1]  }
0x2b: {  	s6 =	sld [smem:$0x3FA2]  }
0x2c: {  	s7 =	sld [smem:$0x3FA3]  }
0x2d: {  	s3 =	simm.s32 $0x108;
	s8 =	sld [smem:$0x3FA4]  }
0x2e: {  	s3 =	simm.s32 @!p0 $0x1082;
	s9 =	sld [smem:$0x3FA5]  }
0x2f: {  	lr =	sadd.s32 s0, s3;
	s0 =	sld [smem:$0x3F9C]  }
0x30: {  	s3 =	sld [smem:$0x3F9F]  }
0x31: {  	[smem:$0x3FA8] =	sst s10  }
0x32: {  	s10 =	sld [smem:$0x3FA6];
	_ =	sdelay $0x3  }
0x33: {  	p0 =	seq.s32 s10, $0x1;
	s10 =	sld [smem:$0x3FA8];
	_ =	sdelay $0x3  }
0x34: {  	[smem:$0x3FA8] =	sst s10  }
0x35: {  	s10 =	sld [smem:$0x3FA7];
	_ =	sdelay $0x3  }
0x36: {  	p1 =	seq.s32 s10, $0x1;
	s10 =	sld [smem:$0x3FA8];
	_ =	sdelay $0x3  }
0x37: {  	[smem:$0x3FA8] =	sst s10  }
0x38: {  	s10 =	sld [smem:$0x3FA9]  }
0x39: {  	_ = 	snop;
	(pc) =	sbr.ind lr, $3  }
0x3a: {  	_ = 	snop  }
0x3b: {  	_ = 	snop  }
0x3c: {  	p2 =	seq.s32 s10, $0x1;
	s10 =	sld [smem:$0x3FA8]  }
0x3d: {  	_ =	shalt  }
0x3e: {  	_ =	shalt  }
0x3f: {  	_ =	shalt  }
0x40: {  	_ =	shalt  }
0x41: {  	_ =	shalt  }
0x42: {  	_ =	shalt  }
0x43: {  	_ =	shalt  }
0x44: {  	_ =	shalt  }
0x45: {  	_ =	shalt  }
0x46: {  	_ =	shalt  }
0x47: {  	_ =	shalt  }
0x48: {  	_ =	shalt  }
0x49: {  	_ =	shalt  }
0x4a: {  	_ =	shalt  }
0x4b: {  	_ =	shalt  }
0x4c: {  	_ =	shalt  }
0x4d: {  	_ =	shalt  }
0x4e: {  	_ =	shalt  }
0x4f: {  	_ =	shalt  }
0x50: {  	_ =	shalt  }
0x51: {  	_ =	shalt  }
0x52: {  	_ =	shalt  }
0x53: {  	_ =	shalt  }
0x54: {  	_ =	shalt  }
0x55: {  	_ =	shalt  }
0x56: {  	_ =	shalt  }
0x57: {  	_ =	shalt  }
0x58: {  	_ =	shalt  }
0x59: {  	_ =	shalt  }
0x5a: {  	_ =	shalt  }
0x5b: {  	_ =	shalt  }
0x5c: {  	_ =	shalt  }
0x5d: {  	_ =	shalt  }
0x5e: {  	_ =	shalt  }
0x5f: {  	_ =	shalt  }
0x60: {  	_ =	shalt  }
0x61: {  	_ =	shalt  }
0x62: {  	_ =	shalt  }
0x63: {  	_ =	shalt  }
0x64: {  	_ =	shalt  }
0x65: {  	_ =	shalt  }
0x66: {  	_ =	shalt  }
0x67: {  	_ =	shalt  }
0x68: {  	_ =	shalt  }
0x69: {  	_ =	shalt  }
0x6a: {  	_ =	shalt  }
0x6b: {  	_ =	shalt  }
0x6c: {  	_ =	shalt  }
0x6d: {  	_ =	shalt  }
0x6e: {  	_ =	shalt  }
0x6f: {  	_ =	shalt  }
0x70: {  	_ =	shalt  }
0x71: {  	_ =	shalt  }
0x72: {  	_ =	shalt  }
0x73: {  	_ =	shalt  }
0x74: {  	_ =	shalt  }
0x75: {  	_ =	shalt  }
0x76: {  	_ =	shalt  }
0x77: {  	_ =	shalt  }
0x78: {  	_ =	shalt  }
0x79: {  	_ =	shalt  }
0x7a: {  	_ =	shalt  }
0x7b: {  	_ =	shalt  }
0x7c: {  	_ =	shalt  }
0x7d: {  	_ =	shalt  }
0x7e: {  	_ =	shalt  }
0x7f: {  	_ =	shalt  }
0x80: {  	_ =	shalt  }
0x81: {  	_ =	shalt  }
0x82: {  	_ =	shalt  }
0x83: {  	_ =	shalt  }
0x84: {  	_ =	shalt  }
0x85: {  	_ =	shalt  }
0x86: {  	_ =	shalt  }
0x87: {  	_ =	shalt  }
.Lfunc_end0:
.L_simem_size_0:
called_computation_lowered:
.L_overlay_start_0:
0x88: {  	s0 =	sld [smem:$0x3FD9]  }
0x89: {  	s1 =	sld [smem:$0x3FFE];
	_ =	sdelay $0x3  }
0x8a: {  	s0 =	sadd.s32 s1, s0  }
0x8b: {  	[smem:$0x3FB4] =	sst s0  }
0x8c: {  	_ = 	snop  }
0x8d: {  	s14 =	sld [smem:$0x3FD0];
	(tm) =	ssettm $0x1  }
0x8e: {  	s15 =	sld [smem:$0x3FFB];
	_ =	sdelay $0x3  }
0x8f: {  	_ =	strace s15  }
0x90: {  	s0 =	sld [smem:$0x3FFC];
	_ =	sdelay $0x3  }
0x91: {  	_ =	strace s0  }
0x92: {  	s0 =	sld [smem:$0x3FFD];
	_ =	sdelay $0x3  }
0x93: {  	_ =	strace s0  }
0x94: {  	_ =	strace $0x8FFFFFFF  }
0x95: {  	s16 =	sld [smem:$0x3FDB];
	_ =	sdelay $0x1  }
0x96: {  	s2 =	simm.s32 $_scs_section_size  }
0x97: {  	s3 =	simm.s32 $_size__tile_overlayer_lowered;
	s4 =	simm.s32 $_tile_overlayer_lowered  }
0x98: {  	s5 =	simm.s32 $0x1BFF;
	s17 =	sshll.u32 s4, $0x1;
	s2 =	sadd.s32 s2, s16  }
0x99: {  	s18 =	simm.s32 $0x0;
	s3 =	sshll.u32 s3, $0x1;
	s4 =	sadd.s32 s17, s2  }
0x9a: {  	[timem:s18], [sflag:s5] =	dma.local [hbm:s4], s3  }
0x9b: {  	_ =	swait.ge [sflag:s5], s3  }
0x9c: {  	s3 =	ssub.s32 $0x0, s3;
	[sflag:s5] =	ssyncset.done $0x0  }
0x9d: {  	[sflag:s5] =	ssyncadd.s32 s3;
	_ =	sdelay $0x1  }
0x9e: {  	s19 =	simm.s32 $0x1B8B  }
0x9f: {  	_ =	swait.ge [sflag:s19], $0x1  }
0xa0: {  	[sflag:s19] =	ssyncset.done $0x0  }
0xa1: {  	s21 =	simm.s32 $0x1B8E;
	s20 =	sld [smem:$0x3FFE];
	[sflag:s19] =	ssyncadd.s32 $0xFFFFFFFF  }
0xa2: {  	s22 =	simm.s32 $execute0_lowered;
	[smem:$0x3FD2] =	sst s21  }
0xa3: {  	s4 =	sshll.u32 s22, $0x1;
	_ =	strace $0x80000046;
	[dreg:$0x1] =	wrdreg $0xFFFFFFFF  }
0xa4: {  	s23 =	simm.s32 $_size_execute0_lowered;
	s4 =	sadd.s32 s2, s4;
	[dreg:$0x0] =	wrdreg $0x0  }
0xa5: {  	s5 =	sshll.u32 s23, $0x1;
	[dreg:$0x2] =	wrdreg s4  }
0xa6: {  	[dreg:$0x3] =	wrdreg s5  }
0xa7: {  	[dreg:$0x4] =	wrdreg $0xC0  }
0xa8: {  	s24 =	simm.s32 $execute1_lowered;
	_ =	task [dreg:s18], $0x5FFFF  }
0xa9: {  	s4 =	sshll.u32 s24, $0x1;
	[dreg:$0x1] =	wrdreg $0xFFFFFFFF  }
0xaa: {  	s2 =	sadd.s32 s2, s4;
	[dreg:$0x0] =	wrdreg $0x60  }
0xab: {  	[dreg:$0x2] =	wrdreg s2  }
0xac: {  	[dreg:$0x3] =	wrdreg s14  }
0xad: {  	[dreg:$0x4] =	wrdreg s20  }
0xae: {  	[dreg:$0x5] =	wrdreg $0x9  }
0xaf: {  	_ =	task.clear_ibuf [dreg:s18], $0x6FFFF;
	_ =	strace $0x90000046  }
0xb0: {  	s25 =	simm.s32 $0x9;
	_ =	strace $0x80000048  }
0xb1: {  	_ =	swait.ge [sflag:s25], $0x1  }
0xb2: {  	[sflag:s25] =	ssyncadd.s32 $0xFFFFFFFF  }
0xb3: {  	_ =	strace $0x90000048  }
0xb4: {  	_ =	strace $0x80000049;
	[dreg:$0x1] =	wrdreg $0xFFFFFFFF  }
0xb5: {  	[dreg:$0x0] =	wrdreg $0x2030  }
0xb6: {  	[dreg:$0x2] =	wrdreg s20  }
0xb7: {  	[dreg:$0x3] =	wrdreg $0xA  }
0xb8: {  	_ =	task.clear_ibuf [dreg:s18], $0x4FFFF;
	_ =	strace $0x90000049  }
0xb9: {  	s26 =	simm.s32 $0xA;
	_ =	strace $0x8000004B  }
0xba: {  	_ =	swait.ge [sflag:s26], $0x1  }
0xbb: {  	[sflag:s26] =	ssyncadd.s32 $0xFFFFFFFF  }
0xbc: {  	_ =	strace $0x9000004B  }
0xbd: {  	_ =	sfence  }
0xbe: {  	s28 =	sld [smem:$0x0];
	_ =	sdelay $0x1  }
0xbf: {  	s29 =	srdreg.scid  }
0xc0: {  	s30 =	sshll.u32 s29, $0xD;
	s31 =	sshrl.u32 s29, $0x2  }
0xc1: {  	s3 =	sand.u32 $0x4000, s30;
	s2 =	sand.u32 $0x1, s29;
	s1 =	sadd.s32 s31, s28  }
0xc2: {  	s2 =	sor.u32 s3, s2;
	s1 =	sshll.u32 s1, $0x11  }
0xc3: {  	s1 =	sor.u32 s1, s2  }
0xc4: {  	s1 =	sadd.s32 $0x8F2B, s1  }
0xc5: {  	[sflag:s1] =	ssyncadd.remote.s32 $0x1  }
0xc6: {  	_ =	sfence.sel $0xFFFF  }
0xc7: {  	[dreg:$0x0] =	wrdreg $0xFFFFFFFF;
	(pc) =	sbr.abs _section_cstart, $3  }
0xc8: {  	[dreg:$0x1] =	wrdreg $0xFFFFFFFF  }
0xc9: {  	_ =	task.clear_ibuf [dreg:s18], $0x2FFFF;
	_ =	strace $0x9FFFFFFF  }
0xca: {  	(tm) =	ssettm $0x7FFFFFFF  }
0xcb: {  	_ =	shalt  }
tec
execute0_lowered:
.L_overlay_start_1:
0x0: {  	(tag) =	ssettag $0x1  }
0x1: {  	s3 =	rddreg [dreg:$0x0]  }
0x2: {  	s6 =	rddreg [dreg:$0x1]  }
0x3: {  	s5 =	rddreg [dreg:$0x2]  }
0x4: {  	s0 =	rddreg [dreg:$0x3];
	s2 =	stileid.u32;
	s1 =	simm.s32 $_size_execute1_lowered  }
0x5: {  	[bflag:$0x3] =	sbarrier.arrive $0xFFFF;
	p0 =	sne.s32 s2, $0x0;
	s1 =	sshll.u32 s1, $0x1  }
0x6: {  	s31 =	sshll.u32 s2, $0x3;
	s4 =	simm.s32 @!p0 $0x1C3F;
	s7 =	simm.s32 @!p0 $0x4060  }
0x7: {  	[timem:s7], [sflag:s4] =	dma.local @!p0 [hbm:s3], s1  }
0x8: {  	s7 =	ssub.s32 $0x40, s31  }
0x9: {  	p1 =	sgt.s32 s7, $0x0  }
0xa: {  	s7 =	simm.s32 @!p1 $0x0  }
0xb: {  	s7 =	sand.u32 $0x78, s7  }
0xc: {  	s10 =	simm.s32 $0x3;
	p1 =	sne.s32 s7, $0x0  }
0xd: {  	s10 =	simm.s32 @!p1 $0x2  }
0xe: {  	p3 =	sne.s32 s10, $0x1  }
.Ltmp0:
0xf: {  	s9 =	simm.s32 $0x0;
	s8 =	simm.s32 $0x1;
	(pc) =	sbr.rel @!p3 .LBB2_1-.Ltmp0, $4  }
0x10: {  	s13 =	simm.s32 $0xFFFFFFFF;
	s5 =	sadd.s32 $0x30000, s5;
	s6 =	sadd.s32 s2, s6  }
0x11: {  	s3 =	simm.s32 $0x1;
	_ =	strace $0x80000047;
	s7 =	simm.s32 $0x1  }
0x12: {  	s4 =	simm.s32 $0x2;
	[sflag:s3] =	ssyncpa.u1 $0x0;
	s7 =	simm.s32 @!p1 $0x0  }
0x13: {  	[sflag:s4] =	ssyncpa.u1 $0x0;
	p1 =	por $0x0, $0x0;
	p2 =	sle.u32 s7, $0x0  }
0x14: {  	p1 =	sle.u32 s7, $0xFFFFFFFF  }
0x15: {  	s11 =	simm.s32 @!p2 $0x8;
	s12 =	simm.s32 @!p2 $0x0;
	s13 =	simm.s32 @!p1 $0x1  }
0x16: {  	[tilespmem:s11], [sflag:$0x1] =	stream.linear.gather @!p2 [hbm4b:s6+s12], $0x8, $0x38;
	[tilespmem:$0x20] =	vst v63  }
0x17: {  	_ =	swait.ge @!p1 [sflag:s13], $0x8  }
0x18: {  	[sflag:s13] =	ssyncset.done @!p1 $0x0  }
0x19: {  	s9 =	sand.u32 @!p1 $0x8, s9;
	[sflag:s13] =	ssyncadd.s32 @!p1 $0xFFFFFFF8  }
0x1a: {  	v0 =	vld.msk @!p1 [tilespmem:s9+$0x0], $0xff;
	_ =	sdelay $0x2  }
0x1b: {  	p4 =	sne.s32 s10, $0x2  }
.Ltmp1:
0x1c: {  	p3 =	por $0x1, $0x1;
	s9 =	sor.u32 @!p1 $0x10, s9;
	(pc) =	sbr.rel @!p4 .LBB2_4-.Ltmp1, $4  }
0x1d: {  	s11 =	simm.s32 $0x2;
	s12 =	sadd.s32 @!p1 s5, s2;
	s13 =	simm.s32 @!p1 $0x0;
	[tilespmem:s9+$0x0] =	vst.msk @!p1 $0xff, v0  }
0x1e: {  	[hbm4b:s12+s13] =	stream.linear.scatter @!p1 [tilespmem:s9], [sflag:$0x2], $0x8, $0x38;
	[tilespmem:$0x20] =	vst v63  }
0x1f: {  	p2 =	sle.u32 s7, $0x1;
	s12 =	simm.s32 @!p3 $0x2;
	s9 =	simm.s32 $0x8  }
0x20: {  	s13 =	simm.s32 $0x0;
	p1 =	por $0x1, $0x1;
	_ =	swait.ge @!p3 [sflag:s12], $0x8  }
.LBB2_3:
0x21: {  	s14 =	simm.s32 @!p2 $0x8;
	p4 =	sge.u32 s13, s7;
	[sflag:s12] =	ssyncset.done @!p3 $0x0  }
0x22: {  	s13 =	simm.s32 @!p2 $0x0;
	s15 =	simm.s32 @!p4 $0x1;
	[sflag:s12] =	ssyncadd.s32 @!p3 $0xFFFFFFF8  }
0x23: {  	[tilespmem:s14], [sflag:$0x1] =	stream.linear.gather @!p2 [hbm4b:s6+s13], $0x8, $0x38;
	[tilespmem:$0x20] =	vst v63  }
0x24: {  	s13 =	smov.u32 s11;
	s11 =	sadd.s32 $0x1, s11;
	_ =	swait.ge @!p4 [sflag:s15], $0x8  }
0x25: {  	s12 =	sand.u32 @!p4 $0x8, s9;
	p5 =	sne.s32 s11, s10;
	[sflag:s15] =	ssyncset.done @!p4 $0x0  }
0x26: {  	[sflag:s15] =	ssyncadd.s32 @!p4 $0xFFFFFFF8  }
0x27: {  	v0 =	vld.msk @!p4 [tilespmem:s12+$0x0], $0xff;
	_ =	sdelay $0x2  }
.Ltmp2:
0x28: {  	s14 =	sor.u32 @!p4 $0x10, s12;
	(pc) =	sbr.rel @p5 .LBB2_3-.Ltmp2, $4  }
0x29: {  	s16 =	simm.s32 @!p4 $0x0;
	p3 =	slt.u32 s8, $0x2;
	s15 =	sadd.s32 @!p4 s5, s2  }
0x2a: {  	s9 =	sadd.s32 $0x8, s9;
	s8 =	smov.u32 s13;
	s12 =	simm.s32 @!p3 $0x2;
	[tilespmem:s14+$0x0] =	vst.msk @!p4 $0xff, v0  }
0x2b: {  	[hbm4b:s15+s16] =	stream.linear.scatter @!p4 [tilespmem:s14], [sflag:$0x2], $0x8, $0x38;
	[tilespmem:$0x20] =	vst v63  }
0x2c: {  	p2 =	sge.u32 s8, s7;
	s13 =	sadd.s32 $0xFFFFFFFF, s8;
	_ =	swait.ge @!p3 [sflag:s12], $0x8  }
.LBB2_4:
0x2d: {  	p3 =	por p3, !p1  }
0x2e: {  	s10 =	simm.s32 @!p2 $0x8;
	p1 =	sge.u32 s13, s7;
	[sflag:s12] =	ssyncset.done @!p3 $0x0  }
0x2f: {  	s7 =	simm.s32 @!p2 $0x0;
	s11 =	simm.s32 @!p1 $0x1;
	[sflag:s12] =	ssyncadd.s32 @!p3 $0xFFFFFFF8  }
0x30: {  	[tilespmem:s10], [sflag:$0x1] =	stream.linear.gather @!p2 [hbm4b:s6+s7], $0x8, $0x38;
	[tilespmem:$0x20] =	vst v63  }
0x31: {  	_ =	swait.ge @!p1 [sflag:s11], $0x8  }
0x32: {  	[sflag:s11] =	ssyncset.done @!p1 $0x0  }
0x33: {  	s6 =	sand.u32 @!p1 $0x8, s9;
	[sflag:s11] =	ssyncadd.s32 @!p1 $0xFFFFFFF8  }
0x34: {  	v0 =	vld.msk @!p1 [tilespmem:s6+$0x0], $0xff;
	_ =	sdelay $0x3  }
0x35: {  	p2 =	slt.u32 s8, $0x2;
	s6 =	sor.u32 @!p1 $0x10, s6  }
0x36: {  	s2 =	sadd.s32 @!p1 s5, s2;
	s5 =	simm.s32 @!p1 $0x0;
	s7 =	simm.s32 @!p2 $0x2;
	[tilespmem:s6+$0x0] =	vst.msk @!p1 $0xff, v0  }
0x37: {  	[hbm4b:s2+s5] =	stream.linear.scatter @!p1 [tilespmem:s6], [sflag:$0x2], $0x8, $0x38;
	[tilespmem:$0x20] =	vst v63  }
0x38: {  	_ =	swait.ge @!p2 [sflag:s7], $0x8  }
0x39: {  	[sflag:s7] =	ssyncset.done @!p2 $0x0  }
0x3a: {  	[sflag:s7] =	ssyncadd.s32 @!p2 $0xFFFFFFF8  }
0x3b: {  	_ =	sfence.sel $0x180000  }
0x3c: {  	[bflag:$0x0] =	sbarrier.arrive $0xFFFF  }
0x3d: {  	[sflag:s3] =	ssyncpa.u1 $0x1  }
0x3e: {  	[sflag:s4] =	ssyncpa.u1 $0x1  }
0x3f: {  	_ =	strace $0x90000047  }
0x40: {  	s0 =	sadd.s32 @!p0 $0x100000, s0;
	[bflag:$0x2] =	sbarrier.arrive $0xFFFF  }
0x41: {  	[sflag:s0] =	ssyncadd.tile.s32 @!p0 $0x1;
	s0 =	simm.s32 @!p0 $0x3F  }
0x42: {  	_ =	swait.ge @!p0 [sflag:s0], s1  }
0x43: {  	s1 =	ssub.s32 @!p0 $0x0, s1;
	[sflag:s0] =	ssyncset.done @!p0 $0x0  }
0x44: {  	[sflag:s0] =	ssyncadd.s32 @!p0 s1  }
0x45: {  	[bflag:$0x3] =	sbarrier.arrive $0xFFFF  }
0x46: {  	_ =	shalt  }
.LBB2_1:
.Ltmp3:
0x47: {  	(pc) =	sbr.rel .LBB2_4-.Ltmp3, $2  }
0x48: {  	_ =	sdelay $0x2  }
0x49: {  	s8 =	simm.s32 $0x0  }
.Lfunc_end2:
execute1_lowered:
.L_overlay_start_2:
0x4a: {  	(tag) =	ssettag $0x2  }
0x4b: {  	s7 =	rddreg [dreg:$0x0]  }
0x4c: {  	s0 =	rddreg [dreg:$0x1]  }
0x4d: {  	_ =	strace $0x8000004A;
	s3 =	stileid.u32;
	s4 =	simm.s32 $0x3E  }
0x4e: {  	s1 =	sadd.s32 $0x30000, s7;
	p0 =	sne.s32 s3, $0x0;
	[sflag:s4] =	ssyncpa.u1 $0x0  }
0x4f: {  	s30 =	smin.u32 s3, $0x4;
	s2 =	simm.s32 @!p0 $0x1C3E;
	s5 =	simm.s32 @!p0 $0x0  }
0x50: {  	[spmem:s5], [sflag:s2] =	dma.local @!p0 [hbm:s1], $0x10  }
0x51: {  	s2 =	sadd.s32 s3, s30  }
0x52: {  	p1 =	slt.u32 s3, $0x4;
	s3 =	simm.s32 $0x3E80;
	s2 =	smul.u32 $0x1F40, s2  }
0x53: {  	s3 =	simm.s32 @!p1 $0x1F40  }
0x54: {  	s3 =	sadd.s32 s3, s2  }
0x55: {  	s3 =	smin.u32 s3, $0x27100  }
0x56: {  	s8 =	ssub.s32 s3, s2  }
0x57: {  	p1 =	sgt.s32 s8, $0x0  }
0x58: {  	s8 =	simm.s32 @!p1 $0x0  }
0x59: {  	s5 =	simm.s32 @!p0 $0x3E;
	s31 =	smulhi.u32 $0x10624DD3, s8  }
0x5a: {  	_ =	swait.ge @!p0 [sflag:s5], $0x10  }
0x5b: {  	s6 =	simm.s32 $0x2;
	[sflag:s5] =	ssyncset.done @!p0 $0x0;
	s9 =	sshrl.u32 s31, $0x9  }
0x5c: {  	s11 =	simm.s32 $0x0;
	[sflag:s5] =	ssyncadd.s32 @!p0 $0xFFFFFFF0;
	s10 =	smul.u32 $0x1F40, s9  }
.Ltmp4:
0x5d: {  	s5 =	sadd.s32 $0x20E00, s7;
	[bflag:$0x0] =	sbarrier.arrive $0xFFFF;
	(pc) =	sbr.rel .LBB3_1-.Ltmp4, $4  }
0x5e: {  	s7 =	sadd.s32 $0x2B000, s7;
	[sflag:s4] =	ssyncpa.u1 $0x1;
	s4 =	simm.s32 $0x1  }
0x5f: {  	[sflag:s4] =	ssyncpa.u1 $0x0;
	p1 =	sne.s32 s8, s10;
	s8 =	simm.s32 $0x1  }
0x60: {  	(ifvalue) =	ssetifvalue $0x80;
	[sflag:s6] =	ssyncpa.u1 $0x0;
	s8 =	simm.s32 @!p1 $0x0  }
0x61: {  	vm0 =	vmmov $0xffff;
	s10 =	smov.u32 s2;
	s8 =	sadd.s32 s8, s9;
	s9 =	simm.s32 $0x0  }
.LBB3_5:
0x62: {  	p2 =	sne.s32 s11, s8  }
.Ltmp5:
0x63: {  	_ = 	snop;
	(pc) =	sbr.rel @!p2 .LBB3_6-.Ltmp5, $4  }
0x64: {  	_ = 	snop  }
0x65: {  	s12 =	sadd.s32 $0x1F40, s10  }
0x66: {  	s10 =	smov.u32 s2;
	s13 =	sadd.s32 $0x1, s11;
	p1 =	slt.s32 s12, s3  }
0x67: {  	s11 =	smov.u32 s13;
	s10 =	smov.u32 @p1 s12  }
.LBB3_1:
0x68: {  	p1 =	sge.u32 s11, s8  }
0x69: {  	s12 =	sxor.u32 @!p1 $0xFFFFFFFF, s11  }
0x6a: {  	s12 =	sand.u32 @!p1 $0x1, s12  }
0x6b: {  	s12 =	smul.u32 @!p1 $0x1F40, s12  }
0x6c: {  	s13 =	sshrl.u32 @!p1 s10, $0x3  }
0x6d: {  	s16 =	sand.u32 @!p1 $0x7, s10;
	s14 =	sadd.s32 @!p1 s5, s13;
	s15 =	sor.u32 @!p1 $0x8, s12  }
0x6e: {  	[tilespmem:s15], [sflag:$0x2] =	stream.linear.gather @!p1 [hbm4b:s14+s16], $0x1F40, $0x38;
	[tilespmem:$0x7D08] =	vst v63  }
0x6f: {  	s13 =	sadd.s32 @!p1 s7, s13;
	s12 =	sadd.s32 @!p1 $0x3E88, s12  }
0x70: {  	[tilespmem:s12], [sflag:$0x2] =	stream.linear.gather @!p1 [hbm4b:s13+s16], $0x1F40, $0x38;
	[tilespmem:$0x7D08] =	vst v63  }
0x71: {  	p1 =	seq.s32 s11, $0x0  }
.Ltmp6:
0x72: {  	_ = 	snop;
	(pc) =	sbr.rel @p1 .LBB3_5-.Ltmp6, $1  }
0x73: {  	_ =	sdelay $0x3  }
0x74: {  	s12 =	sand.u32 $0x1, s11  }
0x75: {  	_ =	swait.ge [sflag:s6], $0x3E80;
	p1 =	seq.s32 s12, $0x1;
	s12 =	simm.s32 $0x1F40  }
0x76: {  	[sflag:s6] =	ssyncset.done $0x0;
	s12 =	simm.s32 @!p1 $0x0  }
0x77: {  	[sflag:s6] =	ssyncadd.s32 $0xFFFFC180;
	s14 =	sor.u32 $0x8, s12  }
0x78: {  	v0 =	vld.msk [tilespmem:s14+$0x0 ss:$0x1], $0xffff;
	_ =	sdelay $0x4  }
0x79: {  	v0 =	vmin.u32 v0, $0x80;
	_ =	sdelay $0x3  }
0x7a: {  	s13 =	simm.s32 $0x0;
	s12 =	sadd.s32 $0x3E88, s12;
	s14 =	sadd.s32 $0x10, s14  }
0x7b: {  	[spmem:s9] =	stream.indirect_vreg.scatter.add.s32 [tilespmem:s12], [sflag:$0x1], $0x1, v0, vm0, $0x4038;
	[tilespmem:$0x7D08] =	vst v63  }
.LBB3_3:
0x7c: {  	v0 =	vld.msk [tilespmem:s14+$0x0 ss:$0x1], $0xffff;
	s13 =	sadd.s32 $0x10, s13  }
0x7d: {  	p1 =	slt.u32 s13, $0x1F30;
	_ =	sdelay $0x4  }
0x7e: {  	v0 =	vmin.u32 v0, $0x80  }
.Ltmp7:
0x7f: {  	(pc) =	sbr.rel @p1 .LBB3_3-.Ltmp7, $3  }
0x80: {  	_ =	sdelay $0x1  }
0x81: {  	s14 =	sadd.s32 $0x10, s14;
	s12 =	sadd.s32 $0x10, s12  }
0x82: {  	[spmem:s9] =	stream.indirect_vreg.scatter.add.s32 [tilespmem:s12], [sflag:$0x1], $0x1, v0, vm0, $0x4038;
	[tilespmem:$0x7D08] =	vst v63  }
.Ltmp8:
0x83: {  	(pc) =	sbr.rel .LBB3_5-.Ltmp8, $4  }
0x84: {  	_ = 	snop  }
0x85: {  	_ =	swait.ge [sflag:s4], $0x1F40  }
0x86: {  	[sflag:s4] =	ssyncset.done $0x0  }
0x87: {  	[sflag:s4] =	ssyncadd.s32 $0xFFFFE0C0  }
.LBB3_6:
0x88: {  	_ =	sfence.sel $0x180000  }
0x89: {  	s2 =	simm.s32 $0x2;
	[bflag:$0x0] =	sbarrier.arrive $0xFFFF  }
0x8a: {  	s30 =	simm.s32 $0x1;
	[sflag:s2] =	ssyncpa.u1 $0x1  }
0x8b: {  	[sflag:s30] =	ssyncpa.u1 $0x1  }
0x8c: {  	_ =	sfence.stream.spmem  }
0x8d: {  	s31 =	simm.s32 $0x3D;
	[bflag:$0x0] =	sbarrier.arrive $0xFFFF  }
0x8e: {  	s2 =	simm.s32 @p0 $0x3D;
	[sflag:s31] =	ssyncpa.u1 $0x0  }
0x8f: {  	[sflag:s2] =	ssyncpa.u1 @p0 $0x1  }
0x90: {  	[bflag:$0x0] =	sbarrier.arrive @p0 $0xFFFF  }
0x91: {  	_ =	strace @p0 $0x9000004A  }
0x92: {  	s3 =	simm.s32 @!p0 $0x1C3D;
	s2 =	simm.s32 @!p0 $0x0;
	[bflag:$0x2] =	sbarrier.arrive @p0 $0xFFFF  }
0x93: {  	[hbm:s1], [sflag:s3] =	dma.local @!p0 [spmem:s2], $0x10  }
0x94: {  	s1 =	simm.s32 @!p0 $0x3D  }
0x95: {  	_ =	swait.ge @!p0 [sflag:s1], $0x10  }
0x96: {  	[sflag:s1] =	ssyncset.done @!p0 $0x0  }
0x97: {  	[sflag:s1] =	ssyncadd.s32 @!p0 $0xFFFFFFF0  }
0x98: {  	[sflag:s1] =	ssyncpa.u1 @!p0 $0x1  }
0x99: {  	[bflag:$0x0] =	sbarrier.arrive @!p0 $0xFFFF  }
0x9a: {  	_ =	strace @!p0 $0x9000004A  }
0x9b: {  	s0 =	sadd.s32 @!p0 $0x100000, s0;
	[bflag:$0x2] =	sbarrier.arrive @!p0 $0xFFFF  }
0x9c: {  	[sflag:s0] =	ssyncadd.tile.s32 @!p0 $0x1;
	_ =	shalt  }
.Lfunc_end3:
_tile_overlayer_lowered:
.L_overlay_start_3:
0x9d: {  	(tag) =	ssettag $0x3  }
0x9e: {  	s0 =	rddreg [dreg:$0x0];
	s2 =	stileid.u32  }
0x9f: {  	s1 =	rddreg [dreg:$0x1];
	p0 =	sne.s32 s2, $0x0  }
0xa0: {  	s3 =	rddreg [dreg:$0x2];
	[bflag:$0x3] =	sbarrier.arrive $0xFFFF;
	s2 =	simm.s32 @!p0 $0x1C01  }
0xa1: {  	[timem:s3], [sflag:s2] =	dma.local @!p0 [hbm:s0], s1  }
0xa2: {  	s0 =	simm.s32 @!p0 $0x1  }
0xa3: {  	_ =	swait.ge @!p0 [sflag:s0], s1  }
0xa4: {  	s1 =	ssub.s32 @!p0 $0x0, s1;
	[sflag:s0] =	ssyncset.done @!p0 $0x0  }
0xa5: {  	[sflag:s0] =	ssyncadd.s32 @!p0 s1  }
0xa6: {  	[bflag:$0x3] =	sbarrier.arrive $0xFFFF  }
0xa7: {  	_ =	shalt  }

</sc_bundles>
